<compile_context>
chip_gen: v7x
topology: tpu7x:2x2x1
jax: 0.10.2.dev20260603
libtpu: 0.0.44.dev20260713+nightly
codegen_flags: <defaults>
</compile_context>

<pallas_src>
import functools

import jax
import jax.numpy as jnp
from jax import lax
from jax.experimental import pallas as pl
from jax.experimental.pallas import tpu as pltpu
from jax.experimental.pallas import tpu_sc as plsc

N = 10000
E = 320000
G = 64
IN_CH = 128
HID = 64
FC_W = 128
NCLS = 2

NC, NS = 2, 16
NW = NC * NS
K = 128
EPT = 10240
CPT = EPT // K
EP = EPT * NW
NA = 10240
ZR = NA // NS


def _make_sc_agg(C, CB, stage_src):
    mesh = plsc.VectorSubcoreMesh(
        core_axis_name="c", subcore_axis_name="s", num_cores=NC,
        num_subcores=NS)

    @functools.partial(
        pl.kernel,
        out_type=jax.ShapeDtypeStruct((NC, NA, C), jnp.float32),
        mesh=mesh,
        scratch_types=(
            ([pltpu.VMEM((CPT, K), jnp.int32)] if stage_src
             else [pltpu.VMEM((K,), jnp.int32) for _ in range(CB)])
            + [pltpu.VMEM((K,), jnp.int32) for _ in range(CB)]
            + [pltpu.VMEM((K, C), jnp.float32) for _ in range(2)]
            + [pltpu.VMEM_SHARED((NA, C), jnp.float32)]
            + [pltpu.SemaphoreType.DMA for _ in range(4 + 2 * CB)]
        ),
        compiler_params=pltpu.CompilerParams(use_tc_tiling_on_sc=False),
    )
    def agg(table, src_in, zrows, dstf, out, *rest):
        ns = 1 if stage_src else CB
        src_r = rest[:ns]
        dst_c = rest[ns:ns + CB]
        rows = rest[ns + CB:ns + CB + 2]
        acc = rest[ns + CB + 2]
        sems = rest[ns + CB + 3:]
        sem_g = sems[0:2]
        sem_s = sems[2:4]
        sem_d = sems[4:4 + CB]
        sem_i = sems[4 + CB:4 + 2 * CB]
        cid = lax.axis_index("c")
        sid = lax.axis_index("s")
        wid = sid * NC + cid
        pltpu.sync_copy(zrows, acc.at[pl.ds(sid * ZR, ZR)])
        if stage_src:
            pltpu.sync_copy(src_in.at[pl.ds(wid * CPT, CPT)], src_r[0])
        plsc.subcore_barrier()

        def body(i, carry):
            q0 = i * CB
            idx = []
            for t in range(CB):
                base = wid * EPT + (q0 + t) * K
                dd = pltpu.async_copy(
                    dstf.at[pl.ds(base, K)], dst_c[t], sem_d[t])
                sl = None
                if not stage_src:
                    sl = pltpu.async_copy(
                        src_in.at[pl.ds(base, K)], src_r[t], sem_i[t])
                idx.append((dd, sl))
            g = [None] * CB
            s = [None] * CB
            for t in range(CB):
                if t >= 2:
                    s[t - 2].wait()
                if stage_src:
                    sidx = src_r[0].at[q0 + t]
                else:
                    idx[t][1].wait()
                    sidx = src_r[t]
                g[t] = pltpu.async_copy(table.at[sidx], rows[t % 2],
                                        sem_g[t % 2])
                if t >= 1:
                    g[t - 1].wait()
                    idx[t - 1][0].wait()
                    s[t - 1] = pltpu.async_copy(
                        rows[(t - 1) % 2], acc.at[dst_c[t - 1]],
                        sem_s[(t - 1) % 2], add=True)
            g[CB - 1].wait()
            idx[CB - 1][0].wait()
            s[CB - 1] = pltpu.async_copy(
                rows[(CB - 1) % 2], acc.at[dst_c[CB - 1]],
                sem_s[(CB - 1) % 2], add=True)
            s[CB - 2].wait()
            s[CB - 1].wait()
            return carry

        lax.fori_loop(0, CPT // CB, body, 0)
        plsc.subcore_barrier()
        pltpu.sync_copy(acc.at[pl.ds(sid * ZR, ZR)],
                        out.at[cid, pl.ds(sid * ZR, ZR)])

    return agg


_SC_AGG_CACHE = {}


def _sc_agg(C, CB, stage_src):
    key = (C, CB, stage_src)
    if key not in _SC_AGG_CACHE:
        _SC_AGG_CACHE[key] = _make_sc_agg(C, CB, stage_src)
    return _SC_AGG_CACHE[key]


def _l0_body(p_ref, x_ref, mwl, mwr, vwl, vwr, mb, vb, h_out, inv_out):
    p = (p_ref[0] + p_ref[1])[:N]
    inv = 1.0 / jnp.maximum(p[:, IN_CH:IN_CH + 1], 1.0)
    agg = p[:, :IN_CH] * inv
    x = x_ref[...]
    m = jnp.maximum(agg @ mwl[...] + mb[...] + x @ mwr[...], 0.0)
    v = jnp.maximum(agg @ vwl[...] + vb[...] + x @ vwr[...], 0.0)
    h_out[...] = jnp.concatenate([m, v], axis=1)
    inv_out[...] = inv


def _layer_body(p_ref, h_ref, inv_ref, mwl, mwr, vwl, vwr, mb, vb, h_out):
    p = (p_ref[0] + p_ref[1])[:N]
    inv = inv_ref[...]
    h = h_ref[...]
    m = jnp.maximum(p[:, :HID] * inv @ mwl[...] + mb[...]
                    + h[:, :HID] @ mwr[...], 0.0)
    v = jnp.maximum(p[:, HID:] * inv @ vwl[...] + vb[...]
                    + h[:, HID:] @ vwr[...], 0.0)
    h_out[...] = jnp.concatenate([m, v], axis=1)


def _head_body(h_ref, eps_ref, b_ref, f1w, f1b, f2w, f2b, out_ref):
    h = h_ref[...]
    z = h[:, :HID] + eps_ref[...] * jnp.exp(0.5 * h[:, HID:])
    gid = lax.broadcasted_iota(jnp.int32, (N, G), 1)
    oh = (b_ref[...] == gid).astype(jnp.float32)
    zsum = lax.dot_general(oh, z, (((0,), (0,)), ((), ())))
    cnt = jnp.sum(oh, axis=0)[:, None]
    zp = zsum / jnp.maximum(cnt, 1.0)
    a = jnp.maximum(zp @ f1w[...] + f1b[...], 0.0)
    logits = a @ f2w[...] + f2b[...]
    mx = jnp.max(logits, axis=1, keepdims=True)
    lse = mx + jnp.log(jnp.sum(jnp.exp(logits - mx), axis=1, keepdims=True))
    out_ref[...] = logits - lse


_EPS_CACHE = None


def _eps():
    global _EPS_CACHE
    if _EPS_CACHE is None:
        _EPS_CACHE = jax.random.normal(
            jax.random.key(42), (N, HID), jnp.float32)
    return _EPS_CACHE


def kernel(x, edge_index, edge_attr, batch, params):
    f32 = jnp.float32
    src = edge_index[0]
    dst = edge_index[1]
    srcf = jnp.concatenate([src, jnp.zeros((EP - E,), jnp.int32)])
    srcp = srcf.reshape(EP // K, K)
    dstf = jnp.concatenate([dst, jnp.full((EP - E,), N, jnp.int32)])
    z144 = jnp.zeros((ZR, IN_CH + 16), f32)
    z128 = jnp.zeros((ZR, 2 * HID), f32)

    table0 = jnp.concatenate(
        [x, jnp.ones((N, 1), f32), jnp.zeros((N, 15), f32)], axis=1)
    p0 = _sc_agg(IN_CH + 16, 5, False)(table0, srcf, z144, dstf)

    b1 = lambda name: params[name].reshape(1, HID)
    h1, inv = pl.pallas_call(
        _l0_body,
        out_shape=(jax.ShapeDtypeStruct((N, 2 * HID), f32),
                   jax.ShapeDtypeStruct((N, 1), f32)),
    )(p0, x, params['mW_l0'], params['mW_r0'], params['vW_l0'],
      params['vW_r0'], b1('mb_l0'), b1('vb_l0'))

    h = h1
    for i in (1, 2):
        p = _sc_agg(2 * HID, 8, True)(h, srcp, z128, dstf)
        h = pl.pallas_call(
            _layer_body,
            out_shape=jax.ShapeDtypeStruct((N, 2 * HID), f32),
        )(p, h, inv, params[f'mW_l{i}'], params[f'mW_r{i}'],
          params[f'vW_l{i}'], params[f'vW_r{i}'],
          b1(f'mb_l{i}'), b1(f'vb_l{i}'))

    logp = pl.pallas_call(
        _head_body,
        out_shape=jax.ShapeDtypeStruct((G, NCLS), f32),
    )(h, _eps(), batch.reshape(N, 1), params['fc1_W'],
      params['fc1_b'].reshape(1, FC_W), params['fc2_W'],
      params['fc2_b'].reshape(1, NCLS))

    return (logp, h[:, :HID], h[:, HID:])

# --- scband reference (transcript-rebuilt; emitter-appended) ---
"""Pipeline reference for scband-gaussian-graph-sage-82377472738051 (READ-ONLY COPY).

The authoritative reference and input builder live on the scoring server;
editing this copy changes nothing except your own understanding.
"""

import jax, jax.numpy as jnp
import numpy as np

N_NODES = 10000
N_EDGES = 320000
NUM_GRAPHS = 64
IN_CH = 128
HID = 64
FC = 128
NCLS = 2
N_LAYER = 3


def _glorot(key, shape):
    lim = float(np.sqrt(6.0 / (shape[0] + shape[1])))
    return jax.random.uniform(key, shape, jnp.float32, -lim, lim)


def setup_inputs(seed: int = 0) -> dict:
    key = jax.random.key(seed)
    ks = jax.random.split(key, 40)
    x = jax.random.normal(ks[0], (N_NODES, IN_CH), jnp.float32)
    edge_index = jax.random.randint(ks[1], (2, N_EDGES), 0, N_NODES, jnp.int32)
    edge_attr = jax.random.normal(ks[2], (N_EDGES, 4), jnp.float32)
    batch = jnp.sort(jax.random.randint(ks[3], (N_NODES,), 0, NUM_GRAPHS, jnp.int32))
    params = {}
    kidx = 4
    for i in range(N_LAYER):
        din = IN_CH if i == 0 else HID
        for pref in ('m', 'v'):
            params[f'{pref}W_l{i}'] = _glorot(ks[kidx], (din, HID)); kidx += 1
            params[f'{pref}b_l{i}'] = jnp.zeros((HID,), jnp.float32)
            params[f'{pref}W_r{i}'] = _glorot(ks[kidx], (din, HID)); kidx += 1
    params['fc1_W'] = _glorot(ks[kidx], (HID, FC)); kidx += 1
    params['fc1_b'] = jnp.zeros((FC,), jnp.float32)
    params['fc2_W'] = _glorot(ks[kidx], (FC, NCLS)); kidx += 1
    params['fc2_b'] = jnp.zeros((NCLS,), jnp.float32)
    return {'x': x, 'edge_index': edge_index, 'edge_attr': edge_attr, 'batch': batch, 'params': params}


def _sage_conv(x, src, dst, W_l, b_l, W_r):
    # PyG SAGEConv (aggr='mean'): lin_l(mean_{j in N(i)} x_j) + lin_r(x_i)
    msg = x[src]
    agg = jax.ops.segment_sum(msg, dst, num_segments=N_NODES)
    deg = jax.ops.segment_sum(jnp.ones((src.shape[0],), jnp.float32), dst, num_segments=N_NODES)
    agg = agg / jnp.clip(deg, 1.0, None)[:, None]
    return agg @ W_l + b_l + x @ W_r


def reference(x, edge_index, edge_attr, batch, params):
    src = edge_index[0]
    dst = edge_index[1]
    # edge_attr is accepted but ignored by SAGEConv (matches PyG behavior)
    mean = jax.nn.relu(_sage_conv(x, src, dst, params['mW_l0'], params['mb_l0'], params['mW_r0']))
    log_var = jax.nn.relu(_sage_conv(x, src, dst, params['vW_l0'], params['vb_l0'], params['vW_r0']))
    for i in range(1, N_LAYER):
        mean = jax.nn.relu(_sage_conv(mean, src, dst, params[f'mW_l{i}'], params[f'mb_l{i}'], params[f'mW_r{i}']))
        # dropout: identity in eval mode
        log_var = jax.nn.relu(_sage_conv(log_var, src, dst, params[f'vW_l{i}'], params[f'vb_l{i}'], params[f'vW_r{i}']))
    # reparameterize with fixed eps for determinism
    eps = jax.random.normal(jax.random.key(42), mean.shape, jnp.float32)
    std = jnp.exp(0.5 * log_var)
    z = mean + eps * std
    # global_mean_pool over graph assignment
    zsum = jax.ops.segment_sum(z, batch, num_segments=NUM_GRAPHS)
    cnt = jax.ops.segment_sum(jnp.ones((N_NODES,), jnp.float32), batch, num_segments=NUM_GRAPHS)
    z = zsum / jnp.clip(cnt, 1.0, None)[:, None]
    z = jax.nn.relu(z @ params['fc1_W'] + params['fc1_b'])
    z = z @ params['fc2_W'] + params['fc2_b']
    return (jax.nn.log_softmax(z, axis=1), mean, log_var)

if __name__ == "__main__":
    import jax
    _d = setup_inputs()
    print(jax.jit(kernel)(*tuple(_d.values())))

</pallas_src>

<mosaic_0001>
#map = affine_map<(d0, d1) -> (0, 0)>
#map1 = affine_map<(d0, d1) -> (0)>
#map2 = affine_map<(d0, d1) -> (0, 0, 0)>
module attributes {stable_mosaic.version = 14 : i64} {
  func.func @agg(%arg0: i32, %arg1: i32, %arg2: memref<10000x128xf32, #tpu.memory_space<hbm>>, %arg3: memref<2560x128xi32, #tpu.memory_space<hbm>>, %arg4: memref<640x128xf32, #tpu.memory_space<hbm>>, %arg5: memref<327680xi32, #tpu.memory_space<hbm>>, %arg6: memref<2x10240x128xf32, #tpu.memory_space<hbm>>, %arg7: memref<80x128xi32, #tpu.memory_space<vmem>>, %arg8: memref<128xi32, #tpu.memory_space<vmem>>, %arg9: memref<128xi32, #tpu.memory_space<vmem>>, %arg10: memref<128xi32, #tpu.memory_space<vmem>>, %arg11: memref<128xi32, #tpu.memory_space<vmem>>, %arg12: memref<128xi32, #tpu.memory_space<vmem>>, %arg13: memref<128xi32, #tpu.memory_space<vmem>>, %arg14: memref<128xi32, #tpu.memory_space<vmem>>, %arg15: memref<128xi32, #tpu.memory_space<vmem>>, %arg16: memref<128x128xf32, #tpu.memory_space<vmem>>, %arg17: memref<128x128xf32, #tpu.memory_space<vmem>>, %arg18: memref<10240x128xf32, #tpu.memory_space<vmem_shared>>, %arg19: memref<!tpu.dma_semaphore, #tpu.memory_space<semaphore_mem>>, %arg20: memref<!tpu.dma_semaphore, #tpu.memory_space<semaphore_mem>>, %arg21: memref<!tpu.dma_semaphore, #tpu.memory_space<semaphore_mem>>, %arg22: memref<!tpu.dma_semaphore, #tpu.memory_space<semaphore_mem>>, %arg23: memref<!tpu.dma_semaphore, #tpu.memory_space<semaphore_mem>>, %arg24: memref<!tpu.dma_semaphore, #tpu.memory_space<semaphore_mem>>, %arg25: memref<!tpu.dma_semaphore, #tpu.memory_space<semaphore_mem>>, %arg26: memref<!tpu.dma_semaphore, #tpu.memory_space<semaphore_mem>>, %arg27: memref<!tpu.dma_semaphore, #tpu.memory_space<semaphore_mem>>, %arg28: memref<!tpu.dma_semaphore, #tpu.memory_space<semaphore_mem>>, %arg29: memref<!tpu.dma_semaphore, #tpu.memory_space<semaphore_mem>>, %arg30: memref<!tpu.dma_semaphore, #tpu.memory_space<semaphore_mem>>, %arg31: memref<!tpu.dma_semaphore, #tpu.memory_space<semaphore_mem>>, %arg32: memref<!tpu.dma_semaphore, #tpu.memory_space<semaphore_mem>>, %arg33: memref<!tpu.dma_semaphore, #tpu.memory_space<semaphore_mem>>, %arg34: memref<!tpu.dma_semaphore, #tpu.memory_space<semaphore_mem>>, %arg35: memref<!tpu.dma_semaphore, #tpu.memory_space<semaphore_mem>>, %arg36: memref<!tpu.dma_semaphore, #tpu.memory_space<semaphore_mem>>, %arg37: memref<!tpu.dma_semaphore, #tpu.memory_space<semaphore_mem>>, %arg38: memref<!tpu.dma_semaphore, #tpu.memory_space<semaphore_mem>>) attributes {dimension_semantics = [#tpu.dimension_semantics<core_parallel>, #tpu.dimension_semantics<subcore_parallel>], iteration_bounds = array<i64: 2, 16>, scalar_prefetch = 0 : i64, scratch_operands = 32 : i64, tpu.core_type = #tpu.core_type<sc_vector_subcore>, window_params = [{transform_indices = #map}, {transform_indices = #map}, {transform_indices = #map}, {transform_indices = #map1}, {transform_indices = #map2}]} {
    %mul3A = arith.constant 2 : i32
    %mul3A_0 = arith.muli %arg1, %mul3A : i32
    %add3A = arith.addi %mul3A_0, %arg0 : i32
    %mul3A_1 = arith.constant 640 : i32
    %mul3A_2 = arith.muli %arg1, %mul3A_1 : i32
    "tpu.region"() ({
      %run_scoped3A = tpu.sem_alloc : memref<!tpu.dma_semaphore, #tpu.memory_space<semaphore_mem>>
      %dma_start3A = arith.constant 0 : i32
      %dma_start3A_15 = tpu.memref_slice %arg18[%mul3A_2, %dma_start3A] : memref<10240x128xf32, #tpu.memory_space<vmem_shared>> -> memref<640x128xf32, #tpu.memory_space<vmem_shared>>
      tpu.enqueue_dma source(%arg4 : memref<640x128xf32, #tpu.memory_space<hbm>>) target(%dma_start3A_15 : memref<640x128xf32, #tpu.memory_space<vmem_shared>>) target_semaphore(%run_scoped3A : memref<!tpu.dma_semaphore, #tpu.memory_space<semaphore_mem>>)
      %dma_wait3A = arith.constant 0 : i32
      %dma_wait3A_16 = tpu.memref_slice %arg18[%mul3A_2, %dma_wait3A] : memref<10240x128xf32, #tpu.memory_space<vmem_shared>> -> memref<640x128xf32, #tpu.memory_space<vmem_shared>>
      tpu.wait_dma2 semaphore(%run_scoped3A : memref<!tpu.dma_semaphore, #tpu.memory_space<semaphore_mem>>) src(%arg4 : memref<640x128xf32, #tpu.memory_space<hbm>>) dst(%dma_wait3A_16 : memref<640x128xf32, #tpu.memory_space<vmem_shared>>)
      tpu.yield
    }) : () -> ()
    %mul3A_3 = arith.constant 80 : i32
    %mul3A_4 = arith.muli %add3A, %mul3A_3 : i32
    "tpu.region"() ({
      %run_scoped3A = tpu.sem_alloc : memref<!tpu.dma_semaphore, #tpu.memory_space<semaphore_mem>>
      %dma_start3A = arith.constant 0 : i32
      %dma_start3A_15 = tpu.memref_slice %arg3[%mul3A_4, %dma_start3A] : memref<2560x128xi32, #tpu.memory_space<hbm>> -> memref<80x128xi32, #tpu.memory_space<hbm>>
      %dma_start3A_16 = arith.constant 0 : i32
      %dma_start3A_17 = tpu.memref_slice %arg3[%mul3A_4, %dma_start3A_16] : memref<2560x128xi32, #tpu.memory_space<hbm>> -> memref<80x128xi32, #tpu.memory_space<hbm>>
      tpu.enqueue_dma source(%dma_start3A_17 : memref<80x128xi32, #tpu.memory_space<hbm>>) target(%arg7 : memref<80x128xi32, #tpu.memory_space<vmem>>) target_semaphore(%run_scoped3A : memref<!tpu.dma_semaphore, #tpu.memory_space<semaphore_mem>>)
      %dma_wait3A = arith.constant 0 : i32
      %dma_wait3A_18 = tpu.memref_slice %arg3[%mul3A_4, %dma_wait3A] : memref<2560x128xi32, #tpu.memory_space<hbm>> -> memref<80x128xi32, #tpu.memory_space<hbm>>
      %dma_wait3A_19 = arith.constant 0 : i32
      %dma_wait3A_20 = tpu.memref_slice %arg3[%mul3A_4, %dma_wait3A_19] : memref<2560x128xi32, #tpu.memory_space<hbm>> -> memref<80x128xi32, #tpu.memory_space<hbm>>
      tpu.wait_dma2 semaphore(%run_scoped3A : memref<!tpu.dma_semaphore, #tpu.memory_space<semaphore_mem>>) src(%dma_wait3A_20 : memref<80x128xi32, #tpu.memory_space<hbm>>) dst(%arg7 : memref<80x128xi32, #tpu.memory_space<vmem>>)
      tpu.yield
    }) : () -> ()
    %barrier3A = arith.constant 0 : index
    tpu.barrier barrier_id(%barrier3A)
    %scan3A = arith.constant 0 : i32
    %scan3A_5 = arith.constant 0 : i32
    %scan3A_6 = arith.constant 10 : i32
    %scan3A_7 = arith.addi %scan3A_5, %scan3A_6 : i32
    %scan3A_8 = arith.constant 1 : i32
    scf.for %scan3A_15 = %scan3A_5 to %scan3A_7 step %scan3A_8  : i32 {
      %mul3A_16 = arith.constant 8 : i32
      %mul3A_17 = arith.muli %scan3A_15, %mul3A_16 : i32
      %mul3A_18 = arith.constant 10240 : i32
      %mul3A_19 = arith.muli %add3A, %mul3A_18 : i32
      %add3A_20 = arith.constant 0 : i32
      %add3A_21 = arith.addi %mul3A_17, %add3A_20 : i32
      %mul3A_22 = arith.constant 128 : i32
      %mul3A_23 = arith.muli %add3A_21, %mul3A_22 : i32
      %add3A_24 = arith.addi %mul3A_19, %mul3A_23 : i32
      %dma_start3A = tpu.memref_slice %arg5[%add3A_24] : memref<327680xi32, #tpu.memory_space<hbm>> -> memref<128xi32, #tpu.memory_space<hbm>>
      %dma_start3A_25 = tpu.memref_slice %arg5[%add3A_24] : memref<327680xi32, #tpu.memory_space<hbm>> -> memref<128xi32, #tpu.memory_space<hbm>>
      tpu.enqueue_dma source(%dma_start3A_25 : memref<128xi32, #tpu.memory_space<hbm>>) target(%arg8 : memref<128xi32, #tpu.memory_space<vmem>>) target_semaphore(%arg23 : memref<!tpu.dma_semaphore, #tpu.memory_space<semaphore_mem>>)
      %mul3A_26 = arith.constant 10240 : i32
      %mul3A_27 = arith.muli %add3A, %mul3A_26 : i32
      %add3A_28 = arith.constant 1 : i32
      %add3A_29 = arith.addi %mul3A_17, %add3A_28 : i32
      %mul3A_30 = arith.constant 128 : i32
      %mul3A_31 = arith.muli %add3A_29, %mul3A_30 : i32
      %add3A_32 = arith.addi %mul3A_27, %mul3A_31 : i32
      %dma_start3A_33 = tpu.memref_slice %arg5[%add3A_32] : memref<327680xi32, #tpu.memory_space<hbm>> -> memref<128xi32, #tpu.memory_space<hbm>>
      %dma_start3A_34 = tpu.memref_slice %arg5[%add3A_32] : memref<327680xi32, #tpu.memory_space<hbm>> -> memref<128xi32, #tpu.memory_space<hbm>>
      tpu.enqueue_dma source(%dma_start3A_34 : memref<128xi32, #tpu.memory_space<hbm>>) target(%arg9 : memref<128xi32, #tpu.memory_space<vmem>>) target_semaphore(%arg24 : memref<!tpu.dma_semaphore, #tpu.memory_space<semaphore_mem>>)
      %mul3A_35 = arith.constant 10240 : i32
      %mul3A_36 = arith.muli %add3A, %mul3A_35 : i32
      %add3A_37 = arith.constant 2 : i32
      %add3A_38 = arith.addi %mul3A_17, %add3A_37 : i32
      %mul3A_39 = arith.constant 128 : i32
      %mul3A_40 = arith.muli %add3A_38, %mul3A_39 : i32
      %add3A_41 = arith.addi %mul3A_36, %mul3A_40 : i32
      %dma_start3A_42 = tpu.memref_slice %arg5[%add3A_41] : memref<327680xi32, #tpu.memory_space<hbm>> -> memref<128xi32, #tpu.memory_space<hbm>>
      %dma_start3A_43 = tpu.memref_slice %arg5[%add3A_41] : memref<327680xi32, #tpu.memory_space<hbm>> -> memref<128xi32, #tpu.memory_space<hbm>>
      tpu.enqueue_dma source(%dma_start3A_43 : memref<128xi32, #tpu.memory_space<hbm>>) target(%arg10 : memref<128xi32, #tpu.memory_space<vmem>>) target_semaphore(%arg25 : memref<!tpu.dma_semaphore, #tpu.memory_space<semaphore_mem>>)
      %mul3A_44 = arith.constant 10240 : i32
      %mul3A_45 = arith.muli %add3A, %mul3A_44 : i32
      %add3A_46 = arith.constant 3 : i32
      %add3A_47 = arith.addi %mul3A_17, %add3A_46 : i32
      %mul3A_48 = arith.constant 128 : i32
      %mul3A_49 = arith.muli %add3A_47, %mul3A_48 : i32
      %add3A_50 = arith.addi %mul3A_45, %mul3A_49 : i32
      %dma_start3A_51 = tpu.memref_slice %arg5[%add3A_50] : memref<327680xi32, #tpu.memory_space<hbm>> -> memref<128xi32, #tpu.memory_space<hbm>>
      %dma_start3A_52 = tpu.memref_slice %arg5[%add3A_50] : memref<327680xi32, #tpu.memory_space<hbm>> -> memref<128xi32, #tpu.memory_space<hbm>>
      tpu.enqueue_dma source(%dma_start3A_52 : memref<128xi32, #tpu.memory_space<hbm>>) target(%arg11 : memref<128xi32, #tpu.memory_space<vmem>>) target_semaphore(%arg26 : memref<!tpu.dma_semaphore, #tpu.memory_space<semaphore_mem>>)
      %mul3A_53 = arith.constant 10240 : i32
      %mul3A_54 = arith.muli %add3A, %mul3A_53 : i32
      %add3A_55 = arith.constant 4 : i32
      %add3A_56 = arith.addi %mul3A_17, %add3A_55 : i32
      %mul3A_57 = arith.constant 128 : i32
      %mul3A_58 = arith.muli %add3A_56, %mul3A_57 : i32
      %add3A_59 = arith.addi %mul3A_54, %mul3A_58 : i32
      %dma_start3A_60 = tpu.memref_slice %arg5[%add3A_59] : memref<327680xi32, #tpu.memory_space<hbm>> -> memref<128xi32, #tpu.memory_space<hbm>>
      %dma_start3A_61 = tpu.memref_slice %arg5[%add3A_59] : memref<327680xi32, #tpu.memory_space<hbm>> -> memref<128xi32, #tpu.memory_space<hbm>>
      tpu.enqueue_dma source(%dma_start3A_61 : memref<128xi32, #tpu.memory_space<hbm>>) target(%arg12 : memref<128xi32, #tpu.memory_space<vmem>>) target_semaphore(%arg27 : memref<!tpu.dma_semaphore, #tpu.memory_space<semaphore_mem>>)
      %mul3A_62 = arith.constant 10240 : i32
      %mul3A_63 = arith.muli %add3A, %mul3A_62 : i32
      %add3A_64 = arith.constant 5 : i32
      %add3A_65 = arith.addi %mul3A_17, %add3A_64 : i32
      %mul3A_66 = arith.constant 128 : i32
      %mul3A_67 = arith.muli %add3A_65, %mul3A_66 : i32
      %add3A_68 = arith.addi %mul3A_63, %mul3A_67 : i32
      %dma_start3A_69 = tpu.memref_slice %arg5[%add3A_68] : memref<327680xi32, #tpu.memory_space<hbm>> -> memref<128xi32, #tpu.memory_space<hbm>>
      %dma_start3A_70 = tpu.memref_slice %arg5[%add3A_68] : memref<327680xi32, #tpu.memory_space<hbm>> -> memref<128xi32, #tpu.memory_space<hbm>>
      tpu.enqueue_dma source(%dma_start3A_70 : memref<128xi32, #tpu.memory_space<hbm>>) target(%arg13 : memref<128xi32, #tpu.memory_space<vmem>>) target_semaphore(%arg28 : memref<!tpu.dma_semaphore, #tpu.memory_space<semaphore_mem>>)
      %mul3A_71 = arith.constant 10240 : i32
      %mul3A_72 = arith.muli %add3A, %mul3A_71 : i32
      %add3A_73 = arith.constant 6 : i32
      %add3A_74 = arith.addi %mul3A_17, %add3A_73 : i32
      %mul3A_75 = arith.constant 128 : i32
      %mul3A_76 = arith.muli %add3A_74, %mul3A_75 : i32
      %add3A_77 = arith.addi %mul3A_72, %mul3A_76 : i32
      %dma_start3A_78 = tpu.memref_slice %arg5[%add3A_77] : memref<327680xi32, #tpu.memory_space<hbm>> -> memref<128xi32, #tpu.memory_space<hbm>>
      %dma_start3A_79 = tpu.memref_slice %arg5[%add3A_77] : memref<327680xi32, #tpu.memory_space<hbm>> -> memref<128xi32, #tpu.memory_space<hbm>>
      tpu.enqueue_dma source(%dma_start3A_79 : memref<128xi32, #tpu.memory_space<hbm>>) target(%arg14 : memref<128xi32, #tpu.memory_space<vmem>>) target_semaphore(%arg29 : memref<!tpu.dma_semaphore, #tpu.memory_space<semaphore_mem>>)
      %mul3A_80 = arith.constant 10240 : i32
      %mul3A_81 = arith.muli %add3A, %mul3A_80 : i32
      %add3A_82 = arith.constant 7 : i32
      %add3A_83 = arith.addi %mul3A_17, %add3A_82 : i32
      %mul3A_84 = arith.constant 128 : i32
      %mul3A_85 = arith.muli %add3A_83, %mul3A_84 : i32
      %add3A_86 = arith.addi %mul3A_81, %mul3A_85 : i32
      %dma_start3A_87 = tpu.memref_slice %arg5[%add3A_86] : memref<327680xi32, #tpu.memory_space<hbm>> -> memref<128xi32, #tpu.memory_space<hbm>>
      %dma_start3A_88 = tpu.memref_slice %arg5[%add3A_86] : memref<327680xi32, #tpu.memory_space<hbm>> -> memref<128xi32, #tpu.memory_space<hbm>>
      tpu.enqueue_dma source(%dma_start3A_88 : memref<128xi32, #tpu.memory_space<hbm>>) target(%arg15 : memref<128xi32, #tpu.memory_space<vmem>>) target_semaphore(%arg30 : memref<!tpu.dma_semaphore, #tpu.memory_space<semaphore_mem>>)
      %add3A_89 = arith.constant 0 : i32
      %add3A_90 = arith.addi %mul3A_17, %add3A_89 : i32
      %dma_start3A_91 = arith.constant 0 : i32
      %dma_start3A_92 = tpu.memref_slice %arg7[%add3A_90, %dma_start3A_91] : memref<80x128xi32, #tpu.memory_space<vmem>> -> memref<1x128xi32, #tpu.memory_space<vmem>>
      %dma_start3A_93 = tpu.memref_squeeze %dma_start3A_92 : memref<1x128xi32, #tpu.memory_space<vmem>> -> memref<128xi32, #tpu.memory_space<vmem>>
      %dma_start3A_94 = arith.constant 0 : i32
      %dma_start3A_95 = arith.constant 0 : i32
      %dma_start3A_96 = tpu.memref_slice %arg2[%dma_start3A_94, %dma_start3A_95] : memref<10000x128xf32, #tpu.memory_space<hbm>> -> memref<10000x128xf32, #tpu.memory_space<hbm>>
      tpu.enqueue_indirect_dma source(%dma_start3A_96 : memref<10000x128xf32, #tpu.memory_space<hbm>>) target(%arg16 : memref<128x128xf32, #tpu.memory_space<vmem>>) offsets(%dma_start3A_93 : memref<128xi32, #tpu.memory_space<vmem>>) semaphore(%arg19 : memref<!tpu.dma_semaphore, #tpu.memory_space<semaphore_mem>>)
      %add3A_97 = arith.constant 1 : i32
      %add3A_98 = arith.addi %mul3A_17, %add3A_97 : i32
      %dma_start3A_99 = arith.constant 0 : i32
      %dma_start3A_100 = tpu.memref_slice %arg7[%add3A_98, %dma_start3A_99] : memref<80x128xi32, #tpu.memory_space<vmem>> -> memref<1x128xi32, #tpu.memory_space<vmem>>
      %dma_start3A_101 = tpu.memref_squeeze %dma_start3A_100 : memref<1x128xi32, #tpu.memory_space<vmem>> -> memref<128xi32, #tpu.memory_space<vmem>>
      %dma_start3A_102 = arith.constant 0 : i32
      %dma_start3A_103 = arith.constant 0 : i32
      %dma_start3A_104 = tpu.memref_slice %arg2[%dma_start3A_102, %dma_start3A_103] : memref<10000x128xf32, #tpu.memory_space<hbm>> -> memref<10000x128xf32, #tpu.memory_space<hbm>>
      tpu.enqueue_indirect_dma source(%dma_start3A_104 : memref<10000x128xf32, #tpu.memory_space<hbm>>) target(%arg17 : memref<128x128xf32, #tpu.memory_space<vmem>>) offsets(%dma_start3A_101 : memref<128xi32, #tpu.memory_space<vmem>>) semaphore(%arg20 : memref<!tpu.dma_semaphore, #tpu.memory_space<semaphore_mem>>)
      %dma_wait3A = arith.constant 0 : i32
      %dma_wait3A_105 = tpu.memref_slice %arg7[%add3A_90, %dma_wait3A] : memref<80x128xi32, #tpu.memory_space<vmem>> -> memref<1x128xi32, #tpu.memory_space<vmem>>
      %dma_wait3A_106 = tpu.memref_squeeze %dma_wait3A_105 : memref<1x128xi32, #tpu.memory_space<vmem>> -> memref<128xi32, #tpu.memory_space<vmem>>
      %dma_wait3A_107 = arith.constant 0 : i32
      %dma_wait3A_108 = arith.constant 0 : i32
      %dma_wait3A_109 = tpu.memref_slice %arg2[%dma_wait3A_107, %dma_wait3A_108] : memref<10000x128xf32, #tpu.memory_space<hbm>> -> memref<10000x128xf32, #tpu.memory_space<hbm>>
      tpu.wait_indirect_dma semaphore(%arg19 : memref<!tpu.dma_semaphore, #tpu.memory_space<semaphore_mem>>) src(%dma_wait3A_109 : memref<10000x128xf32, #tpu.memory_space<hbm>>) dst(%arg16 : memref<128x128xf32, #tpu.memory_space<vmem>>)
      %dma_wait3A_110 = tpu.memref_slice %arg5[%add3A_24] : memref<327680xi32, #tpu.memory_space<hbm>> -> memref<128xi32, #tpu.memory_space<hbm>>
      %dma_wait3A_111 = tpu.memref_slice %arg5[%add3A_24] : memref<327680xi32, #tpu.memory_space<hbm>> -> memref<128xi32, #tpu.memory_space<hbm>>
      tpu.wait_dma2 semaphore(%arg23 : memref<!tpu.dma_semaphore, #tpu.memory_space<semaphore_mem>>) src(%dma_wait3A_111 : memref<128xi32, #tpu.memory_space<hbm>>) dst(%arg8 : memref<128xi32, #tpu.memory_space<vmem>>)
      %dma_start3A_112 = arith.constant 0 : i32
      %dma_start3A_113 = arith.constant 0 : i32
      %dma_start3A_114 = tpu.memref_slice %arg18[%dma_start3A_112, %dma_start3A_113] : memref<10240x128xf32, #tpu.memory_space<vmem_shared>> -> memref<10240x128xf32, #tpu.memory_space<vmem_shared>>
      tpu.enqueue_indirect_dma source(%arg16 : memref<128x128xf32, #tpu.memory_space<vmem>>) target(%dma_start3A_114 : memref<10240x128xf32, #tpu.memory_space<vmem_shared>>) offsets(%arg8 : memref<128xi32, #tpu.memory_space<vmem>>) semaphore(%arg21 : memref<!tpu.dma_semaphore, #tpu.memory_space<semaphore_mem>>) {add = true}
      %dma_wait3A_115 = arith.constant 0 : i32
      %dma_wait3A_116 = arith.constant 0 : i32
      %dma_wait3A_117 = tpu.memref_slice %arg18[%dma_wait3A_115, %dma_wait3A_116] : memref<10240x128xf32, #tpu.memory_space<vmem_shared>> -> memref<10240x128xf32, #tpu.memory_space<vmem_shared>>
      tpu.wait_indirect_dma semaphore(%arg21 : memref<!tpu.dma_semaphore, #tpu.memory_space<semaphore_mem>>) src(%arg16 : memref<128x128xf32, #tpu.memory_space<vmem>>) dst(%dma_wait3A_117 : memref<10240x128xf32, #tpu.memory_space<vmem_shared>>)
      %add3A_118 = arith.constant 2 : i32
      %add3A_119 = arith.addi %mul3A_17, %add3A_118 : i32
      %dma_start3A_120 = arith.constant 0 : i32
      %dma_start3A_121 = tpu.memref_slice %arg7[%add3A_119, %dma_start3A_120] : memref<80x128xi32, #tpu.memory_space<vmem>> -> memref<1x128xi32, #tpu.memory_space<vmem>>
      %dma_start3A_122 = tpu.memref_squeeze %dma_start3A_121 : memref<1x128xi32, #tpu.memory_space<vmem>> -> memref<128xi32, #tpu.memory_space<vmem>>
      %dma_start3A_123 = arith.constant 0 : i32
      %dma_start3A_124 = arith.constant 0 : i32
      %dma_start3A_125 = tpu.memref_slice %arg2[%dma_start3A_123, %dma_start3A_124] : memref<10000x128xf32, #tpu.memory_space<hbm>> -> memref<10000x128xf32, #tpu.memory_space<hbm>>
      tpu.enqueue_indirect_dma source(%dma_start3A_125 : memref<10000x128xf32, #tpu.memory_space<hbm>>) target(%arg16 : memref<128x128xf32, #tpu.memory_space<vmem>>) offsets(%dma_start3A_122 : memref<128xi32, #tpu.memory_space<vmem>>) semaphore(%arg19 : memref<!tpu.dma_semaphore, #tpu.memory_space<semaphore_mem>>)
      %dma_wait3A_126 = arith.constant 0 : i32
      %dma_wait3A_127 = tpu.memref_slice %arg7[%add3A_98, %dma_wait3A_126] : memref<80x128xi32, #tpu.memory_space<vmem>> -> memref<1x128xi32, #tpu.memory_space<vmem>>
      %dma_wait3A_128 = tpu.memref_squeeze %dma_wait3A_127 : memref<1x128xi32, #tpu.memory_space<vmem>> -> memref<128xi32, #tpu.memory_space<vmem>>
      %dma_wait3A_129 = arith.constant 0 : i32
      %dma_wait3A_130 = arith.constant 0 : i32
      %dma_wait3A_131 = tpu.memref_slice %arg2[%dma_wait3A_129, %dma_wait3A_130] : memref<10000x128xf32, #tpu.memory_space<hbm>> -> memref<10000x128xf32, #tpu.memory_space<hbm>>
      tpu.wait_indirect_dma semaphore(%arg20 : memref<!tpu.dma_semaphore, #tpu.memory_space<semaphore_mem>>) src(%dma_wait3A_131 : memref<10000x128xf32, #tpu.memory_space<hbm>>) dst(%arg17 : memref<128x128xf32, #tpu.memory_space<vmem>>)
      %dma_wait3A_132 = tpu.memref_slice %arg5[%add3A_32] : memref<327680xi32, #tpu.memory_space<hbm>> -> memref<128xi32, #tpu.memory_space<hbm>>
      %dma_wait3A_133 = tpu.memref_slice %arg5[%add3A_32] : memref<327680xi32, #tpu.memory_space<hbm>> -> memref<128xi32, #tpu.memory_space<hbm>>
      tpu.wait_dma2 semaphore(%arg24 : memref<!tpu.dma_semaphore, #tpu.memory_space<semaphore_mem>>) src(%dma_wait3A_133 : memref<128xi32, #tpu.memory_space<hbm>>) dst(%arg9 : memref<128xi32, #tpu.memory_space<vmem>>)
      %dma_start3A_134 = arith.constant 0 : i32
      %dma_start3A_135 = arith.constant 0 : i32
      %dma_start3A_136 = tpu.memref_slice %arg18[%dma_start3A_134, %dma_start3A_135] : memref<10240x128xf32, #tpu.memory_space<vmem_shared>> -> memref<10240x128xf32, #tpu.memory_space<vmem_shared>>
      tpu.enqueue_indirect_dma source(%arg17 : memref<128x128xf32, #tpu.memory_space<vmem>>) target(%dma_start3A_136 : memref<10240x128xf32, #tpu.memory_space<vmem_shared>>) offsets(%arg9 : memref<128xi32, #tpu.memory_space<vmem>>) semaphore(%arg22 : memref<!tpu.dma_semaphore, #tpu.memory_space<semaphore_mem>>) {add = true}
      %dma_wait3A_137 = arith.constant 0 : i32
      %dma_wait3A_138 = arith.constant 0 : i32
      %dma_wait3A_139 = tpu.memref_slice %arg18[%dma_wait3A_137, %dma_wait3A_138] : memref<10240x128xf32, #tpu.memory_space<vmem_shared>> -> memref<10240x128xf32, #tpu.memory_space<vmem_shared>>
      tpu.wait_indirect_dma semaphore(%arg22 : memref<!tpu.dma_semaphore, #tpu.memory_space<semaphore_mem>>) src(%arg17 : memref<128x128xf32, #tpu.memory_space<vmem>>) dst(%dma_wait3A_139 : memref<10240x128xf32, #tpu.memory_space<vmem_shared>>)
      %add3A_140 = arith.constant 3 : i32
      %add3A_141 = arith.addi %mul3A_17, %add3A_140 : i32
      %dma_start3A_142 = arith.constant 0 : i32
      %dma_start3A_143 = tpu.memref_slice %arg7[%add3A_141, %dma_start3A_142] : memref<80x128xi32, #tpu.memory_space<vmem>> -> memref<1x128xi32, #tpu.memory_space<vmem>>
      %dma_start3A_144 = tpu.memref_squeeze %dma_start3A_143 : memref<1x128xi32, #tpu.memory_space<vmem>> -> memref<128xi32, #tpu.memory_space<vmem>>
      %dma_start3A_145 = arith.constant 0 : i32
      %dma_start3A_146 = arith.constant 0 : i32
      %dma_start3A_147 = tpu.memref_slice %arg2[%dma_start3A_145, %dma_start3A_146] : memref<10000x128xf32, #tpu.memory_space<hbm>> -> memref<10000x128xf32, #tpu.memory_space<hbm>>
      tpu.enqueue_indirect_dma source(%dma_start3A_147 : memref<10000x128xf32, #tpu.memory_space<hbm>>) target(%arg17 : memref<128x128xf32, #tpu.memory_space<vmem>>) offsets(%dma_start3A_144 : memref<128xi32, #tpu.memory_space<vmem>>) semaphore(%arg20 : memref<!tpu.dma_semaphore, #tpu.memory_space<semaphore_mem>>)
      %dma_wait3A_148 = arith.constant 0 : i32
      %dma_wait3A_149 = tpu.memref_slice %arg7[%add3A_119, %dma_wait3A_148] : memref<80x128xi32, #tpu.memory_space<vmem>> -> memref<1x128xi32, #tpu.memory_space<vmem>>
      %dma_wait3A_150 = tpu.memref_squeeze %dma_wait3A_149 : memref<1x128xi32, #tpu.memory_space<vmem>> -> memref<128xi32, #tpu.memory_space<vmem>>
      %dma_wait3A_151 = arith.constant 0 : i32
      %dma_wait3A_152 = arith.constant 0 : i32
      %dma_wait3A_153 = tpu.memref_slice %arg2[%dma_wait3A_151, %dma_wait3A_152] : memref<10000x128xf32, #tpu.memory_space<hbm>> -> memref<10000x128xf32, #tpu.memory_space<hbm>>
      tpu.wait_indirect_dma semaphore(%arg19 : memref<!tpu.dma_semaphore, #tpu.memory_space<semaphore_mem>>) src(%dma_wait3A_153 : memref<10000x128xf32, #tpu.memory_space<hbm>>) dst(%arg16 : memref<128x128xf32, #tpu.memory_space<vmem>>)
      %dma_wait3A_154 = tpu.memref_slice %arg5[%add3A_41] : memref<327680xi32, #tpu.memory_space<hbm>> -> memref<128xi32, #tpu.memory_space<hbm>>
      %dma_wait3A_155 = tpu.memref_slice %arg5[%add3A_41] : memref<327680xi32, #tpu.memory_space<hbm>> -> memref<128xi32, #tpu.memory_space<hbm>>
      tpu.wait_dma2 semaphore(%arg25 : memref<!tpu.dma_semaphore, #tpu.memory_space<semaphore_mem>>) src(%dma_wait3A_155 : memref<128xi32, #tpu.memory_space<hbm>>) dst(%arg10 : memref<128xi32, #tpu.memory_space<vmem>>)
      %dma_start3A_156 = arith.constant 0 : i32
      %dma_start3A_157 = arith.constant 0 : i32
      %dma_start3A_158 = tpu.memref_slice %arg18[%dma_start3A_156, %dma_start3A_157] : memref<10240x128xf32, #tpu.memory_space<vmem_shared>> -> memref<10240x128xf32, #tpu.memory_space<vmem_shared>>
      tpu.enqueue_indirect_dma source(%arg16 : memref<128x128xf32, #tpu.memory_space<vmem>>) target(%dma_start3A_158 : memref<10240x128xf32, #tpu.memory_space<vmem_shared>>) offsets(%arg10 : memref<128xi32, #tpu.memory_space<vmem>>) semaphore(%arg21 : memref<!tpu.dma_semaphore, #tpu.memory_space<semaphore_mem>>) {add = true}
      %dma_wait3A_159 = arith.constant 0 : i32
      %dma_wait3A_160 = arith.constant 0 : i32
      %dma_wait3A_161 = tpu.memref_slice %arg18[%dma_wait3A_159, %dma_wait3A_160] : memref<10240x128xf32, #tpu.memory_space<vmem_shared>> -> memref<10240x128xf32, #tpu.memory_space<vmem_shared>>
      tpu.wait_indirect_dma semaphore(%arg21 : memref<!tpu.dma_semaphore, #tpu.memory_space<semaphore_mem>>) src(%arg16 : memref<128x128xf32, #tpu.memory_space<vmem>>) dst(%dma_wait3A_161 : memref<10240x128xf32, #tpu.memory_space<vmem_shared>>)
      %add3A_162 = arith.constant 4 : i32
      %add3A_163 = arith.addi %mul3A_17, %add3A_162 : i32
      %dma_start3A_164 = arith.constant 0 : i32
      %dma_start3A_165 = tpu.memref_slice %arg7[%add3A_163, %dma_start3A_164] : memref<80x128xi32, #tpu.memory_space<vmem>> -> memref<1x128xi32, #tpu.memory_space<vmem>>
      %dma_start3A_166 = tpu.memref_squeeze %dma_start3A_165 : memref<1x128xi32, #tpu.memory_space<vmem>> -> memref<128xi32, #tpu.memory_space<vmem>>
      %dma_start3A_167 = arith.constant 0 : i32
      %dma_start3A_168 = arith.constant 0 : i32
      %dma_start3A_169 = tpu.memref_slice %arg2[%dma_start3A_167, %dma_start3A_168] : memref<10000x128xf32, #tpu.memory_space<hbm>> -> memref<10000x128xf32, #tpu.memory_space<hbm>>
      tpu.enqueue_indirect_dma source(%dma_start3A_169 : memref<10000x128xf32, #tpu.memory_space<hbm>>) target(%arg16 : memref<128x128xf32, #tpu.memory_space<vmem>>) offsets(%dma_start3A_166 : memref<128xi32, #tpu.memory_space<vmem>>) semaphore(%arg19 : memref<!tpu.dma_semaphore, #tpu.memory_space<semaphore_mem>>)
      %dma_wait3A_170 = arith.constant 0 : i32
      %dma_wait3A_171 = tpu.memref_slice %arg7[%add3A_141, %dma_wait3A_170] : memref<80x128xi32, #tpu.memory_space<vmem>> -> memref<1x128xi32, #tpu.memory_space<vmem>>
      %dma_wait3A_172 = tpu.memref_squeeze %dma_wait3A_171 : memref<1x128xi32, #tpu.memory_space<vmem>> -> memref<128xi32, #tpu.memory_space<vmem>>
      %dma_wait3A_173 = arith.constant 0 : i32
      %dma_wait3A_174 = arith.constant 0 : i32
      %dma_wait3A_175 = tpu.memref_slice %arg2[%dma_wait3A_173, %dma_wait3A_174] : memref<10000x128xf32, #tpu.memory_space<hbm>> -> memref<10000x128xf32, #tpu.memory_space<hbm>>
      tpu.wait_indirect_dma semaphore(%arg20 : memref<!tpu.dma_semaphore, #tpu.memory_space<semaphore_mem>>) src(%dma_wait3A_175 : memref<10000x128xf32, #tpu.memory_space<hbm>>) dst(%arg17 : memref<128x128xf32, #tpu.memory_space<vmem>>)
      %dma_wait3A_176 = tpu.memref_slice %arg5[%add3A_50] : memref<327680xi32, #tpu.memory_space<hbm>> -> memref<128xi32, #tpu.memory_space<hbm>>
      %dma_wait3A_177 = tpu.memref_slice %arg5[%add3A_50] : memref<327680xi32, #tpu.memory_space<hbm>> -> memref<128xi32, #tpu.memory_space<hbm>>
      tpu.wait_dma2 semaphore(%arg26 : memref<!tpu.dma_semaphore, #tpu.memory_space<semaphore_mem>>) src(%dma_wait3A_177 : memref<128xi32, #tpu.memory_space<hbm>>) dst(%arg11 : memref<128xi32, #tpu.memory_space<vmem>>)
      %dma_start3A_178 = arith.constant 0 : i32
      %dma_start3A_179 = arith.constant 0 : i32
      %dma_start3A_180 = tpu.memref_slice %arg18[%dma_start3A_178, %dma_start3A_179] : memref<10240x128xf32, #tpu.memory_space<vmem_shared>> -> memref<10240x128xf32, #tpu.memory_space<vmem_shared>>
      tpu.enqueue_indirect_dma source(%arg17 : memref<128x128xf32, #tpu.memory_space<vmem>>) target(%dma_start3A_180 : memref<10240x128xf32, #tpu.memory_space<vmem_shared>>) offsets(%arg11 : memref<128xi32, #tpu.memory_space<vmem>>) semaphore(%arg22 : memref<!tpu.dma_semaphore, #tpu.memory_space<semaphore_mem>>) {add = true}
      %dma_wait3A_181 = arith.constant 0 : i32
      %dma_wait3A_182 = arith.constant 0 : i32
      %dma_wait3A_183 = tpu.memref_slice %arg18[%dma_wait3A_181, %dma_wait3A_182] : memref<10240x128xf32, #tpu.memory_space<vmem_shared>> -> memref<10240x128xf32, #tpu.memory_space<vmem_shared>>
      tpu.wait_indirect_dma semaphore(%arg22 : memref<!tpu.dma_semaphore, #tpu.memory_space<semaphore_mem>>) src(%arg17 : memref<128x128xf32, #tpu.memory_space<vmem>>) dst(%dma_wait3A_183 : memref<10240x128xf32, #tpu.memory_space<vmem_shared>>)
      %add3A_184 = arith.constant 5 : i32
      %add3A_185 = arith.addi %mul3A_17, %add3A_184 : i32
      %dma_start3A_186 = arith.constant 0 : i32
      %dma_start3A_187 = tpu.memref_slice %arg7[%add3A_185, %dma_start3A_186] : memref<80x128xi32, #tpu.memory_space<vmem>> -> memref<1x128xi32, #tpu.memory_space<vmem>>
      %dma_start3A_188 = tpu.memref_squeeze %dma_start3A_187 : memref<1x128xi32, #tpu.memory_space<vmem>> -> memref<128xi32, #tpu.memory_space<vmem>>
      %dma_start3A_189 = arith.constant 0 : i32
      %dma_start3A_190 = arith.constant 0 : i32
      %dma_start3A_191 = tpu.memref_slice %arg2[%dma_start3A_189, %dma_start3A_190] : memref<10000x128xf32, #tpu.memory_space<hbm>> -> memref<10000x128xf32, #tpu.memory_space<hbm>>
      tpu.enqueue_indirect_dma source(%dma_start3A_191 : memref<10000x128xf32, #tpu.memory_space<hbm>>) target(%arg17 : memref<128x128xf32, #tpu.memory_space<vmem>>) offsets(%dma_start3A_188 : memref<128xi32, #tpu.memory_space<vmem>>) semaphore(%arg20 : memref<!tpu.dma_semaphore, #tpu.memory_space<semaphore_mem>>)
      %dma_wait3A_192 = arith.constant 0 : i32
      %dma_wait3A_193 = tpu.memref_slice %arg7[%add3A_163, %dma_wait3A_192] : memref<80x128xi32, #tpu.memory_space<vmem>> -> memref<1x128xi32, #tpu.memory_space<vmem>>
      %dma_wait3A_194 = tpu.memref_squeeze %dma_wait3A_193 : memref<1x128xi32, #tpu.memory_space<vmem>> -> memref<128xi32, #tpu.memory_space<vmem>>
      %dma_wait3A_195 = arith.constant 0 : i32
      %dma_wait3A_196 = arith.constant 0 : i32
      %dma_wait3A_197 = tpu.memref_slice %arg2[%dma_wait3A_195, %dma_wait3A_196] : memref<10000x128xf32, #tpu.memory_space<hbm>> -> memref<10000x128xf32, #tpu.memory_space<hbm>>
      tpu.wait_indirect_dma semaphore(%arg19 : memref<!tpu.dma_semaphore, #tpu.memory_space<semaphore_mem>>) src(%dma_wait3A_197 : memref<10000x128xf32, #tpu.memory_space<hbm>>) dst(%arg16 : memref<128x128xf32, #tpu.memory_space<vmem>>)
      %dma_wait3A_198 = tpu.memref_slice %arg5[%add3A_59] : memref<327680xi32, #tpu.memory_space<hbm>> -> memref<128xi32, #tpu.memory_space<hbm>>
      %dma_wait3A_199 = tpu.memref_slice %arg5[%add3A_59] : memref<327680xi32, #tpu.memory_space<hbm>> -> memref<128xi32, #tpu.memory_space<hbm>>
      tpu.wait_dma2 semaphore(%arg27 : memref<!tpu.dma_semaphore, #tpu.memory_space<semaphore_mem>>) src(%dma_wait3A_199 : memref<128xi32, #tpu.memory_space<hbm>>) dst(%arg12 : memref<128xi32, #tpu.memory_space<vmem>>)
      %dma_start3A_200 = arith.constant 0 : i32
      %dma_start3A_201 = arith.constant 0 : i32
      %dma_start3A_202 = tpu.memref_slice %arg18[%dma_start3A_200, %dma_start3A_201] : memref<10240x128xf32, #tpu.memory_space<vmem_shared>> -> memref<10240x128xf32, #tpu.memory_space<vmem_shared>>
      tpu.enqueue_indirect_dma source(%arg16 : memref<128x128xf32, #tpu.memory_space<vmem>>) target(%dma_start3A_202 : memref<10240x128xf32, #tpu.memory_space<vmem_shared>>) offsets(%arg12 : memref<128xi32, #tpu.memory_space<vmem>>) semaphore(%arg21 : memref<!tpu.dma_semaphore, #tpu.memory_space<semaphore_mem>>) {add = true}
      %dma_wait3A_203 = arith.constant 0 : i32
      %dma_wait3A_204 = arith.constant 0 : i32
      %dma_wait3A_205 = tpu.memref_slice %arg18[%dma_wait3A_203, %dma_wait3A_204] : memref<10240x128xf32, #tpu.memory_space<vmem_shared>> -> memref<10240x128xf32, #tpu.memory_space<vmem_shared>>
      tpu.wait_indirect_dma semaphore(%arg21 : memref<!tpu.dma_semaphore, #tpu.memory_space<semaphore_mem>>) src(%arg16 : memref<128x128xf32, #tpu.memory_space<vmem>>) dst(%dma_wait3A_205 : memref<10240x128xf32, #tpu.memory_space<vmem_shared>>)
      %add3A_206 = arith.constant 6 : i32
      %add3A_207 = arith.addi %mul3A_17, %add3A_206 : i32
      %dma_start3A_208 = arith.constant 0 : i32
      %dma_start3A_209 = tpu.memref_slice %arg7[%add3A_207, %dma_start3A_208] : memref<80x128xi32, #tpu.memory_space<vmem>> -> memref<1x128xi32, #tpu.memory_space<vmem>>
      %dma_start3A_210 = tpu.memref_squeeze %dma_start3A_209 : memref<1x128xi32, #tpu.memory_space<vmem>> -> memref<128xi32, #tpu.memory_space<vmem>>
      %dma_start3A_211 = arith.constant 0 : i32
      %dma_start3A_212 = arith.constant 0 : i32
      %dma_start3A_213 = tpu.memref_slice %arg2[%dma_start3A_211, %dma_start3A_212] : memref<10000x128xf32, #tpu.memory_space<hbm>> -> memref<10000x128xf32, #tpu.memory_space<hbm>>
      tpu.enqueue_indirect_dma source(%dma_start3A_213 : memref<10000x128xf32, #tpu.memory_space<hbm>>) target(%arg16 : memref<128x128xf32, #tpu.memory_space<vmem>>) offsets(%dma_start3A_210 : memref<128xi32, #tpu.memory_space<vmem>>) semaphore(%arg19 : memref<!tpu.dma_semaphore, #tpu.memory_space<semaphore_mem>>)
      %dma_wait3A_214 = arith.constant 0 : i32
      %dma_wait3A_215 = tpu.memref_slice %arg7[%add3A_185, %dma_wait3A_214] : memref<80x128xi32, #tpu.memory_space<vmem>> -> memref<1x128xi32, #tpu.memory_space<vmem>>
      %dma_wait3A_216 = tpu.memref_squeeze %dma_wait3A_215 : memref<1x128xi32, #tpu.memory_space<vmem>> -> memref<128xi32, #tpu.memory_space<vmem>>
      %dma_wait3A_217 = arith.constant 0 : i32
      %dma_wait3A_218 = arith.constant 0 : i32
      %dma_wait3A_219 = tpu.memref_slice %arg2[%dma_wait3A_217, %dma_wait3A_218] : memref<10000x128xf32, #tpu.memory_space<hbm>> -> memref<10000x128xf32, #tpu.memory_space<hbm>>
      tpu.wait_indirect_dma semaphore(%arg20 : memref<!tpu.dma_semaphore, #tpu.memory_space<semaphore_mem>>) src(%dma_wait3A_219 : memref<10000x128xf32, #tpu.memory_space<hbm>>) dst(%arg17 : memref<128x128xf32, #tpu.memory_space<vmem>>)
      %dma_wait3A_220 = tpu.memref_slice %arg5[%add3A_68] : memref<327680xi32, #tpu.memory_space<hbm>> -> memref<128xi32, #tpu.memory_space<hbm>>
      %dma_wait3A_221 = tpu.memref_slice %arg5[%add3A_68] : memref<327680xi32, #tpu.memory_space<hbm>> -> memref<128xi32, #tpu.memory_space<hbm>>
      tpu.wait_dma2 semaphore(%arg28 : memref<!tpu.dma_semaphore, #tpu.memory_space<semaphore_mem>>) src(%dma_wait3A_221 : memref<128xi32, #tpu.memory_space<hbm>>) dst(%arg13 : memref<128xi32, #tpu.memory_space<vmem>>)
      %dma_start3A_222 = arith.constant 0 : i32
      %dma_start3A_223 = arith.constant 0 : i32
      %dma_start3A_224 = tpu.memref_slice %arg18[%dma_start3A_222, %dma_start3A_223] : memref<10240x128xf32, #tpu.memory_space<vmem_shared>> -> memref<10240x128xf32, #tpu.memory_space<vmem_shared>>
      tpu.enqueue_indirect_dma source(%arg17 : memref<128x128xf32, #tpu.memory_space<vmem>>) target(%dma_start3A_224 : memref<10240x128xf32, #tpu.memory_space<vmem_shared>>) offsets(%arg13 : memref<128xi32, #tpu.memory_space<vmem>>) semaphore(%arg22 : memref<!tpu.dma_semaphore, #tpu.memory_space<semaphore_mem>>) {add = true}
      %dma_wait3A_225 = arith.constant 0 : i32
      %dma_wait3A_226 = arith.constant 0 : i32
      %dma_wait3A_227 = tpu.memref_slice %arg18[%dma_wait3A_225, %dma_wait3A_226] : memref<10240x128xf32, #tpu.memory_space<vmem_shared>> -> memref<10240x128xf32, #tpu.memory_space<vmem_shared>>
      tpu.wait_indirect_dma semaphore(%arg22 : memref<!tpu.dma_semaphore, #tpu.memory_space<semaphore_mem>>) src(%arg17 : memref<128x128xf32, #tpu.memory_space<vmem>>) dst(%dma_wait3A_227 : memref<10240x128xf32, #tpu.memory_space<vmem_shared>>)
      %add3A_228 = arith.constant 7 : i32
      %add3A_229 = arith.addi %mul3A_17, %add3A_228 : i32
      %dma_start3A_230 = arith.constant 0 : i32
      %dma_start3A_231 = tpu.memref_slice %arg7[%add3A_229, %dma_start3A_230] : memref<80x128xi32, #tpu.memory_space<vmem>> -> memref<1x128xi32, #tpu.memory_space<vmem>>
      %dma_start3A_232 = tpu.memref_squeeze %dma_start3A_231 : memref<1x128xi32, #tpu.memory_space<vmem>> -> memref<128xi32, #tpu.memory_space<vmem>>
      %dma_start3A_233 = arith.constant 0 : i32
      %dma_start3A_234 = arith.constant 0 : i32
      %dma_start3A_235 = tpu.memref_slice %arg2[%dma_start3A_233, %dma_start3A_234] : memref<10000x128xf32, #tpu.memory_space<hbm>> -> memref<10000x128xf32, #tpu.memory_space<hbm>>
      tpu.enqueue_indirect_dma source(%dma_start3A_235 : memref<10000x128xf32, #tpu.memory_space<hbm>>) target(%arg17 : memref<128x128xf32, #tpu.memory_space<vmem>>) offsets(%dma_start3A_232 : memref<128xi32, #tpu.memory_space<vmem>>) semaphore(%arg20 : memref<!tpu.dma_semaphore, #tpu.memory_space<semaphore_mem>>)
      %dma_wait3A_236 = arith.constant 0 : i32
      %dma_wait3A_237 = tpu.memref_slice %arg7[%add3A_207, %dma_wait3A_236] : memref<80x128xi32, #tpu.memory_space<vmem>> -> memref<1x128xi32, #tpu.memory_space<vmem>>
      %dma_wait3A_238 = tpu.memref_squeeze %dma_wait3A_237 : memref<1x128xi32, #tpu.memory_space<vmem>> -> memref<128xi32, #tpu.memory_space<vmem>>
      %dma_wait3A_239 = arith.constant 0 : i32
      %dma_wait3A_240 = arith.constant 0 : i32
      %dma_wait3A_241 = tpu.memref_slice %arg2[%dma_wait3A_239, %dma_wait3A_240] : memref<10000x128xf32, #tpu.memory_space<hbm>> -> memref<10000x128xf32, #tpu.memory_space<hbm>>
      tpu.wait_indirect_dma semaphore(%arg19 : memref<!tpu.dma_semaphore, #tpu.memory_space<semaphore_mem>>) src(%dma_wait3A_241 : memref<10000x128xf32, #tpu.memory_space<hbm>>) dst(%arg16 : memref<128x128xf32, #tpu.memory_space<vmem>>)
      %dma_wait3A_242 = tpu.memref_slice %arg5[%add3A_77] : memref<327680xi32, #tpu.memory_space<hbm>> -> memref<128xi32, #tpu.memory_space<hbm>>
      %dma_wait3A_243 = tpu.memref_slice %arg5[%add3A_77] : memref<327680xi32, #tpu.memory_space<hbm>> -> memref<128xi32, #tpu.memory_space<hbm>>
      tpu.wait_dma2 semaphore(%arg29 : memref<!tpu.dma_semaphore, #tpu.memory_space<semaphore_mem>>) src(%dma_wait3A_243 : memref<128xi32, #tpu.memory_space<hbm>>) dst(%arg14 : memref<128xi32, #tpu.memory_space<vmem>>)
      %dma_start3A_244 = arith.constant 0 : i32
      %dma_start3A_245 = arith.constant 0 : i32
      %dma_start3A_246 = tpu.memref_slice %arg18[%dma_start3A_244, %dma_start3A_245] : memref<10240x128xf32, #tpu.memory_space<vmem_shared>> -> memref<10240x128xf32, #tpu.memory_space<vmem_shared>>
      tpu.enqueue_indirect_dma source(%arg16 : memref<128x128xf32, #tpu.memory_space<vmem>>) target(%dma_start3A_246 : memref<10240x128xf32, #tpu.memory_space<vmem_shared>>) offsets(%arg14 : memref<128xi32, #tpu.memory_space<vmem>>) semaphore(%arg21 : memref<!tpu.dma_semaphore, #tpu.memory_space<semaphore_mem>>) {add = true}
      %dma_wait3A_247 = arith.constant 0 : i32
      %dma_wait3A_248 = tpu.memref_slice %arg7[%add3A_229, %dma_wait3A_247] : memref<80x128xi32, #tpu.memory_space<vmem>> -> memref<1x128xi32, #tpu.memory_space<vmem>>
      %dma_wait3A_249 = tpu.memref_squeeze %dma_wait3A_248 : memref<1x128xi32, #tpu.memory_space<vmem>> -> memref<128xi32, #tpu.memory_space<vmem>>
      %dma_wait3A_250 = arith.constant 0 : i32
      %dma_wait3A_251 = arith.constant 0 : i32
      %dma_wait3A_252 = tpu.memref_slice %arg2[%dma_wait3A_250, %dma_wait3A_251] : memref<10000x128xf32, #tpu.memory_space<hbm>> -> memref<10000x128xf32, #tpu.memory_space<hbm>>
      tpu.wait_indirect_dma semaphore(%arg20 : memref<!tpu.dma_semaphore, #tpu.memory_space<semaphore_mem>>) src(%dma_wait3A_252 : memref<10000x128xf32, #tpu.memory_space<hbm>>) dst(%arg17 : memref<128x128xf32, #tpu.memory_space<vmem>>)
      %dma_wait3A_253 = tpu.memref_slice %arg5[%add3A_86] : memref<327680xi32, #tpu.memory_space<hbm>> -> memref<128xi32, #tpu.memory_space<hbm>>
      %dma_wait3A_254 = tpu.memref_slice %arg5[%add3A_86] : memref<327680xi32, #tpu.memory_space<hbm>> -> memref<128xi32, #tpu.memory_space<hbm>>
      tpu.wait_dma2 semaphore(%arg30 : memref<!tpu.dma_semaphore, #tpu.memory_space<semaphore_mem>>) src(%dma_wait3A_254 : memref<128xi32, #tpu.memory_space<hbm>>) dst(%arg15 : memref<128xi32, #tpu.memory_space<vmem>>)
      %dma_start3A_255 = arith.constant 0 : i32
      %dma_start3A_256 = arith.constant 0 : i32
      %dma_start3A_257 = tpu.memref_slice %arg18[%dma_start3A_255, %dma_start3A_256] : memref<10240x128xf32, #tpu.memory_space<vmem_shared>> -> memref<10240x128xf32, #tpu.memory_space<vmem_shared>>
      tpu.enqueue_indirect_dma source(%arg17 : memref<128x128xf32, #tpu.memory_space<vmem>>) target(%dma_start3A_257 : memref<10240x128xf32, #tpu.memory_space<vmem_shared>>) offsets(%arg15 : memref<128xi32, #tpu.memory_space<vmem>>) semaphore(%arg22 : memref<!tpu.dma_semaphore, #tpu.memory_space<semaphore_mem>>) {add = true}
      %dma_wait3A_258 = arith.constant 0 : i32
      %dma_wait3A_259 = arith.constant 0 : i32
      %dma_wait3A_260 = tpu.memref_slice %arg18[%dma_wait3A_258, %dma_wait3A_259] : memref<10240x128xf32, #tpu.memory_space<vmem_shared>> -> memref<10240x128xf32, #tpu.memory_space<vmem_shared>>
      tpu.wait_indirect_dma semaphore(%arg21 : memref<!tpu.dma_semaphore, #tpu.memory_space<semaphore_mem>>) src(%arg16 : memref<128x128xf32, #tpu.memory_space<vmem>>) dst(%dma_wait3A_260 : memref<10240x128xf32, #tpu.memory_space<vmem_shared>>)
      %dma_wait3A_261 = arith.constant 0 : i32
      %dma_wait3A_262 = arith.constant 0 : i32
      %dma_wait3A_263 = tpu.memref_slice %arg18[%dma_wait3A_261, %dma_wait3A_262] : memref<10240x128xf32, #tpu.memory_space<vmem_shared>> -> memref<10240x128xf32, #tpu.memory_space<vmem_shared>>
      tpu.wait_indirect_dma semaphore(%arg22 : memref<!tpu.dma_semaphore, #tpu.memory_space<semaphore_mem>>) src(%arg17 : memref<128x128xf32, #tpu.memory_space<vmem>>) dst(%dma_wait3A_263 : memref<10240x128xf32, #tpu.memory_space<vmem_shared>>)
    }
    %scan3A_9 = arith.constant 10 : i32
    %barrier3A_10 = arith.constant 0 : index
    tpu.barrier barrier_id(%barrier3A_10)
    %mul3A_11 = arith.constant 640 : i32
    %mul3A_12 = arith.muli %arg1, %mul3A_11 : i32
    %mul3A_13 = arith.constant 640 : i32
    %mul3A_14 = arith.muli %arg1, %mul3A_13 : i32
    "tpu.region"() ({
      %run_scoped3A = tpu.sem_alloc : memref<!tpu.dma_semaphore, #tpu.memory_space<semaphore_mem>>
      %dma_start3A = arith.constant 0 : i32
      %dma_start3A_15 = tpu.memref_slice %arg6[%arg0, %mul3A_14, %dma_start3A] : memref<2x10240x128xf32, #tpu.memory_space<hbm>> -> memref<1x640x128xf32, #tpu.memory_space<hbm>>
      %dma_start3A_16 = tpu.memref_squeeze %dma_start3A_15 : memref<1x640x128xf32, #tpu.memory_space<hbm>> -> memref<640x128xf32, #tpu.memory_space<hbm>>
      %dma_start3A_17 = arith.constant 0 : i32
      %dma_start3A_18 = tpu.memref_slice %arg18[%mul3A_12, %dma_start3A_17] : memref<10240x128xf32, #tpu.memory_space<vmem_shared>> -> memref<640x128xf32, #tpu.memory_space<vmem_shared>>
      tpu.enqueue_dma source(%dma_start3A_18 : memref<640x128xf32, #tpu.memory_space<vmem_shared>>) target(%dma_start3A_16 : memref<640x128xf32, #tpu.memory_space<hbm>>) target_semaphore(%run_scoped3A : memref<!tpu.dma_semaphore, #tpu.memory_space<semaphore_mem>>)
      %dma_wait3A = arith.constant 0 : i32
      %dma_wait3A_19 = tpu.memref_slice %arg6[%arg0, %mul3A_14, %dma_wait3A] : memref<2x10240x128xf32, #tpu.memory_space<hbm>> -> memref<1x640x128xf32, #tpu.memory_space<hbm>>
      %dma_wait3A_20 = tpu.memref_squeeze %dma_wait3A_19 : memref<1x640x128xf32, #tpu.memory_space<hbm>> -> memref<640x128xf32, #tpu.memory_space<hbm>>
      %dma_wait3A_21 = arith.constant 0 : i32
      %dma_wait3A_22 = tpu.memref_slice %arg18[%mul3A_12, %dma_wait3A_21] : memref<10240x128xf32, #tpu.memory_space<vmem_shared>> -> memref<640x128xf32, #tpu.memory_space<vmem_shared>>
      tpu.wait_dma2 semaphore(%run_scoped3A : memref<!tpu.dma_semaphore, #tpu.memory_space<semaphore_mem>>) src(%dma_wait3A_22 : memref<640x128xf32, #tpu.memory_space<vmem_shared>>) dst(%dma_wait3A_20 : memref<640x128xf32, #tpu.memory_space<hbm>>)
      tpu.yield
    }) : () -> ()
    return
  }
}

#map = affine_map<(d0, d1) -> (0, 0)>
#map1 = affine_map<(d0, d1) -> (0)>
#map2 = affine_map<(d0, d1) -> (0, 0, 0)>
module attributes {stable_mosaic.version = 14 : i64} {
  func.func @agg(%arg0: i32, %arg1: i32, %arg2: memref<10000x144xf32, #tpu.memory_space<hbm>>, %arg3: memref<327680xi32, #tpu.memory_space<hbm>>, %arg4: memref<640x144xf32, #tpu.memory_space<hbm>>, %arg5: memref<327680xi32, #tpu.memory_space<hbm>>, %arg6: memref<2x10240x144xf32, #tpu.memory_space<hbm>>, %arg7: memref<128xi32, #tpu.memory_space<vmem>>, %arg8: memref<128xi32, #tpu.memory_space<vmem>>, %arg9: memref<128xi32, #tpu.memory_space<vmem>>, %arg10: memref<128xi32, #tpu.memory_space<vmem>>, %arg11: memref<128xi32, #tpu.memory_space<vmem>>, %arg12: memref<128xi32, #tpu.memory_space<vmem>>, %arg13: memref<128xi32, #tpu.memory_space<vmem>>, %arg14: memref<128xi32, #tpu.memory_space<vmem>>, %arg15: memref<128xi32, #tpu.memory_space<vmem>>, %arg16: memref<128xi32, #tpu.memory_space<vmem>>, %arg17: memref<128x144xf32, #tpu.memory_space<vmem>>, %arg18: memref<128x144xf32, #tpu.memory_space<vmem>>, %arg19: memref<10240x144xf32, #tpu.memory_space<vmem_shared>>, %arg20: memref<!tpu.dma_semaphore, #tpu.memory_space<semaphore_mem>>, %arg21: memref<!tpu.dma_semaphore, #tpu.memory_space<semaphore_mem>>, %arg22: memref<!tpu.dma_semaphore, #tpu.memory_space<semaphore_mem>>, %arg23: memref<!tpu.dma_semaphore, #tpu.memory_space<semaphore_mem>>, %arg24: memref<!tpu.dma_semaphore, #tpu.memory_space<semaphore_mem>>, %arg25: memref<!tpu.dma_semaphore, #tpu.memory_space<semaphore_mem>>, %arg26: memref<!tpu.dma_semaphore, #tpu.memory_space<semaphore_mem>>, %arg27: memref<!tpu.dma_semaphore, #tpu.memory_space<semaphore_mem>>, %arg28: memref<!tpu.dma_semaphore, #tpu.memory_space<semaphore_mem>>, %arg29: memref<!tpu.dma_semaphore, #tpu.memory_space<semaphore_mem>>, %arg30: memref<!tpu.dma_semaphore, #tpu.memory_space<semaphore_mem>>, %arg31: memref<!tpu.dma_semaphore, #tpu.memory_space<semaphore_mem>>, %arg32: memref<!tpu.dma_semaphore, #tpu.memory_space<semaphore_mem>>, %arg33: memref<!tpu.dma_semaphore, #tpu.memory_space<semaphore_mem>>) attributes {dimension_semantics = [#tpu.dimension_semantics<core_parallel>, #tpu.dimension_semantics<subcore_parallel>], iteration_bounds = array<i64: 2, 16>, scalar_prefetch = 0 : i64, scratch_operands = 27 : i64, tpu.core_type = #tpu.core_type<sc_vector_subcore>, window_params = [{transform_indices = #map}, {transform_indices = #map1}, {transform_indices = #map}, {transform_indices = #map1}, {transform_indices = #map2}]} {
    %mul3A = arith.constant 2 : i32
    %mul3A_0 = arith.muli %arg1, %mul3A : i32
    %add3A = arith.addi %mul3A_0, %arg0 : i32
    %mul3A_1 = arith.constant 640 : i32
    %mul3A_2 = arith.muli %arg1, %mul3A_1 : i32
    "tpu.region"() ({
      %run_scoped3A = tpu.sem_alloc : memref<!tpu.dma_semaphore, #tpu.memory_space<semaphore_mem>>
      %dma_start3A = arith.constant 0 : i32
      %dma_start3A_13 = tpu.memref_slice %arg19[%mul3A_2, %dma_start3A] : memref<10240x144xf32, #tpu.memory_space<vmem_shared>> -> memref<640x144xf32, #tpu.memory_space<vmem_shared>>
      tpu.enqueue_dma source(%arg4 : memref<640x144xf32, #tpu.memory_space<hbm>>) target(%dma_start3A_13 : memref<640x144xf32, #tpu.memory_space<vmem_shared>>) target_semaphore(%run_scoped3A : memref<!tpu.dma_semaphore, #tpu.memory_space<semaphore_mem>>)
      %dma_wait3A = arith.constant 0 : i32
      %dma_wait3A_14 = tpu.memref_slice %arg19[%mul3A_2, %dma_wait3A] : memref<10240x144xf32, #tpu.memory_space<vmem_shared>> -> memref<640x144xf32, #tpu.memory_space<vmem_shared>>
      tpu.wait_dma2 semaphore(%run_scoped3A : memref<!tpu.dma_semaphore, #tpu.memory_space<semaphore_mem>>) src(%arg4 : memref<640x144xf32, #tpu.memory_space<hbm>>) dst(%dma_wait3A_14 : memref<640x144xf32, #tpu.memory_space<vmem_shared>>)
      tpu.yield
    }) : () -> ()
    %barrier3A = arith.constant 0 : index
    tpu.barrier barrier_id(%barrier3A)
    %scan3A = arith.constant 0 : i32
    %scan3A_3 = arith.constant 0 : i32
    %scan3A_4 = arith.constant 16 : i32
    %scan3A_5 = arith.addi %scan3A_3, %scan3A_4 : i32
    %scan3A_6 = arith.constant 1 : i32
    scf.for %scan3A_13 = %scan3A_3 to %scan3A_5 step %scan3A_6  : i32 {
      %mul3A_14 = arith.constant 5 : i32
      %mul3A_15 = arith.muli %scan3A_13, %mul3A_14 : i32
      %mul3A_16 = arith.constant 10240 : i32
      %mul3A_17 = arith.muli %add3A, %mul3A_16 : i32
      %add3A_18 = arith.constant 0 : i32
      %add3A_19 = arith.addi %mul3A_15, %add3A_18 : i32
      %mul3A_20 = arith.constant 128 : i32
      %mul3A_21 = arith.muli %add3A_19, %mul3A_20 : i32
      %add3A_22 = arith.addi %mul3A_17, %mul3A_21 : i32
      %dma_start3A = tpu.memref_slice %arg5[%add3A_22] : memref<327680xi32, #tpu.memory_space<hbm>> -> memref<128xi32, #tpu.memory_space<hbm>>
      %dma_start3A_23 = tpu.memref_slice %arg5[%add3A_22] : memref<327680xi32, #tpu.memory_space<hbm>> -> memref<128xi32, #tpu.memory_space<hbm>>
      tpu.enqueue_dma source(%dma_start3A_23 : memref<128xi32, #tpu.memory_space<hbm>>) target(%arg12 : memref<128xi32, #tpu.memory_space<vmem>>) target_semaphore(%arg24 : memref<!tpu.dma_semaphore, #tpu.memory_space<semaphore_mem>>)
      %dma_start3A_24 = tpu.memref_slice %arg3[%add3A_22] : memref<327680xi32, #tpu.memory_space<hbm>> -> memref<128xi32, #tpu.memory_space<hbm>>
      %dma_start3A_25 = tpu.memref_slice %arg3[%add3A_22] : memref<327680xi32, #tpu.memory_space<hbm>> -> memref<128xi32, #tpu.memory_space<hbm>>
      tpu.enqueue_dma source(%dma_start3A_25 : memref<128xi32, #tpu.memory_space<hbm>>) target(%arg7 : memref<128xi32, #tpu.memory_space<vmem>>) target_semaphore(%arg29 : memref<!tpu.dma_semaphore, #tpu.memory_space<semaphore_mem>>)
      %mul3A_26 = arith.constant 10240 : i32
      %mul3A_27 = arith.muli %add3A, %mul3A_26 : i32
      %add3A_28 = arith.constant 1 : i32
      %add3A_29 = arith.addi %mul3A_15, %add3A_28 : i32
      %mul3A_30 = arith.constant 128 : i32
      %mul3A_31 = arith.muli %add3A_29, %mul3A_30 : i32
      %add3A_32 = arith.addi %mul3A_27, %mul3A_31 : i32
      %dma_start3A_33 = tpu.memref_slice %arg5[%add3A_32] : memref<327680xi32, #tpu.memory_space<hbm>> -> memref<128xi32, #tpu.memory_space<hbm>>
      %dma_start3A_34 = tpu.memref_slice %arg5[%add3A_32] : memref<327680xi32, #tpu.memory_space<hbm>> -> memref<128xi32, #tpu.memory_space<hbm>>
      tpu.enqueue_dma source(%dma_start3A_34 : memref<128xi32, #tpu.memory_space<hbm>>) target(%arg13 : memref<128xi32, #tpu.memory_space<vmem>>) target_semaphore(%arg25 : memref<!tpu.dma_semaphore, #tpu.memory_space<semaphore_mem>>)
      %dma_start3A_35 = tpu.memref_slice %arg3[%add3A_32] : memref<327680xi32, #tpu.memory_space<hbm>> -> memref<128xi32, #tpu.memory_space<hbm>>
      %dma_start3A_36 = tpu.memref_slice %arg3[%add3A_32] : memref<327680xi32, #tpu.memory_space<hbm>> -> memref<128xi32, #tpu.memory_space<hbm>>
      tpu.enqueue_dma source(%dma_start3A_36 : memref<128xi32, #tpu.memory_space<hbm>>) target(%arg8 : memref<128xi32, #tpu.memory_space<vmem>>) target_semaphore(%arg30 : memref<!tpu.dma_semaphore, #tpu.memory_space<semaphore_mem>>)
      %mul3A_37 = arith.constant 10240 : i32
      %mul3A_38 = arith.muli %add3A, %mul3A_37 : i32
      %add3A_39 = arith.constant 2 : i32
      %add3A_40 = arith.addi %mul3A_15, %add3A_39 : i32
      %mul3A_41 = arith.constant 128 : i32
      %mul3A_42 = arith.muli %add3A_40, %mul3A_41 : i32
      %add3A_43 = arith.addi %mul3A_38, %mul3A_42 : i32
      %dma_start3A_44 = tpu.memref_slice %arg5[%add3A_43] : memref<327680xi32, #tpu.memory_space<hbm>> -> memref<128xi32, #tpu.memory_space<hbm>>
      %dma_start3A_45 = tpu.memref_slice %arg5[%add3A_43] : memref<327680xi32, #tpu.memory_space<hbm>> -> memref<128xi32, #tpu.memory_space<hbm>>
      tpu.enqueue_dma source(%dma_start3A_45 : memref<128xi32, #tpu.memory_space<hbm>>) target(%arg14 : memref<128xi32, #tpu.memory_space<vmem>>) target_semaphore(%arg26 : memref<!tpu.dma_semaphore, #tpu.memory_space<semaphore_mem>>)
      %dma_start3A_46 = tpu.memref_slice %arg3[%add3A_43] : memref<327680xi32, #tpu.memory_space<hbm>> -> memref<128xi32, #tpu.memory_space<hbm>>
      %dma_start3A_47 = tpu.memref_slice %arg3[%add3A_43] : memref<327680xi32, #tpu.memory_space<hbm>> -> memref<128xi32, #tpu.memory_space<hbm>>
      tpu.enqueue_dma source(%dma_start3A_47 : memref<128xi32, #tpu.memory_space<hbm>>) target(%arg9 : memref<128xi32, #tpu.memory_space<vmem>>) target_semaphore(%arg31 : memref<!tpu.dma_semaphore, #tpu.memory_space<semaphore_mem>>)
      %mul3A_48 = arith.constant 10240 : i32
      %mul3A_49 = arith.muli %add3A, %mul3A_48 : i32
      %add3A_50 = arith.constant 3 : i32
      %add3A_51 = arith.addi %mul3A_15, %add3A_50 : i32
      %mul3A_52 = arith.constant 128 : i32
      %mul3A_53 = arith.muli %add3A_51, %mul3A_52 : i32
      %add3A_54 = arith.addi %mul3A_49, %mul3A_53 : i32
      %dma_start3A_55 = tpu.memref_slice %arg5[%add3A_54] : memref<327680xi32, #tpu.memory_space<hbm>> -> memref<128xi32, #tpu.memory_space<hbm>>
      %dma_start3A_56 = tpu.memref_slice %arg5[%add3A_54] : memref<327680xi32, #tpu.memory_space<hbm>> -> memref<128xi32, #tpu.memory_space<hbm>>
      tpu.enqueue_dma source(%dma_start3A_56 : memref<128xi32, #tpu.memory_space<hbm>>) target(%arg15 : memref<128xi32, #tpu.memory_space<vmem>>) target_semaphore(%arg27 : memref<!tpu.dma_semaphore, #tpu.memory_space<semaphore_mem>>)
      %dma_start3A_57 = tpu.memref_slice %arg3[%add3A_54] : memref<327680xi32, #tpu.memory_space<hbm>> -> memref<128xi32, #tpu.memory_space<hbm>>
      %dma_start3A_58 = tpu.memref_slice %arg3[%add3A_54] : memref<327680xi32, #tpu.memory_space<hbm>> -> memref<128xi32, #tpu.memory_space<hbm>>
      tpu.enqueue_dma source(%dma_start3A_58 : memref<128xi32, #tpu.memory_space<hbm>>) target(%arg10 : memref<128xi32, #tpu.memory_space<vmem>>) target_semaphore(%arg32 : memref<!tpu.dma_semaphore, #tpu.memory_space<semaphore_mem>>)
      %mul3A_59 = arith.constant 10240 : i32
      %mul3A_60 = arith.muli %add3A, %mul3A_59 : i32
      %add3A_61 = arith.constant 4 : i32
      %add3A_62 = arith.addi %mul3A_15, %add3A_61 : i32
      %mul3A_63 = arith.constant 128 : i32
      %mul3A_64 = arith.muli %add3A_62, %mul3A_63 : i32
      %add3A_65 = arith.addi %mul3A_60, %mul3A_64 : i32
      %dma_start3A_66 = tpu.memref_slice %arg5[%add3A_65] : memref<327680xi32, #tpu.memory_space<hbm>> -> memref<128xi32, #tpu.memory_space<hbm>>
      %dma_start3A_67 = tpu.memref_slice %arg5[%add3A_65] : memref<327680xi32, #tpu.memory_space<hbm>> -> memref<128xi32, #tpu.memory_space<hbm>>
      tpu.enqueue_dma source(%dma_start3A_67 : memref<128xi32, #tpu.memory_space<hbm>>) target(%arg16 : memref<128xi32, #tpu.memory_space<vmem>>) target_semaphore(%arg28 : memref<!tpu.dma_semaphore, #tpu.memory_space<semaphore_mem>>)
      %dma_start3A_68 = tpu.memref_slice %arg3[%add3A_65] : memref<327680xi32, #tpu.memory_space<hbm>> -> memref<128xi32, #tpu.memory_space<hbm>>
      %dma_start3A_69 = tpu.memref_slice %arg3[%add3A_65] : memref<327680xi32, #tpu.memory_space<hbm>> -> memref<128xi32, #tpu.memory_space<hbm>>
      tpu.enqueue_dma source(%dma_start3A_69 : memref<128xi32, #tpu.memory_space<hbm>>) target(%arg11 : memref<128xi32, #tpu.memory_space<vmem>>) target_semaphore(%arg33 : memref<!tpu.dma_semaphore, #tpu.memory_space<semaphore_mem>>)
      %dma_wait3A = tpu.memref_slice %arg3[%add3A_22] : memref<327680xi32, #tpu.memory_space<hbm>> -> memref<128xi32, #tpu.memory_space<hbm>>
      %dma_wait3A_70 = tpu.memref_slice %arg3[%add3A_22] : memref<327680xi32, #tpu.memory_space<hbm>> -> memref<128xi32, #tpu.memory_space<hbm>>
      tpu.wait_dma2 semaphore(%arg29 : memref<!tpu.dma_semaphore, #tpu.memory_space<semaphore_mem>>) src(%dma_wait3A_70 : memref<128xi32, #tpu.memory_space<hbm>>) dst(%arg7 : memref<128xi32, #tpu.memory_space<vmem>>)
      %dma_start3A_71 = arith.constant 0 : i32
      %dma_start3A_72 = arith.constant 0 : i32
      %dma_start3A_73 = tpu.memref_slice %arg2[%dma_start3A_71, %dma_start3A_72] : memref<10000x144xf32, #tpu.memory_space<hbm>> -> memref<10000x144xf32, #tpu.memory_space<hbm>>
      tpu.enqueue_indirect_dma source(%dma_start3A_73 : memref<10000x144xf32, #tpu.memory_space<hbm>>) target(%arg17 : memref<128x144xf32, #tpu.memory_space<vmem>>) offsets(%arg7 : memref<128xi32, #tpu.memory_space<vmem>>) semaphore(%arg20 : memref<!tpu.dma_semaphore, #tpu.memory_space<semaphore_mem>>)
      %dma_wait3A_74 = tpu.memref_slice %arg3[%add3A_32] : memref<327680xi32, #tpu.memory_space<hbm>> -> memref<128xi32, #tpu.memory_space<hbm>>
      %dma_wait3A_75 = tpu.memref_slice %arg3[%add3A_32] : memref<327680xi32, #tpu.memory_space<hbm>> -> memref<128xi32, #tpu.memory_space<hbm>>
      tpu.wait_dma2 semaphore(%arg30 : memref<!tpu.dma_semaphore, #tpu.memory_space<semaphore_mem>>) src(%dma_wait3A_75 : memref<128xi32, #tpu.memory_space<hbm>>) dst(%arg8 : memref<128xi32, #tpu.memory_space<vmem>>)
      %dma_start3A_76 = arith.constant 0 : i32
      %dma_start3A_77 = arith.constant 0 : i32
      %dma_start3A_78 = tpu.memref_slice %arg2[%dma_start3A_76, %dma_start3A_77] : memref<10000x144xf32, #tpu.memory_space<hbm>> -> memref<10000x144xf32, #tpu.memory_space<hbm>>
      tpu.enqueue_indirect_dma source(%dma_start3A_78 : memref<10000x144xf32, #tpu.memory_space<hbm>>) target(%arg18 : memref<128x144xf32, #tpu.memory_space<vmem>>) offsets(%arg8 : memref<128xi32, #tpu.memory_space<vmem>>) semaphore(%arg21 : memref<!tpu.dma_semaphore, #tpu.memory_space<semaphore_mem>>)
      %dma_wait3A_79 = arith.constant 0 : i32
      %dma_wait3A_80 = arith.constant 0 : i32
      %dma_wait3A_81 = tpu.memref_slice %arg2[%dma_wait3A_79, %dma_wait3A_80] : memref<10000x144xf32, #tpu.memory_space<hbm>> -> memref<10000x144xf32, #tpu.memory_space<hbm>>
      tpu.wait_indirect_dma semaphore(%arg20 : memref<!tpu.dma_semaphore, #tpu.memory_space<semaphore_mem>>) src(%dma_wait3A_81 : memref<10000x144xf32, #tpu.memory_space<hbm>>) dst(%arg17 : memref<128x144xf32, #tpu.memory_space<vmem>>)
      %dma_wait3A_82 = tpu.memref_slice %arg5[%add3A_22] : memref<327680xi32, #tpu.memory_space<hbm>> -> memref<128xi32, #tpu.memory_space<hbm>>
      %dma_wait3A_83 = tpu.memref_slice %arg5[%add3A_22] : memref<327680xi32, #tpu.memory_space<hbm>> -> memref<128xi32, #tpu.memory_space<hbm>>
      tpu.wait_dma2 semaphore(%arg24 : memref<!tpu.dma_semaphore, #tpu.memory_space<semaphore_mem>>) src(%dma_wait3A_83 : memref<128xi32, #tpu.memory_space<hbm>>) dst(%arg12 : memref<128xi32, #tpu.memory_space<vmem>>)
      %dma_start3A_84 = arith.constant 0 : i32
      %dma_start3A_85 = arith.constant 0 : i32
      %dma_start3A_86 = tpu.memref_slice %arg19[%dma_start3A_84, %dma_start3A_85] : memref<10240x144xf32, #tpu.memory_space<vmem_shared>> -> memref<10240x144xf32, #tpu.memory_space<vmem_shared>>
      tpu.enqueue_indirect_dma source(%arg17 : memref<128x144xf32, #tpu.memory_space<vmem>>) target(%dma_start3A_86 : memref<10240x144xf32, #tpu.memory_space<vmem_shared>>) offsets(%arg12 : memref<128xi32, #tpu.memory_space<vmem>>) semaphore(%arg22 : memref<!tpu.dma_semaphore, #tpu.memory_space<semaphore_mem>>) {add = true}
      %dma_wait3A_87 = arith.constant 0 : i32
      %dma_wait3A_88 = arith.constant 0 : i32
      %dma_wait3A_89 = tpu.memref_slice %arg19[%dma_wait3A_87, %dma_wait3A_88] : memref<10240x144xf32, #tpu.memory_space<vmem_shared>> -> memref<10240x144xf32, #tpu.memory_space<vmem_shared>>
      tpu.wait_indirect_dma semaphore(%arg22 : memref<!tpu.dma_semaphore, #tpu.memory_space<semaphore_mem>>) src(%arg17 : memref<128x144xf32, #tpu.memory_space<vmem>>) dst(%dma_wait3A_89 : memref<10240x144xf32, #tpu.memory_space<vmem_shared>>)
      %dma_wait3A_90 = tpu.memref_slice %arg3[%add3A_43] : memref<327680xi32, #tpu.memory_space<hbm>> -> memref<128xi32, #tpu.memory_space<hbm>>
      %dma_wait3A_91 = tpu.memref_slice %arg3[%add3A_43] : memref<327680xi32, #tpu.memory_space<hbm>> -> memref<128xi32, #tpu.memory_space<hbm>>
      tpu.wait_dma2 semaphore(%arg31 : memref<!tpu.dma_semaphore, #tpu.memory_space<semaphore_mem>>) src(%dma_wait3A_91 : memref<128xi32, #tpu.memory_space<hbm>>) dst(%arg9 : memref<128xi32, #tpu.memory_space<vmem>>)
      %dma_start3A_92 = arith.constant 0 : i32
      %dma_start3A_93 = arith.constant 0 : i32
      %dma_start3A_94 = tpu.memref_slice %arg2[%dma_start3A_92, %dma_start3A_93] : memref<10000x144xf32, #tpu.memory_space<hbm>> -> memref<10000x144xf32, #tpu.memory_space<hbm>>
      tpu.enqueue_indirect_dma source(%dma_start3A_94 : memref<10000x144xf32, #tpu.memory_space<hbm>>) target(%arg17 : memref<128x144xf32, #tpu.memory_space<vmem>>) offsets(%arg9 : memref<128xi32, #tpu.memory_space<vmem>>) semaphore(%arg20 : memref<!tpu.dma_semaphore, #tpu.memory_space<semaphore_mem>>)
      %dma_wait3A_95 = arith.constant 0 : i32
      %dma_wait3A_96 = arith.constant 0 : i32
      %dma_wait3A_97 = tpu.memref_slice %arg2[%dma_wait3A_95, %dma_wait3A_96] : memref<10000x144xf32, #tpu.memory_space<hbm>> -> memref<10000x144xf32, #tpu.memory_space<hbm>>
      tpu.wait_indirect_dma semaphore(%arg21 : memref<!tpu.dma_semaphore, #tpu.memory_space<semaphore_mem>>) src(%dma_wait3A_97 : memref<10000x144xf32, #tpu.memory_space<hbm>>) dst(%arg18 : memref<128x144xf32, #tpu.memory_space<vmem>>)
      %dma_wait3A_98 = tpu.memref_slice %arg5[%add3A_32] : memref<327680xi32, #tpu.memory_space<hbm>> -> memref<128xi32, #tpu.memory_space<hbm>>
      %dma_wait3A_99 = tpu.memref_slice %arg5[%add3A_32] : memref<327680xi32, #tpu.memory_space<hbm>> -> memref<128xi32, #tpu.memory_space<hbm>>
      tpu.wait_dma2 semaphore(%arg25 : memref<!tpu.dma_semaphore, #tpu.memory_space<semaphore_mem>>) src(%dma_wait3A_99 : memref<128xi32, #tpu.memory_space<hbm>>) dst(%arg13 : memref<128xi32, #tpu.memory_space<vmem>>)
      %dma_start3A_100 = arith.constant 0 : i32
      %dma_start3A_101 = arith.constant 0 : i32
      %dma_start3A_102 = tpu.memref_slice %arg19[%dma_start3A_100, %dma_start3A_101] : memref<10240x144xf32, #tpu.memory_space<vmem_shared>> -> memref<10240x144xf32, #tpu.memory_space<vmem_shared>>
      tpu.enqueue_indirect_dma source(%arg18 : memref<128x144xf32, #tpu.memory_space<vmem>>) target(%dma_start3A_102 : memref<10240x144xf32, #tpu.memory_space<vmem_shared>>) offsets(%arg13 : memref<128xi32, #tpu.memory_space<vmem>>) semaphore(%arg23 : memref<!tpu.dma_semaphore, #tpu.memory_space<semaphore_mem>>) {add = true}
      %dma_wait3A_103 = arith.constant 0 : i32
      %dma_wait3A_104 = arith.constant 0 : i32
      %dma_wait3A_105 = tpu.memref_slice %arg19[%dma_wait3A_103, %dma_wait3A_104] : memref<10240x144xf32, #tpu.memory_space<vmem_shared>> -> memref<10240x144xf32, #tpu.memory_space<vmem_shared>>
      tpu.wait_indirect_dma semaphore(%arg23 : memref<!tpu.dma_semaphore, #tpu.memory_space<semaphore_mem>>) src(%arg18 : memref<128x144xf32, #tpu.memory_space<vmem>>) dst(%dma_wait3A_105 : memref<10240x144xf32, #tpu.memory_space<vmem_shared>>)
      %dma_wait3A_106 = tpu.memref_slice %arg3[%add3A_54] : memref<327680xi32, #tpu.memory_space<hbm>> -> memref<128xi32, #tpu.memory_space<hbm>>
      %dma_wait3A_107 = tpu.memref_slice %arg3[%add3A_54] : memref<327680xi32, #tpu.memory_space<hbm>> -> memref<128xi32, #tpu.memory_space<hbm>>
      tpu.wait_dma2 semaphore(%arg32 : memref<!tpu.dma_semaphore, #tpu.memory_space<semaphore_mem>>) src(%dma_wait3A_107 : memref<128xi32, #tpu.memory_space<hbm>>) dst(%arg10 : memref<128xi32, #tpu.memory_space<vmem>>)
      %dma_start3A_108 = arith.constant 0 : i32
      %dma_start3A_109 = arith.constant 0 : i32
      %dma_start3A_110 = tpu.memref_slice %arg2[%dma_start3A_108, %dma_start3A_109] : memref<10000x144xf32, #tpu.memory_space<hbm>> -> memref<10000x144xf32, #tpu.memory_space<hbm>>
      tpu.enqueue_indirect_dma source(%dma_start3A_110 : memref<10000x144xf32, #tpu.memory_space<hbm>>) target(%arg18 : memref<128x144xf32, #tpu.memory_space<vmem>>) offsets(%arg10 : memref<128xi32, #tpu.memory_space<vmem>>) semaphore(%arg21 : memref<!tpu.dma_semaphore, #tpu.memory_space<semaphore_mem>>)
      %dma_wait3A_111 = arith.constant 0 : i32
      %dma_wait3A_112 = arith.constant 0 : i32
      %dma_wait3A_113 = tpu.memref_slice %arg2[%dma_wait3A_111, %dma_wait3A_112] : memref<10000x144xf32, #tpu.memory_space<hbm>> -> memref<10000x144xf32, #tpu.memory_space<hbm>>
      tpu.wait_indirect_dma semaphore(%arg20 : memref<!tpu.dma_semaphore, #tpu.memory_space<semaphore_mem>>) src(%dma_wait3A_113 : memref<10000x144xf32, #tpu.memory_space<hbm>>) dst(%arg17 : memref<128x144xf32, #tpu.memory_space<vmem>>)
      %dma_wait3A_114 = tpu.memref_slice %arg5[%add3A_43] : memref<327680xi32, #tpu.memory_space<hbm>> -> memref<128xi32, #tpu.memory_space<hbm>>
      %dma_wait3A_115 = tpu.memref_slice %arg5[%add3A_43] : memref<327680xi32, #tpu.memory_space<hbm>> -> memref<128xi32, #tpu.memory_space<hbm>>
      tpu.wait_dma2 semaphore(%arg26 : memref<!tpu.dma_semaphore, #tpu.memory_space<semaphore_mem>>) src(%dma_wait3A_115 : memref<128xi32, #tpu.memory_space<hbm>>) dst(%arg14 : memref<128xi32, #tpu.memory_space<vmem>>)
      %dma_start3A_116 = arith.constant 0 : i32
      %dma_start3A_117 = arith.constant 0 : i32
      %dma_start3A_118 = tpu.memref_slice %arg19[%dma_start3A_116, %dma_start3A_117] : memref<10240x144xf32, #tpu.memory_space<vmem_shared>> -> memref<10240x144xf32, #tpu.memory_space<vmem_shared>>
      tpu.enqueue_indirect_dma source(%arg17 : memref<128x144xf32, #tpu.memory_space<vmem>>) target(%dma_start3A_118 : memref<10240x144xf32, #tpu.memory_space<vmem_shared>>) offsets(%arg14 : memref<128xi32, #tpu.memory_space<vmem>>) semaphore(%arg22 : memref<!tpu.dma_semaphore, #tpu.memory_space<semaphore_mem>>) {add = true}
      %dma_wait3A_119 = arith.constant 0 : i32
      %dma_wait3A_120 = arith.constant 0 : i32
      %dma_wait3A_121 = tpu.memref_slice %arg19[%dma_wait3A_119, %dma_wait3A_120] : memref<10240x144xf32, #tpu.memory_space<vmem_shared>> -> memref<10240x144xf32, #tpu.memory_space<vmem_shared>>
      tpu.wait_indirect_dma semaphore(%arg22 : memref<!tpu.dma_semaphore, #tpu.memory_space<semaphore_mem>>) src(%arg17 : memref<128x144xf32, #tpu.memory_space<vmem>>) dst(%dma_wait3A_121 : memref<10240x144xf32, #tpu.memory_space<vmem_shared>>)
      %dma_wait3A_122 = tpu.memref_slice %arg3[%add3A_65] : memref<327680xi32, #tpu.memory_space<hbm>> -> memref<128xi32, #tpu.memory_space<hbm>>
      %dma_wait3A_123 = tpu.memref_slice %arg3[%add3A_65] : memref<327680xi32, #tpu.memory_space<hbm>> -> memref<128xi32, #tpu.memory_space<hbm>>
      tpu.wait_dma2 semaphore(%arg33 : memref<!tpu.dma_semaphore, #tpu.memory_space<semaphore_mem>>) src(%dma_wait3A_123 : memref<128xi32, #tpu.memory_space<hbm>>) dst(%arg11 : memref<128xi32, #tpu.memory_space<vmem>>)
      %dma_start3A_124 = arith.constant 0 : i32
      %dma_start3A_125 = arith.constant 0 : i32
      %dma_start3A_126 = tpu.memref_slice %arg2[%dma_start3A_124, %dma_start3A_125] : memref<10000x144xf32, #tpu.memory_space<hbm>> -> memref<10000x144xf32, #tpu.memory_space<hbm>>
      tpu.enqueue_indirect_dma source(%dma_start3A_126 : memref<10000x144xf32, #tpu.memory_space<hbm>>) target(%arg17 : memref<128x144xf32, #tpu.memory_space<vmem>>) offsets(%arg11 : memref<128xi32, #tpu.memory_space<vmem>>) semaphore(%arg20 : memref<!tpu.dma_semaphore, #tpu.memory_space<semaphore_mem>>)
      %dma_wait3A_127 = arith.constant 0 : i32
      %dma_wait3A_128 = arith.constant 0 : i32
      %dma_wait3A_129 = tpu.memref_slice %arg2[%dma_wait3A_127, %dma_wait3A_128] : memref<10000x144xf32, #tpu.memory_space<hbm>> -> memref<10000x144xf32, #tpu.memory_space<hbm>>
      tpu.wait_indirect_dma semaphore(%arg21 : memref<!tpu.dma_semaphore, #tpu.memory_space<semaphore_mem>>) src(%dma_wait3A_129 : memref<10000x144xf32, #tpu.memory_space<hbm>>) dst(%arg18 : memref<128x144xf32, #tpu.memory_space<vmem>>)
      %dma_wait3A_130 = tpu.memref_slice %arg5[%add3A_54] : memref<327680xi32, #tpu.memory_space<hbm>> -> memref<128xi32, #tpu.memory_space<hbm>>
      %dma_wait3A_131 = tpu.memref_slice %arg5[%add3A_54] : memref<327680xi32, #tpu.memory_space<hbm>> -> memref<128xi32, #tpu.memory_space<hbm>>
      tpu.wait_dma2 semaphore(%arg27 : memref<!tpu.dma_semaphore, #tpu.memory_space<semaphore_mem>>) src(%dma_wait3A_131 : memref<128xi32, #tpu.memory_space<hbm>>) dst(%arg15 : memref<128xi32, #tpu.memory_space<vmem>>)
      %dma_start3A_132 = arith.constant 0 : i32
      %dma_start3A_133 = arith.constant 0 : i32
      %dma_start3A_134 = tpu.memref_slice %arg19[%dma_start3A_132, %dma_start3A_133] : memref<10240x144xf32, #tpu.memory_space<vmem_shared>> -> memref<10240x144xf32, #tpu.memory_space<vmem_shared>>
      tpu.enqueue_indirect_dma source(%arg18 : memref<128x144xf32, #tpu.memory_space<vmem>>) target(%dma_start3A_134 : memref<10240x144xf32, #tpu.memory_space<vmem_shared>>) offsets(%arg15 : memref<128xi32, #tpu.memory_space<vmem>>) semaphore(%arg23 : memref<!tpu.dma_semaphore, #tpu.memory_space<semaphore_mem>>) {add = true}
      %dma_wait3A_135 = arith.constant 0 : i32
      %dma_wait3A_136 = arith.constant 0 : i32
      %dma_wait3A_137 = tpu.memref_slice %arg2[%dma_wait3A_135, %dma_wait3A_136] : memref<10000x144xf32, #tpu.memory_space<hbm>> -> memref<10000x144xf32, #tpu.memory_space<hbm>>
      tpu.wait_indirect_dma semaphore(%arg20 : memref<!tpu.dma_semaphore, #tpu.memory_space<semaphore_mem>>) src(%dma_wait3A_137 : memref<10000x144xf32, #tpu.memory_space<hbm>>) dst(%arg17 : memref<128x144xf32, #tpu.memory_space<vmem>>)
      %dma_wait3A_138 = tpu.memref_slice %arg5[%add3A_65] : memref<327680xi32, #tpu.memory_space<hbm>> -> memref<128xi32, #tpu.memory_space<hbm>>
      %dma_wait3A_139 = tpu.memref_slice %arg5[%add3A_65] : memref<327680xi32, #tpu.memory_space<hbm>> -> memref<128xi32, #tpu.memory_space<hbm>>
      tpu.wait_dma2 semaphore(%arg28 : memref<!tpu.dma_semaphore, #tpu.memory_space<semaphore_mem>>) src(%dma_wait3A_139 : memref<128xi32, #tpu.memory_space<hbm>>) dst(%arg16 : memref<128xi32, #tpu.memory_space<vmem>>)
      %dma_start3A_140 = arith.constant 0 : i32
      %dma_start3A_141 = arith.constant 0 : i32
      %dma_start3A_142 = tpu.memref_slice %arg19[%dma_start3A_140, %dma_start3A_141] : memref<10240x144xf32, #tpu.memory_space<vmem_shared>> -> memref<10240x144xf32, #tpu.memory_space<vmem_shared>>
      tpu.enqueue_indirect_dma source(%arg17 : memref<128x144xf32, #tpu.memory_space<vmem>>) target(%dma_start3A_142 : memref<10240x144xf32, #tpu.memory_space<vmem_shared>>) offsets(%arg16 : memref<128xi32, #tpu.memory_space<vmem>>) semaphore(%arg22 : memref<!tpu.dma_semaphore, #tpu.memory_space<semaphore_mem>>) {add = true}
      %dma_wait3A_143 = arith.constant 0 : i32
      %dma_wait3A_144 = arith.constant 0 : i32
      %dma_wait3A_145 = tpu.memref_slice %arg19[%dma_wait3A_143, %dma_wait3A_144] : memref<10240x144xf32, #tpu.memory_space<vmem_shared>> -> memref<10240x144xf32, #tpu.memory_space<vmem_shared>>
      tpu.wait_indirect_dma semaphore(%arg23 : memref<!tpu.dma_semaphore, #tpu.memory_space<semaphore_mem>>) src(%arg18 : memref<128x144xf32, #tpu.memory_space<vmem>>) dst(%dma_wait3A_145 : memref<10240x144xf32, #tpu.memory_space<vmem_shared>>)
      %dma_wait3A_146 = arith.constant 0 : i32
      %dma_wait3A_147 = arith.constant 0 : i32
      %dma_wait3A_148 = tpu.memref_slice %arg19[%dma_wait3A_146, %dma_wait3A_147] : memref<10240x144xf32, #tpu.memory_space<vmem_shared>> -> memref<10240x144xf32, #tpu.memory_space<vmem_shared>>
      tpu.wait_indirect_dma semaphore(%arg22 : memref<!tpu.dma_semaphore, #tpu.memory_space<semaphore_mem>>) src(%arg17 : memref<128x144xf32, #tpu.memory_space<vmem>>) dst(%dma_wait3A_148 : memref<10240x144xf32, #tpu.memory_space<vmem_shared>>)
    }
    %scan3A_7 = arith.constant 16 : i32
    %barrier3A_8 = arith.constant 0 : index
    tpu.barrier barrier_id(%barrier3A_8)
    %mul3A_9 = arith.constant 640 : i32
    %mul3A_10 = arith.muli %arg1, %mul3A_9 : i32
    %mul3A_11 = arith.constant 640 : i32
    %mul3A_12 = arith.muli %arg1, %mul3A_11 : i32
    "tpu.region"() ({
      %run_scoped3A = tpu.sem_alloc : memref<!tpu.dma_semaphore, #tpu.memory_space<semaphore_mem>>
      %dma_start3A = arith.constant 0 : i32
      %dma_start3A_13 = tpu.memref_slice %arg6[%arg0, %mul3A_12, %dma_start3A] : memref<2x10240x144xf32, #tpu.memory_space<hbm>> -> memref<1x640x144xf32, #tpu.memory_space<hbm>>
      %dma_start3A_14 = tpu.memref_squeeze %dma_start3A_13 : memref<1x640x144xf32, #tpu.memory_space<hbm>> -> memref<640x144xf32, #tpu.memory_space<hbm>>
      %dma_start3A_15 = arith.constant 0 : i32
      %dma_start3A_16 = tpu.memref_slice %arg19[%mul3A_10, %dma_start3A_15] : memref<10240x144xf32, #tpu.memory_space<vmem_shared>> -> memref<640x144xf32, #tpu.memory_space<vmem_shared>>
      tpu.enqueue_dma source(%dma_start3A_16 : memref<640x144xf32, #tpu.memory_space<vmem_shared>>) target(%dma_start3A_14 : memref<640x144xf32, #tpu.memory_space<hbm>>) target_semaphore(%run_scoped3A : memref<!tpu.dma_semaphore, #tpu.memory_space<semaphore_mem>>)
      %dma_wait3A = arith.constant 0 : i32
      %dma_wait3A_17 = tpu.memref_slice %arg6[%arg0, %mul3A_12, %dma_wait3A] : memref<2x10240x144xf32, #tpu.memory_space<hbm>> -> memref<1x640x144xf32, #tpu.memory_space<hbm>>
      %dma_wait3A_18 = tpu.memref_squeeze %dma_wait3A_17 : memref<1x640x144xf32, #tpu.memory_space<hbm>> -> memref<640x144xf32, #tpu.memory_space<hbm>>
      %dma_wait3A_19 = arith.constant 0 : i32
      %dma_wait3A_20 = tpu.memref_slice %arg19[%mul3A_10, %dma_wait3A_19] : memref<10240x144xf32, #tpu.memory_space<vmem_shared>> -> memref<640x144xf32, #tpu.memory_space<vmem_shared>>
      tpu.wait_dma2 semaphore(%run_scoped3A : memref<!tpu.dma_semaphore, #tpu.memory_space<semaphore_mem>>) src(%dma_wait3A_20 : memref<640x144xf32, #tpu.memory_space<vmem_shared>>) dst(%dma_wait3A_18 : memref<640x144xf32, #tpu.memory_space<hbm>>)
      tpu.yield
    }) : () -> ()
    return
  }
}

#map = affine_map<(d0, d1) -> (0, 0)>
#map1 = affine_map<(d0, d1) -> (0)>
#map2 = affine_map<(d0, d1) -> (0, 0, 0)>
module attributes {stable_mosaic.version = 14 : i64} {
  func.func @agg(%arg0: i32, %arg1: i32, %arg2: memref<10000x128xf32, #tpu.memory_space<hbm>>, %arg3: memref<2560x128xi32, #tpu.memory_space<hbm>>, %arg4: memref<640x128xf32, #tpu.memory_space<hbm>>, %arg5: memref<327680xi32, #tpu.memory_space<hbm>>, %arg6: memref<2x10240x128xf32, #tpu.memory_space<hbm>>, %arg7: memref<80x128xi32, #tpu.memory_space<vmem>>, %arg8: memref<128xi32, #tpu.memory_space<vmem>>, %arg9: memref<128xi32, #tpu.memory_space<vmem>>, %arg10: memref<128xi32, #tpu.memory_space<vmem>>, %arg11: memref<128xi32, #tpu.memory_space<vmem>>, %arg12: memref<128xi32, #tpu.memory_space<vmem>>, %arg13: memref<128xi32, #tpu.memory_space<vmem>>, %arg14: memref<128xi32, #tpu.memory_space<vmem>>, %arg15: memref<128xi32, #tpu.memory_space<vmem>>, %arg16: memref<128x128xf32, #tpu.memory_space<vmem>>, %arg17: memref<128x128xf32, #tpu.memory_space<vmem>>, %arg18: memref<10240x128xf32, #tpu.memory_space<vmem_shared>>, %arg19: memref<!tpu.dma_semaphore, #tpu.memory_space<semaphore_mem>>, %arg20: memref<!tpu.dma_semaphore, #tpu.memory_space<semaphore_mem>>, %arg21: memref<!tpu.dma_semaphore, #tpu.memory_space<semaphore_mem>>, %arg22: memref<!tpu.dma_semaphore, #tpu.memory_space<semaphore_mem>>, %arg23: memref<!tpu.dma_semaphore, #tpu.memory_space<semaphore_mem>>, %arg24: memref<!tpu.dma_semaphore, #tpu.memory_space<semaphore_mem>>, %arg25: memref<!tpu.dma_semaphore, #tpu.memory_space<semaphore_mem>>, %arg26: memref<!tpu.dma_semaphore, #tpu.memory_space<semaphore_mem>>, %arg27: memref<!tpu.dma_semaphore, #tpu.memory_space<semaphore_mem>>, %arg28: memref<!tpu.dma_semaphore, #tpu.memory_space<semaphore_mem>>, %arg29: memref<!tpu.dma_semaphore, #tpu.memory_space<semaphore_mem>>, %arg30: memref<!tpu.dma_semaphore, #tpu.memory_space<semaphore_mem>>, %arg31: memref<!tpu.dma_semaphore, #tpu.memory_space<semaphore_mem>>, %arg32: memref<!tpu.dma_semaphore, #tpu.memory_space<semaphore_mem>>, %arg33: memref<!tpu.dma_semaphore, #tpu.memory_space<semaphore_mem>>, %arg34: memref<!tpu.dma_semaphore, #tpu.memory_space<semaphore_mem>>, %arg35: memref<!tpu.dma_semaphore, #tpu.memory_space<semaphore_mem>>, %arg36: memref<!tpu.dma_semaphore, #tpu.memory_space<semaphore_mem>>, %arg37: memref<!tpu.dma_semaphore, #tpu.memory_space<semaphore_mem>>, %arg38: memref<!tpu.dma_semaphore, #tpu.memory_space<semaphore_mem>>) attributes {dimension_semantics = [#tpu.dimension_semantics<core_parallel>, #tpu.dimension_semantics<subcore_parallel>], iteration_bounds = array<i64: 2, 16>, scalar_prefetch = 0 : i64, scratch_operands = 32 : i64, tpu.core_type = #tpu.core_type<sc_vector_subcore>, window_params = [{transform_indices = #map}, {transform_indices = #map}, {transform_indices = #map}, {transform_indices = #map1}, {transform_indices = #map2}]} {
    %mul3A = arith.constant 2 : i32
    %mul3A_0 = arith.muli %arg1, %mul3A : i32
    %add3A = arith.addi %mul3A_0, %arg0 : i32
    %mul3A_1 = arith.constant 640 : i32
    %mul3A_2 = arith.muli %arg1, %mul3A_1 : i32
    "tpu.region"() ({
      %run_scoped3A = tpu.sem_alloc : memref<!tpu.dma_semaphore, #tpu.memory_space<semaphore_mem>>
      %dma_start3A = arith.constant 0 : i32
      %dma_start3A_15 = tpu.memref_slice %arg18[%mul3A_2, %dma_start3A] : memref<10240x128xf32, #tpu.memory_space<vmem_shared>> -> memref<640x128xf32, #tpu.memory_space<vmem_shared>>
      tpu.enqueue_dma source(%arg4 : memref<640x128xf32, #tpu.memory_space<hbm>>) target(%dma_start3A_15 : memref<640x128xf32, #tpu.memory_space<vmem_shared>>) target_semaphore(%run_scoped3A : memref<!tpu.dma_semaphore, #tpu.memory_space<semaphore_mem>>)
      %dma_wait3A = arith.constant 0 : i32
      %dma_wait3A_16 = tpu.memref_slice %arg18[%mul3A_2, %dma_wait3A] : memref<10240x128xf32, #tpu.memory_space<vmem_shared>> -> memref<640x128xf32, #tpu.memory_space<vmem_shared>>
      tpu.wait_dma2 semaphore(%run_scoped3A : memref<!tpu.dma_semaphore, #tpu.memory_space<semaphore_mem>>) src(%arg4 : memref<640x128xf32, #tpu.memory_space<hbm>>) dst(%dma_wait3A_16 : memref<640x128xf32, #tpu.memory_space<vmem_shared>>)
      tpu.yield
    }) : () -> ()
    %mul3A_3 = arith.constant 80 : i32
    %mul3A_4 = arith.muli %add3A, %mul3A_3 : i32
    "tpu.region"() ({
      %run_scoped3A = tpu.sem_alloc : memref<!tpu.dma_semaphore, #tpu.memory_space<semaphore_mem>>
      %dma_start3A = arith.constant 0 : i32
      %dma_start3A_15 = tpu.memref_slice %arg3[%mul3A_4, %dma_start3A] : memref<2560x128xi32, #tpu.memory_space<hbm>> -> memref<80x128xi32, #tpu.memory_space<hbm>>
      %dma_start3A_16 = arith.constant 0 : i32
      %dma_start3A_17 = tpu.memref_slice %arg3[%mul3A_4, %dma_start3A_16] : memref<2560x128xi32, #tpu.memory_space<hbm>> -> memref<80x128xi32, #tpu.memory_space<hbm>>
      tpu.enqueue_dma source(%dma_start3A_17 : memref<80x128xi32, #tpu.memory_space<hbm>>) target(%arg7 : memref<80x128xi32, #tpu.memory_space<vmem>>) target_semaphore(%run_scoped3A : memref<!tpu.dma_semaphore, #tpu.memory_space<semaphore_mem>>)
      %dma_wait3A = arith.constant 0 : i32
      %dma_wait3A_18 = tpu.memref_slice %arg3[%mul3A_4, %dma_wait3A] : memref<2560x128xi32, #tpu.memory_space<hbm>> -> memref<80x128xi32, #tpu.memory_space<hbm>>
      %dma_wait3A_19 = arith.constant 0 : i32
      %dma_wait3A_20 = tpu.memref_slice %arg3[%mul3A_4, %dma_wait3A_19] : memref<2560x128xi32, #tpu.memory_space<hbm>> -> memref<80x128xi32, #tpu.memory_space<hbm>>
      tpu.wait_dma2 semaphore(%run_scoped3A : memref<!tpu.dma_semaphore, #tpu.memory_space<semaphore_mem>>) src(%dma_wait3A_20 : memref<80x128xi32, #tpu.memory_space<hbm>>) dst(%arg7 : memref<80x128xi32, #tpu.memory_space<vmem>>)
      tpu.yield
    }) : () -> ()
    %barrier3A = arith.constant 0 : index
    tpu.barrier barrier_id(%barrier3A)
    %scan3A = arith.constant 0 : i32
    %scan3A_5 = arith.constant 0 : i32
    %scan3A_6 = arith.constant 10 : i32
    %scan3A_7 = arith.addi %scan3A_5, %scan3A_6 : i32
    %scan3A_8 = arith.constant 1 : i32
    scf.for %scan3A_15 = %scan3A_5 to %scan3A_7 step %scan3A_8  : i32 {
      %mul3A_16 = arith.constant 8 : i32
      %mul3A_17 = arith.muli %scan3A_15, %mul3A_16 : i32
      %mul3A_18 = arith.constant 10240 : i32
      %mul3A_19 = arith.muli %add3A, %mul3A_18 : i32
      %add3A_20 = arith.constant 0 : i32
      %add3A_21 = arith.addi %mul3A_17, %add3A_20 : i32
      %mul3A_22 = arith.constant 128 : i32
      %mul3A_23 = arith.muli %add3A_21, %mul3A_22 : i32
      %add3A_24 = arith.addi %mul3A_19, %mul3A_23 : i32
      %dma_start3A = tpu.memref_slice %arg5[%add3A_24] : memref<327680xi32, #tpu.memory_space<hbm>> -> memref<128xi32, #tpu.memory_space<hbm>>
      %dma_start3A_25 = tpu.memref_slice %arg5[%add3A_24] : memref<327680xi32, #tpu.memory_space<hbm>> -> memref<128xi32, #tpu.memory_space<hbm>>
      tpu.enqueue_dma source(%dma_start3A_25 : memref<128xi32, #tpu.memory_space<hbm>>) target(%arg8 : memref<128xi32, #tpu.memory_space<vmem>>) target_semaphore(%arg23 : memref<!tpu.dma_semaphore, #tpu.memory_space<semaphore_mem>>)
      %mul3A_26 = arith.constant 10240 : i32
      %mul3A_27 = arith.muli %add3A, %mul3A_26 : i32
      %add3A_28 = arith.constant 1 : i32
      %add3A_29 = arith.addi %mul3A_17, %add3A_28 : i32
      %mul3A_30 = arith.constant 128 : i32
      %mul3A_31 = arith.muli %add3A_29, %mul3A_30 : i32
      %add3A_32 = arith.addi %mul3A_27, %mul3A_31 : i32
      %dma_start3A_33 = tpu.memref_slice %arg5[%add3A_32] : memref<327680xi32, #tpu.memory_space<hbm>> -> memref<128xi32, #tpu.memory_space<hbm>>
      %dma_start3A_34 = tpu.memref_slice %arg5[%add3A_32] : memref<327680xi32, #tpu.memory_space<hbm>> -> memref<128xi32, #tpu.memory_space<hbm>>
      tpu.enqueue_dma source(%dma_start3A_34 : memref<128xi32, #tpu.memory_space<hbm>>) target(%arg9 : memref<128xi32, #tpu.memory_space<vmem>>) target_semaphore(%arg24 : memref<!tpu.dma_semaphore, #tpu.memory_space<semaphore_mem>>)
      %mul3A_35 = arith.constant 10240 : i32
      %mul3A_36 = arith.muli %add3A, %mul3A_35 : i32
      %add3A_37 = arith.constant 2 : i32
      %add3A_38 = arith.addi %mul3A_17, %add3A_37 : i32
      %mul3A_39 = arith.constant 128 : i32
      %mul3A_40 = arith.muli %add3A_38, %mul3A_39 : i32
      %add3A_41 = arith.addi %mul3A_36, %mul3A_40 : i32
      %dma_start3A_42 = tpu.memref_slice %arg5[%add3A_41] : memref<327680xi32, #tpu.memory_space<hbm>> -> memref<128xi32, #tpu.memory_space<hbm>>
      %dma_start3A_43 = tpu.memref_slice %arg5[%add3A_41] : memref<327680xi32, #tpu.memory_space<hbm>> -> memref<128xi32, #tpu.memory_space<hbm>>
      tpu.enqueue_dma source(%dma_start3A_43 : memref<128xi32, #tpu.memory_space<hbm>>) target(%arg10 : memref<128xi32, #tpu.memory_space<vmem>>) target_semaphore(%arg25 : memref<!tpu.dma_semaphore, #tpu.memory_space<semaphore_mem>>)
      %mul3A_44 = arith.constant 10240 : i32
      %mul3A_45 = arith.muli %add3A, %mul3A_44 : i32
      %add3A_46 = arith.constant 3 : i32
      %add3A_47 = arith.addi %mul3A_17, %add3A_46 : i32
      %mul3A_48 = arith.constant 128 : i32
      %mul3A_49 = arith.muli %add3A_47, %mul3A_48 : i32
      %add3A_50 = arith.addi %mul3A_45, %mul3A_49 : i32
      %dma_start3A_51 = tpu.memref_slice %arg5[%add3A_50] : memref<327680xi32, #tpu.memory_space<hbm>> -> memref<128xi32, #tpu.memory_space<hbm>>
      %dma_start3A_52 = tpu.memref_slice %arg5[%add3A_50] : memref<327680xi32, #tpu.memory_space<hbm>> -> memref<128xi32, #tpu.memory_space<hbm>>
      tpu.enqueue_dma source(%dma_start3A_52 : memref<128xi32, #tpu.memory_space<hbm>>) target(%arg11 : memref<128xi32, #tpu.memory_space<vmem>>) target_semaphore(%arg26 : memref<!tpu.dma_semaphore, #tpu.memory_space<semaphore_mem>>)
      %mul3A_53 = arith.constant 10240 : i32
      %mul3A_54 = arith.muli %add3A, %mul3A_53 : i32
      %add3A_55 = arith.constant 4 : i32
      %add3A_56 = arith.addi %mul3A_17, %add3A_55 : i32
      %mul3A_57 = arith.constant 128 : i32
      %mul3A_58 = arith.muli %add3A_56, %mul3A_57 : i32
      %add3A_59 = arith.addi %mul3A_54, %mul3A_58 : i32
      %dma_start3A_60 = tpu.memref_slice %arg5[%add3A_59] : memref<327680xi32, #tpu.memory_space<hbm>> -> memref<128xi32, #tpu.memory_space<hbm>>
      %dma_start3A_61 = tpu.memref_slice %arg5[%add3A_59] : memref<327680xi32, #tpu.memory_space<hbm>> -> memref<128xi32, #tpu.memory_space<hbm>>
      tpu.enqueue_dma source(%dma_start3A_61 : memref<128xi32, #tpu.memory_space<hbm>>) target(%arg12 : memref<128xi32, #tpu.memory_space<vmem>>) target_semaphore(%arg27 : memref<!tpu.dma_semaphore, #tpu.memory_space<semaphore_mem>>)
      %mul3A_62 = arith.constant 10240 : i32
      %mul3A_63 = arith.muli %add3A, %mul3A_62 : i32
      %add3A_64 = arith.constant 5 : i32
      %add3A_65 = arith.addi %mul3A_17, %add3A_64 : i32
      %mul3A_66 = arith.constant 128 : i32
      %mul3A_67 = arith.muli %add3A_65, %mul3A_66 : i32
      %add3A_68 = arith.addi %mul3A_63, %mul3A_67 : i32
      %dma_start3A_69 = tpu.memref_slice %arg5[%add3A_68] : memref<327680xi32, #tpu.memory_space<hbm>> -> memref<128xi32, #tpu.memory_space<hbm>>
      %dma_start3A_70 = tpu.memref_slice %arg5[%add3A_68] : memref<327680xi32, #tpu.memory_space<hbm>> -> memref<128xi32, #tpu.memory_space<hbm>>
      tpu.enqueue_dma source(%dma_start3A_70 : memref<128xi32, #tpu.memory_space<hbm>>) target(%arg13 : memref<128xi32, #tpu.memory_space<vmem>>) target_semaphore(%arg28 : memref<!tpu.dma_semaphore, #tpu.memory_space<semaphore_mem>>)
      %mul3A_71 = arith.constant 10240 : i32
      %mul3A_72 = arith.muli %add3A, %mul3A_71 : i32
      %add3A_73 = arith.constant 6 : i32
      %add3A_74 = arith.addi %mul3A_17, %add3A_73 : i32
      %mul3A_75 = arith.constant 128 : i32
      %mul3A_76 = arith.muli %add3A_74, %mul3A_75 : i32
      %add3A_77 = arith.addi %mul3A_72, %mul3A_76 : i32
      %dma_start3A_78 = tpu.memref_slice %arg5[%add3A_77] : memref<327680xi32, #tpu.memory_space<hbm>> -> memref<128xi32, #tpu.memory_space<hbm>>
      %dma_start3A_79 = tpu.memref_slice %arg5[%add3A_77] : memref<327680xi32, #tpu.memory_space<hbm>> -> memref<128xi32, #tpu.memory_space<hbm>>
      tpu.enqueue_dma source(%dma_start3A_79 : memref<128xi32, #tpu.memory_space<hbm>>) target(%arg14 : memref<128xi32, #tpu.memory_space<vmem>>) target_semaphore(%arg29 : memref<!tpu.dma_semaphore, #tpu.memory_space<semaphore_mem>>)
      %mul3A_80 = arith.constant 10240 : i32
      %mul3A_81 = arith.muli %add3A, %mul3A_80 : i32
      %add3A_82 = arith.constant 7 : i32
      %add3A_83 = arith.addi %mul3A_17, %add3A_82 : i32
      %mul3A_84 = arith.constant 128 : i32
      %mul3A_85 = arith.muli %add3A_83, %mul3A_84 : i32
      %add3A_86 = arith.addi %mul3A_81, %mul3A_85 : i32
      %dma_start3A_87 = tpu.memref_slice %arg5[%add3A_86] : memref<327680xi32, #tpu.memory_space<hbm>> -> memref<128xi32, #tpu.memory_space<hbm>>
      %dma_start3A_88 = tpu.memref_slice %arg5[%add3A_86] : memref<327680xi32, #tpu.memory_space<hbm>> -> memref<128xi32, #tpu.memory_space<hbm>>
      tpu.enqueue_dma source(%dma_start3A_88 : memref<128xi32, #tpu.memory_space<hbm>>) target(%arg15 : memref<128xi32, #tpu.memory_space<vmem>>) target_semaphore(%arg30 : memref<!tpu.dma_semaphore, #tpu.memory_space<semaphore_mem>>)
      %add3A_89 = arith.constant 0 : i32
      %add3A_90 = arith.addi %mul3A_17, %add3A_89 : i32
      %dma_start3A_91 = arith.constant 0 : i32
      %dma_start3A_92 = tpu.memref_slice %arg7[%add3A_90, %dma_start3A_91] : memref<80x128xi32, #tpu.memory_space<vmem>> -> memref<1x128xi32, #tpu.memory_space<vmem>>
      %dma_start3A_93 = tpu.memref_squeeze %dma_start3A_92 : memref<1x128xi32, #tpu.memory_space<vmem>> -> memref<128xi32, #tpu.memory_space<vmem>>
      %dma_start3A_94 = arith.constant 0 : i32
      %dma_start3A_95 = arith.constant 0 : i32
      %dma_start3A_96 = tpu.memref_slice %arg2[%dma_start3A_94, %dma_start3A_95] : memref<10000x128xf32, #tpu.memory_space<hbm>> -> memref<10000x128xf32, #tpu.memory_space<hbm>>
      tpu.enqueue_indirect_dma source(%dma_start3A_96 : memref<10000x128xf32, #tpu.memory_space<hbm>>) target(%arg16 : memref<128x128xf32, #tpu.memory_space<vmem>>) offsets(%dma_start3A_93 : memref<128xi32, #tpu.memory_space<vmem>>) semaphore(%arg19 : memref<!tpu.dma_semaphore, #tpu.memory_space<semaphore_mem>>)
      %add3A_97 = arith.constant 1 : i32
      %add3A_98 = arith.addi %mul3A_17, %add3A_97 : i32
      %dma_start3A_99 = arith.constant 0 : i32
      %dma_start3A_100 = tpu.memref_slice %arg7[%add3A_98, %dma_start3A_99] : memref<80x128xi32, #tpu.memory_space<vmem>> -> memref<1x128xi32, #tpu.memory_space<vmem>>
      %dma_start3A_101 = tpu.memref_squeeze %dma_start3A_100 : memref<1x128xi32, #tpu.memory_space<vmem>> -> memref<128xi32, #tpu.memory_space<vmem>>
      %dma_start3A_102 = arith.constant 0 : i32
      %dma_start3A_103 = arith.constant 0 : i32
      %dma_start3A_104 = tpu.memref_slice %arg2[%dma_start3A_102, %dma_start3A_103] : memref<10000x128xf32, #tpu.memory_space<hbm>> -> memref<10000x128xf32, #tpu.memory_space<hbm>>
      tpu.enqueue_indirect_dma source(%dma_start3A_104 : memref<10000x128xf32, #tpu.memory_space<hbm>>) target(%arg17 : memref<128x128xf32, #tpu.memory_space<vmem>>) offsets(%dma_start3A_101 : memref<128xi32, #tpu.memory_space<vmem>>) semaphore(%arg20 : memref<!tpu.dma_semaphore, #tpu.memory_space<semaphore_mem>>)
      %dma_wait3A = arith.constant 0 : i32
      %dma_wait3A_105 = tpu.memref_slice %arg7[%add3A_90, %dma_wait3A] : memref<80x128xi32, #tpu.memory_space<vmem>> -> memref<1x128xi32, #tpu.memory_space<vmem>>
      %dma_wait3A_106 = tpu.memref_squeeze %dma_wait3A_105 : memref<1x128xi32, #tpu.memory_space<vmem>> -> memref<128xi32, #tpu.memory_space<vmem>>
      %dma_wait3A_107 = arith.constant 0 : i32
      %dma_wait3A_108 = arith.constant 0 : i32
      %dma_wait3A_109 = tpu.memref_slice %arg2[%dma_wait3A_107, %dma_wait3A_108] : memref<10000x128xf32, #tpu.memory_space<hbm>> -> memref<10000x128xf32, #tpu.memory_space<hbm>>
      tpu.wait_indirect_dma semaphore(%arg19 : memref<!tpu.dma_semaphore, #tpu.memory_space<semaphore_mem>>) src(%dma_wait3A_109 : memref<10000x128xf32, #tpu.memory_space<hbm>>) dst(%arg16 : memref<128x128xf32, #tpu.memory_space<vmem>>)
      %dma_wait3A_110 = tpu.memref_slice %arg5[%add3A_24] : memref<327680xi32, #tpu.memory_space<hbm>> -> memref<128xi32, #tpu.memory_space<hbm>>
      %dma_wait3A_111 = tpu.memref_slice %arg5[%add3A_24] : memref<327680xi32, #tpu.memory_space<hbm>> -> memref<128xi32, #tpu.memory_space<hbm>>
      tpu.wait_dma2 semaphore(%arg23 : memref<!tpu.dma_semaphore, #tpu.memory_space<semaphore_mem>>) src(%dma_wait3A_111 : memref<128xi32, #tpu.memory_space<hbm>>) dst(%arg8 : memref<128xi32, #tpu.memory_space<vmem>>)
      %dma_start3A_112 = arith.constant 0 : i32
      %dma_start3A_113 = arith.constant 0 : i32
      %dma_start3A_114 = tpu.memref_slice %arg18[%dma_start3A_112, %dma_start3A_113] : memref<10240x128xf32, #tpu.memory_space<vmem_shared>> -> memref<10240x128xf32, #tpu.memory_space<vmem_shared>>
      tpu.enqueue_indirect_dma source(%arg16 : memref<128x128xf32, #tpu.memory_space<vmem>>) target(%dma_start3A_114 : memref<10240x128xf32, #tpu.memory_space<vmem_shared>>) offsets(%arg8 : memref<128xi32, #tpu.memory_space<vmem>>) semaphore(%arg21 : memref<!tpu.dma_semaphore, #tpu.memory_space<semaphore_mem>>) {add = true}
      %dma_wait3A_115 = arith.constant 0 : i32
      %dma_wait3A_116 = arith.constant 0 : i32
      %dma_wait3A_117 = tpu.memref_slice %arg18[%dma_wait3A_115, %dma_wait3A_116] : memref<10240x128xf32, #tpu.memory_space<vmem_shared>> -> memref<10240x128xf32, #tpu.memory_space<vmem_shared>>
      tpu.wait_indirect_dma semaphore(%arg21 : memref<!tpu.dma_semaphore, #tpu.memory_space<semaphore_mem>>) src(%arg16 : memref<128x128xf32, #tpu.memory_space<vmem>>) dst(%dma_wait3A_117 : memref<10240x128xf32, #tpu.memory_space<vmem_shared>>)
      %add3A_118 = arith.constant 2 : i32
      %add3A_119 = arith.addi %mul3A_17, %add3A_118 : i32
      %dma_start3A_120 = arith.constant 0 : i32
      %dma_start3A_121 = tpu.memref_slice %arg7[%add3A_119, %dma_start3A_120] : memref<80x128xi32, #tpu.memory_space<vmem>> -> memref<1x128xi32, #tpu.memory_space<vmem>>
      %dma_start3A_122 = tpu.memref_squeeze %dma_start3A_121 : memref<1x128xi32, #tpu.memory_space<vmem>> -> memref<128xi32, #tpu.memory_space<vmem>>
      %dma_start3A_123 = arith.constant 0 : i32
      %dma_start3A_124 = arith.constant 0 : i32
      %dma_start3A_125 = tpu.memref_slice %arg2[%dma_start3A_123, %dma_start3A_124] : memref<10000x128xf32, #tpu.memory_space<hbm>> -> memref<10000x128xf32, #tpu.memory_space<hbm>>
      tpu.enqueue_indirect_dma source(%dma_start3A_125 : memref<10000x128xf32, #tpu.memory_space<hbm>>) target(%arg16 : memref<128x128xf32, #tpu.memory_space<vmem>>) offsets(%dma_start3A_122 : memref<128xi32, #tpu.memory_space<vmem>>) semaphore(%arg19 : memref<!tpu.dma_semaphore, #tpu.memory_space<semaphore_mem>>)
      %dma_wait3A_126 = arith.constant 0 : i32
      %dma_wait3A_127 = tpu.memref_slice %arg7[%add3A_98, %dma_wait3A_126] : memref<80x128xi32, #tpu.memory_space<vmem>> -> memref<1x128xi32, #tpu.memory_space<vmem>>
      %dma_wait3A_128 = tpu.memref_squeeze %dma_wait3A_127 : memref<1x128xi32, #tpu.memory_space<vmem>> -> memref<128xi32, #tpu.memory_space<vmem>>
      %dma_wait3A_129 = arith.constant 0 : i32
      %dma_wait3A_130 = arith.constant 0 : i32
      %dma_wait3A_131 = tpu.memref_slice %arg2[%dma_wait3A_129, %dma_wait3A_130] : memref<10000x128xf32, #tpu.memory_space<hbm>> -> memref<10000x128xf32, #tpu.memory_space<hbm>>
      tpu.wait_indirect_dma semaphore(%arg20 : memref<!tpu.dma_semaphore, #tpu.memory_space<semaphore_mem>>) src(%dma_wait3A_131 : memref<10000x128xf32, #tpu.memory_space<hbm>>) dst(%arg17 : memref<128x128xf32, #tpu.memory_space<vmem>>)
      %dma_wait3A_132 = tpu.memref_slice %arg5[%add3A_32] : memref<327680xi32, #tpu.memory_space<hbm>> -> memref<128xi32, #tpu.memory_space<hbm>>
      %dma_wait3A_133 = tpu.memref_slice %arg5[%add3A_32] : memref<327680xi32, #tpu.memory_space<hbm>> -> memref<128xi32, #tpu.memory_space<hbm>>
      tpu.wait_dma2 semaphore(%arg24 : memref<!tpu.dma_semaphore, #tpu.memory_space<semaphore_mem>>) src(%dma_wait3A_133 : memref<128xi32, #tpu.memory_space<hbm>>) dst(%arg9 : memref<128xi32, #tpu.memory_space<vmem>>)
      %dma_start3A_134 = arith.constant 0 : i32
      %dma_start3A_135 = arith.constant 0 : i32
      %dma_start3A_136 = tpu.memref_slice %arg18[%dma_start3A_134, %dma_start3A_135] : memref<10240x128xf32, #tpu.memory_space<vmem_shared>> -> memref<10240x128xf32, #tpu.memory_space<vmem_shared>>
      tpu.enqueue_indirect_dma source(%arg17 : memref<128x128xf32, #tpu.memory_space<vmem>>) target(%dma_start3A_136 : memref<10240x128xf32, #tpu.memory_space<vmem_shared>>) offsets(%arg9 : memref<128xi32, #tpu.memory_space<vmem>>) semaphore(%arg22 : memref<!tpu.dma_semaphore, #tpu.memory_space<semaphore_mem>>) {add = true}
      %dma_wait3A_137 = arith.constant 0 : i32
      %dma_wait3A_138 = arith.constant 0 : i32
      %dma_wait3A_139 = tpu.memref_slice %arg18[%dma_wait3A_137, %dma_wait3A_138] : memref<10240x128xf32, #tpu.memory_space<vmem_shared>> -> memref<10240x128xf32, #tpu.memory_space<vmem_shared>>
      tpu.wait_indirect_dma semaphore(%arg22 : memref<!tpu.dma_semaphore, #tpu.memory_space<semaphore_mem>>) src(%arg17 : memref<128x128xf32, #tpu.memory_space<vmem>>) dst(%dma_wait3A_139 : memref<10240x128xf32, #tpu.memory_space<vmem_shared>>)
      %add3A_140 = arith.constant 3 : i32
      %add3A_141 = arith.addi %mul3A_17, %add3A_140 : i32
      %dma_start3A_142 = arith.constant 0 : i32
      %dma_start3A_143 = tpu.memref_slice %arg7[%add3A_141, %dma_start3A_142] : memref<80x128xi32, #tpu.memory_space<vmem>> -> memref<1x128xi32, #tpu.memory_space<vmem>>
      %dma_start3A_144 = tpu.memref_squeeze %dma_start3A_143 : memref<1x128xi32, #tpu.memory_space<vmem>> -> memref<128xi32, #tpu.memory_space<vmem>>
      %dma_start3A_145 = arith.constant 0 : i32
      %dma_start3A_146 = arith.constant 0 : i32
      %dma_start3A_147 = tpu.memref_slice %arg2[%dma_start3A_145, %dma_start3A_146] : memref<10000x128xf32, #tpu.memory_space<hbm>> -> memref<10000x128xf32, #tpu.memory_space<hbm>>
      tpu.enqueue_indirect_dma source(%dma_start3A_147 : memref<10000x128xf32, #tpu.memory_space<hbm>>) target(%arg17 : memref<128x128xf32, #tpu.memory_space<vmem>>) offsets(%dma_start3A_144 : memref<128xi32, #tpu.memory_space<vmem>>) semaphore(%arg20 : memref<!tpu.dma_semaphore, #tpu.memory_space<semaphore_mem>>)
      %dma_wait3A_148 = arith.constant 0 : i32
      %dma_wait3A_149 = tpu.memref_slice %arg7[%add3A_119, %dma_wait3A_148] : memref<80x128xi32, #tpu.memory_space<vmem>> -> memref<1x128xi32, #tpu.memory_space<vmem>>
      %dma_wait3A_150 = tpu.memref_squeeze %dma_wait3A_149 : memref<1x128xi32, #tpu.memory_space<vmem>> -> memref<128xi32, #tpu.memory_space<vmem>>
      %dma_wait3A_151 = arith.constant 0 : i32
      %dma_wait3A_152 = arith.constant 0 : i32
      %dma_wait3A_153 = tpu.memref_slice %arg2[%dma_wait3A_151, %dma_wait3A_152] : memref<10000x128xf32, #tpu.memory_space<hbm>> -> memref<10000x128xf32, #tpu.memory_space<hbm>>
      tpu.wait_indirect_dma semaphore(%arg19 : memref<!tpu.dma_semaphore, #tpu.memory_space<semaphore_mem>>) src(%dma_wait3A_153 : memref<10000x128xf32, #tpu.memory_space<hbm>>) dst(%arg16 : memref<128x128xf32, #tpu.memory_space<vmem>>)
      %dma_wait3A_154 = tpu.memref_slice %arg5[%add3A_41] : memref<327680xi32, #tpu.memory_space<hbm>> -> memref<128xi32, #tpu.memory_space<hbm>>
      %dma_wait3A_155 = tpu.memref_slice %arg5[%add3A_41] : memref<327680xi32, #tpu.memory_space<hbm>> -> memref<128xi32, #tpu.memory_space<hbm>>
      tpu.wait_dma2 semaphore(%arg25 : memref<!tpu.dma_semaphore, #tpu.memory_space<semaphore_mem>>) src(%dma_wait3A_155 : memref<128xi32, #tpu.memory_space<hbm>>) dst(%arg10 : memref<128xi32, #tpu.memory_space<vmem>>)
      %dma_start3A_156 = arith.constant 0 : i32
      %dma_start3A_157 = arith.constant 0 : i32
      %dma_start3A_158 = tpu.memref_slice %arg18[%dma_start3A_156, %dma_start3A_157] : memref<10240x128xf32, #tpu.memory_space<vmem_shared>> -> memref<10240x128xf32, #tpu.memory_space<vmem_shared>>
      tpu.enqueue_indirect_dma source(%arg16 : memref<128x128xf32, #tpu.memory_space<vmem>>) target(%dma_start3A_158 : memref<10240x128xf32, #tpu.memory_space<vmem_shared>>) offsets(%arg10 : memref<128xi32, #tpu.memory_space<vmem>>) semaphore(%arg21 : memref<!tpu.dma_semaphore, #tpu.memory_space<semaphore_mem>>) {add = true}
      %dma_wait3A_159 = arith.constant 0 : i32
      %dma_wait3A_160 = arith.constant 0 : i32
      %dma_wait3A_161 = tpu.memref_slice %arg18[%dma_wait3A_159, %dma_wait3A_160] : memref<10240x128xf32, #tpu.memory_space<vmem_shared>> -> memref<10240x128xf32, #tpu.memory_space<vmem_shared>>
      tpu.wait_indirect_dma semaphore(%arg21 : memref<!tpu.dma_semaphore, #tpu.memory_space<semaphore_mem>>) src(%arg16 : memref<128x128xf32, #tpu.memory_space<vmem>>) dst(%dma_wait3A_161 : memref<10240x128xf32, #tpu.memory_space<vmem_shared>>)
      %add3A_162 = arith.constant 4 : i32
      %add3A_163 = arith.addi %mul3A_17, %add3A_162 : i32
      %dma_start3A_164 = arith.constant 0 : i32
      %dma_start3A_165 = tpu.memref_slice %arg7[%add3A_163, %dma_start3A_164] : memref<80x128xi32, #tpu.memory_space<vmem>> -> memref<1x128xi32, #tpu.memory_space<vmem>>
      %dma_start3A_166 = tpu.memref_squeeze %dma_start3A_165 : memref<1x128xi32, #tpu.memory_space<vmem>> -> memref<128xi32, #tpu.memory_space<vmem>>
      %dma_start3A_167 = arith.constant 0 : i32
      %dma_start3A_168 = arith.constant 0 : i32
      %dma_start3A_169 = tpu.memref_slice %arg2[%dma_start3A_167, %dma_start3A_168] : memref<10000x128xf32, #tpu.memory_space<hbm>> -> memref<10000x128xf32, #tpu.memory_space<hbm>>
      tpu.enqueue_indirect_dma source(%dma_start3A_169 : memref<10000x128xf32, #tpu.memory_space<hbm>>) target(%arg16 : memref<128x128xf32, #tpu.memory_space<vmem>>) offsets(%dma_start3A_166 : memref<128xi32, #tpu.memory_space<vmem>>) semaphore(%arg19 : memref<!tpu.dma_semaphore, #tpu.memory_space<semaphore_mem>>)
      %dma_wait3A_170 = arith.constant 0 : i32
      %dma_wait3A_171 = tpu.memref_slice %arg7[%add3A_141, %dma_wait3A_170] : memref<80x128xi32, #tpu.memory_space<vmem>> -> memref<1x128xi32, #tpu.memory_space<vmem>>
      %dma_wait3A_172 = tpu.memref_squeeze %dma_wait3A_171 : memref<1x128xi32, #tpu.memory_space<vmem>> -> memref<128xi32, #tpu.memory_space<vmem>>
      %dma_wait3A_173 = arith.constant 0 : i32
      %dma_wait3A_174 = arith.constant 0 : i32
      %dma_wait3A_175 = tpu.memref_slice %arg2[%dma_wait3A_173, %dma_wait3A_174] : memref<10000x128xf32, #tpu.memory_space<hbm>> -> memref<10000x128xf32, #tpu.memory_space<hbm>>
      tpu.wait_indirect_dma semaphore(%arg20 : memref<!tpu.dma_semaphore, #tpu.memory_space<semaphore_mem>>) src(%dma_wait3A_175 : memref<10000x128xf32, #tpu.memory_space<hbm>>) dst(%arg17 : memref<128x128xf32, #tpu.memory_space<vmem>>)
      %dma_wait3A_176 = tpu.memref_slice %arg5[%add3A_50] : memref<327680xi32, #tpu.memory_space<hbm>> -> memref<128xi32, #tpu.memory_space<hbm>>
      %dma_wait3A_177 = tpu.memref_slice %arg5[%add3A_50] : memref<327680xi32, #tpu.memory_space<hbm>> -> memref<128xi32, #tpu.memory_space<hbm>>
      tpu.wait_dma2 semaphore(%arg26 : memref<!tpu.dma_semaphore, #tpu.memory_space<semaphore_mem>>) src(%dma_wait3A_177 : memref<128xi32, #tpu.memory_space<hbm>>) dst(%arg11 : memref<128xi32, #tpu.memory_space<vmem>>)
      %dma_start3A_178 = arith.constant 0 : i32
      %dma_start3A_179 = arith.constant 0 : i32
      %dma_start3A_180 = tpu.memref_slice %arg18[%dma_start3A_178, %dma_start3A_179] : memref<10240x128xf32, #tpu.memory_space<vmem_shared>> -> memref<10240x128xf32, #tpu.memory_space<vmem_shared>>
      tpu.enqueue_indirect_dma source(%arg17 : memref<128x128xf32, #tpu.memory_space<vmem>>) target(%dma_start3A_180 : memref<10240x128xf32, #tpu.memory_space<vmem_shared>>) offsets(%arg11 : memref<128xi32, #tpu.memory_space<vmem>>) semaphore(%arg22 : memref<!tpu.dma_semaphore, #tpu.memory_space<semaphore_mem>>) {add = true}
      %dma_wait3A_181 = arith.constant 0 : i32
      %dma_wait3A_182 = arith.constant 0 : i32
      %dma_wait3A_183 = tpu.memref_slice %arg18[%dma_wait3A_181, %dma_wait3A_182] : memref<10240x128xf32, #tpu.memory_space<vmem_shared>> -> memref<10240x128xf32, #tpu.memory_space<vmem_shared>>
      tpu.wait_indirect_dma semaphore(%arg22 : memref<!tpu.dma_semaphore, #tpu.memory_space<semaphore_mem>>) src(%arg17 : memref<128x128xf32, #tpu.memory_space<vmem>>) dst(%dma_wait3A_183 : memref<10240x128xf32, #tpu.memory_space<vmem_shared>>)
      %add3A_184 = arith.constant 5 : i32
      %add3A_185 = arith.addi %mul3A_17, %add3A_184 : i32
      %dma_start3A_186 = arith.constant 0 : i32
      %dma_start3A_187 = tpu.memref_slice %arg7[%add3A_185, %dma_start3A_186] : memref<80x128xi32, #tpu.memory_space<vmem>> -> memref<1x128xi32, #tpu.memory_space<vmem>>
      %dma_start3A_188 = tpu.memref_squeeze %dma_start3A_187 : memref<1x128xi32, #tpu.memory_space<vmem>> -> memref<128xi32, #tpu.memory_space<vmem>>
      %dma_start3A_189 = arith.constant 0 : i32
      %dma_start3A_190 = arith.constant 0 : i32
      %dma_start3A_191 = tpu.memref_slice %arg2[%dma_start3A_189, %dma_start3A_190] : memref<10000x128xf32, #tpu.memory_space<hbm>> -> memref<10000x128xf32, #tpu.memory_space<hbm>>
      tpu.enqueue_indirect_dma source(%dma_start3A_191 : memref<10000x128xf32, #tpu.memory_space<hbm>>) target(%arg17 : memref<128x128xf32, #tpu.memory_space<vmem>>) offsets(%dma_start3A_188 : memref<128xi32, #tpu.memory_space<vmem>>) semaphore(%arg20 : memref<!tpu.dma_semaphore, #tpu.memory_space<semaphore_mem>>)
      %dma_wait3A_192 = arith.constant 0 : i32
      %dma_wait3A_193 = tpu.memref_slice %arg7[%add3A_163, %dma_wait3A_192] : memref<80x128xi32, #tpu.memory_space<vmem>> -> memref<1x128xi32, #tpu.memory_space<vmem>>
      %dma_wait3A_194 = tpu.memref_squeeze %dma_wait3A_193 : memref<1x128xi32, #tpu.memory_space<vmem>> -> memref<128xi32, #tpu.memory_space<vmem>>
      %dma_wait3A_195 = arith.constant 0 : i32
      %dma_wait3A_196 = arith.constant 0 : i32
      %dma_wait3A_197 = tpu.memref_slice %arg2[%dma_wait3A_195, %dma_wait3A_196] : memref<10000x128xf32, #tpu.memory_space<hbm>> -> memref<10000x128xf32, #tpu.memory_space<hbm>>
      tpu.wait_indirect_dma semaphore(%arg19 : memref<!tpu.dma_semaphore, #tpu.memory_space<semaphore_mem>>) src(%dma_wait3A_197 : memref<10000x128xf32, #tpu.memory_space<hbm>>) dst(%arg16 : memref<128x128xf32, #tpu.memory_space<vmem>>)
      %dma_wait3A_198 = tpu.memref_slice %arg5[%add3A_59] : memref<327680xi32, #tpu.memory_space<hbm>> -> memref<128xi32, #tpu.memory_space<hbm>>
      %dma_wait3A_199 = tpu.memref_slice %arg5[%add3A_59] : memref<327680xi32, #tpu.memory_space<hbm>> -> memref<128xi32, #tpu.memory_space<hbm>>
      tpu.wait_dma2 semaphore(%arg27 : memref<!tpu.dma_semaphore, #tpu.memory_space<semaphore_mem>>) src(%dma_wait3A_199 : memref<128xi32, #tpu.memory_space<hbm>>) dst(%arg12 : memref<128xi32, #tpu.memory_space<vmem>>)
      %dma_start3A_200 = arith.constant 0 : i32
      %dma_start3A_201 = arith.constant 0 : i32
      %dma_start3A_202 = tpu.memref_slice %arg18[%dma_start3A_200, %dma_start3A_201] : memref<10240x128xf32, #tpu.memory_space<vmem_shared>> -> memref<10240x128xf32, #tpu.memory_space<vmem_shared>>
      tpu.enqueue_indirect_dma source(%arg16 : memref<128x128xf32, #tpu.memory_space<vmem>>) target(%dma_start3A_202 : memref<10240x128xf32, #tpu.memory_space<vmem_shared>>) offsets(%arg12 : memref<128xi32, #tpu.memory_space<vmem>>) semaphore(%arg21 : memref<!tpu.dma_semaphore, #tpu.memory_space<semaphore_mem>>) {add = true}
      %dma_wait3A_203 = arith.constant 0 : i32
      %dma_wait3A_204 = arith.constant 0 : i32
      %dma_wait3A_205 = tpu.memref_slice %arg18[%dma_wait3A_203, %dma_wait3A_204] : memref<10240x128xf32, #tpu.memory_space<vmem_shared>> -> memref<10240x128xf32, #tpu.memory_space<vmem_shared>>
      tpu.wait_indirect_dma semaphore(%arg21 : memref<!tpu.dma_semaphore, #tpu.memory_space<semaphore_mem>>) src(%arg16 : memref<128x128xf32, #tpu.memory_space<vmem>>) dst(%dma_wait3A_205 : memref<10240x128xf32, #tpu.memory_space<vmem_shared>>)
      %add3A_206 = arith.constant 6 : i32
      %add3A_207 = arith.addi %mul3A_17, %add3A_206 : i32
      %dma_start3A_208 = arith.constant 0 : i32
      %dma_start3A_209 = tpu.memref_slice %arg7[%add3A_207, %dma_start3A_208] : memref<80x128xi32, #tpu.memory_space<vmem>> -> memref<1x128xi32, #tpu.memory_space<vmem>>
      %dma_start3A_210 = tpu.memref_squeeze %dma_start3A_209 : memref<1x128xi32, #tpu.memory_space<vmem>> -> memref<128xi32, #tpu.memory_space<vmem>>
      %dma_start3A_211 = arith.constant 0 : i32
      %dma_start3A_212 = arith.constant 0 : i32
      %dma_start3A_213 = tpu.memref_slice %arg2[%dma_start3A_211, %dma_start3A_212] : memref<10000x128xf32, #tpu.memory_space<hbm>> -> memref<10000x128xf32, #tpu.memory_space<hbm>>
      tpu.enqueue_indirect_dma source(%dma_start3A_213 : memref<10000x128xf32, #tpu.memory_space<hbm>>) target(%arg16 : memref<128x128xf32, #tpu.memory_space<vmem>>) offsets(%dma_start3A_210 : memref<128xi32, #tpu.memory_space<vmem>>) semaphore(%arg19 : memref<!tpu.dma_semaphore, #tpu.memory_space<semaphore_mem>>)
      %dma_wait3A_214 = arith.constant 0 : i32
      %dma_wait3A_215 = tpu.memref_slice %arg7[%add3A_185, %dma_wait3A_214] : memref<80x128xi32, #tpu.memory_space<vmem>> -> memref<1x128xi32, #tpu.memory_space<vmem>>
      %dma_wait3A_216 = tpu.memref_squeeze %dma_wait3A_215 : memref<1x128xi32, #tpu.memory_space<vmem>> -> memref<128xi32, #tpu.memory_space<vmem>>
      %dma_wait3A_217 = arith.constant 0 : i32
      %dma_wait3A_218 = arith.constant 0 : i32
      %dma_wait3A_219 = tpu.memref_slice %arg2[%dma_wait3A_217, %dma_wait3A_218] : memref<10000x128xf32, #tpu.memory_space<hbm>> -> memref<10000x128xf32, #tpu.memory_space<hbm>>
      tpu.wait_indirect_dma semaphore(%arg20 : memref<!tpu.dma_semaphore, #tpu.memory_space<semaphore_mem>>) src(%dma_wait3A_219 : memref<10000x128xf32, #tpu.memory_space<hbm>>) dst(%arg17 : memref<128x128xf32, #tpu.memory_space<vmem>>)
      %dma_wait3A_220 = tpu.memref_slice %arg5[%add3A_68] : memref<327680xi32, #tpu.memory_space<hbm>> -> memref<128xi32, #tpu.memory_space<hbm>>
      %dma_wait3A_221 = tpu.memref_slice %arg5[%add3A_68] : memref<327680xi32, #tpu.memory_space<hbm>> -> memref<128xi32, #tpu.memory_space<hbm>>
      tpu.wait_dma2 semaphore(%arg28 : memref<!tpu.dma_semaphore, #tpu.memory_space<semaphore_mem>>) src(%dma_wait3A_221 : memref<128xi32, #tpu.memory_space<hbm>>) dst(%arg13 : memref<128xi32, #tpu.memory_space<vmem>>)
      %dma_start3A_222 = arith.constant 0 : i32
      %dma_start3A_223 = arith.constant 0 : i32
      %dma_start3A_224 = tpu.memref_slice %arg18[%dma_start3A_222, %dma_start3A_223] : memref<10240x128xf32, #tpu.memory_space<vmem_shared>> -> memref<10240x128xf32, #tpu.memory_space<vmem_shared>>
      tpu.enqueue_indirect_dma source(%arg17 : memref<128x128xf32, #tpu.memory_space<vmem>>) target(%dma_start3A_224 : memref<10240x128xf32, #tpu.memory_space<vmem_shared>>) offsets(%arg13 : memref<128xi32, #tpu.memory_space<vmem>>) semaphore(%arg22 : memref<!tpu.dma_semaphore, #tpu.memory_space<semaphore_mem>>) {add = true}
      %dma_wait3A_225 = arith.constant 0 : i32
      %dma_wait3A_226 = arith.constant 0 : i32
      %dma_wait3A_227 = tpu.memref_slice %arg18[%dma_wait3A_225, %dma_wait3A_226] : memref<10240x128xf32, #tpu.memory_space<vmem_shared>> -> memref<10240x128xf32, #tpu.memory_space<vmem_shared>>
      tpu.wait_indirect_dma semaphore(%arg22 : memref<!tpu.dma_semaphore, #tpu.memory_space<semaphore_mem>>) src(%arg17 : memref<128x128xf32, #tpu.memory_space<vmem>>) dst(%dma_wait3A_227 : memref<10240x128xf32, #tpu.memory_space<vmem_shared>>)
      %add3A_228 = arith.constant 7 : i32
      %add3A_229 = arith.addi %mul3A_17, %add3A_228 : i32
      %dma_start3A_230 = arith.constant 0 : i32
      %dma_start3A_231 = tpu.memref_slice %arg7[%add3A_229, %dma_start3A_230] : memref<80x128xi32, #tpu.memory_space<vmem>> -> memref<1x128xi32, #tpu.memory_space<vmem>>
      %dma_start3A_232 = tpu.memref_squeeze %dma_start3A_231 : memref<1x128xi32, #tpu.memory_space<vmem>> -> memref<128xi32, #tpu.memory_space<vmem>>
      %dma_start3A_233 = arith.constant 0 : i32
      %dma_start3A_234 = arith.constant 0 : i32
      %dma_start3A_235 = tpu.memref_slice %arg2[%dma_start3A_233, %dma_start3A_234] : memref<10000x128xf32, #tpu.memory_space<hbm>> -> memref<10000x128xf32, #tpu.memory_space<hbm>>
      tpu.enqueue_indirect_dma source(%dma_start3A_235 : memref<10000x128xf32, #tpu.memory_space<hbm>>) target(%arg17 : memref<128x128xf32, #tpu.memory_space<vmem>>) offsets(%dma_start3A_232 : memref<128xi32, #tpu.memory_space<vmem>>) semaphore(%arg20 : memref<!tpu.dma_semaphore, #tpu.memory_space<semaphore_mem>>)
      %dma_wait3A_236 = arith.constant 0 : i32
      %dma_wait3A_237 = tpu.memref_slice %arg7[%add3A_207, %dma_wait3A_236] : memref<80x128xi32, #tpu.memory_space<vmem>> -> memref<1x128xi32, #tpu.memory_space<vmem>>
      %dma_wait3A_238 = tpu.memref_squeeze %dma_wait3A_237 : memref<1x128xi32, #tpu.memory_space<vmem>> -> memref<128xi32, #tpu.memory_space<vmem>>
      %dma_wait3A_239 = arith.constant 0 : i32
      %dma_wait3A_240 = arith.constant 0 : i32
      %dma_wait3A_241 = tpu.memref_slice %arg2[%dma_wait3A_239, %dma_wait3A_240] : memref<10000x128xf32, #tpu.memory_space<hbm>> -> memref<10000x128xf32, #tpu.memory_space<hbm>>
      tpu.wait_indirect_dma semaphore(%arg19 : memref<!tpu.dma_semaphore, #tpu.memory_space<semaphore_mem>>) src(%dma_wait3A_241 : memref<10000x128xf32, #tpu.memory_space<hbm>>) dst(%arg16 : memref<128x128xf32, #tpu.memory_space<vmem>>)
      %dma_wait3A_242 = tpu.memref_slice %arg5[%add3A_77] : memref<327680xi32, #tpu.memory_space<hbm>> -> memref<128xi32, #tpu.memory_space<hbm>>
      %dma_wait3A_243 = tpu.memref_slice %arg5[%add3A_77] : memref<327680xi32, #tpu.memory_space<hbm>> -> memref<128xi32, #tpu.memory_space<hbm>>
      tpu.wait_dma2 semaphore(%arg29 : memref<!tpu.dma_semaphore, #tpu.memory_space<semaphore_mem>>) src(%dma_wait3A_243 : memref<128xi32, #tpu.memory_space<hbm>>) dst(%arg14 : memref<128xi32, #tpu.memory_space<vmem>>)
      %dma_start3A_244 = arith.constant 0 : i32
      %dma_start3A_245 = arith.constant 0 : i32
      %dma_start3A_246 = tpu.memref_slice %arg18[%dma_start3A_244, %dma_start3A_245] : memref<10240x128xf32, #tpu.memory_space<vmem_shared>> -> memref<10240x128xf32, #tpu.memory_space<vmem_shared>>
      tpu.enqueue_indirect_dma source(%arg16 : memref<128x128xf32, #tpu.memory_space<vmem>>) target(%dma_start3A_246 : memref<10240x128xf32, #tpu.memory_space<vmem_shared>>) offsets(%arg14 : memref<128xi32, #tpu.memory_space<vmem>>) semaphore(%arg21 : memref<!tpu.dma_semaphore, #tpu.memory_space<semaphore_mem>>) {add = true}
      %dma_wait3A_247 = arith.constant 0 : i32
      %dma_wait3A_248 = tpu.memref_slice %arg7[%add3A_229, %dma_wait3A_247] : memref<80x128xi32, #tpu.memory_space<vmem>> -> memref<1x128xi32, #tpu.memory_space<vmem>>
      %dma_wait3A_249 = tpu.memref_squeeze %dma_wait3A_248 : memref<1x128xi32, #tpu.memory_space<vmem>> -> memref<128xi32, #tpu.memory_space<vmem>>
      %dma_wait3A_250 = arith.constant 0 : i32
      %dma_wait3A_251 = arith.constant 0 : i32
      %dma_wait3A_252 = tpu.memref_slice %arg2[%dma_wait3A_250, %dma_wait3A_251] : memref<10000x128xf32, #tpu.memory_space<hbm>> -> memref<10000x128xf32, #tpu.memory_space<hbm>>
      tpu.wait_indirect_dma semaphore(%arg20 : memref<!tpu.dma_semaphore, #tpu.memory_space<semaphore_mem>>) src(%dma_wait3A_252 : memref<10000x128xf32, #tpu.memory_space<hbm>>) dst(%arg17 : memref<128x128xf32, #tpu.memory_space<vmem>>)
      %dma_wait3A_253 = tpu.memref_slice %arg5[%add3A_86] : memref<327680xi32, #tpu.memory_space<hbm>> -> memref<128xi32, #tpu.memory_space<hbm>>
      %dma_wait3A_254 = tpu.memref_slice %arg5[%add3A_86] : memref<327680xi32, #tpu.memory_space<hbm>> -> memref<128xi32, #tpu.memory_space<hbm>>
      tpu.wait_dma2 semaphore(%arg30 : memref<!tpu.dma_semaphore, #tpu.memory_space<semaphore_mem>>) src(%dma_wait3A_254 : memref<128xi32, #tpu.memory_space<hbm>>) dst(%arg15 : memref<128xi32, #tpu.memory_space<vmem>>)
      %dma_start3A_255 = arith.constant 0 : i32
      %dma_start3A_256 = arith.constant 0 : i32
      %dma_start3A_257 = tpu.memref_slice %arg18[%dma_start3A_255, %dma_start3A_256] : memref<10240x128xf32, #tpu.memory_space<vmem_shared>> -> memref<10240x128xf32, #tpu.memory_space<vmem_shared>>
      tpu.enqueue_indirect_dma source(%arg17 : memref<128x128xf32, #tpu.memory_space<vmem>>) target(%dma_start3A_257 : memref<10240x128xf32, #tpu.memory_space<vmem_shared>>) offsets(%arg15 : memref<128xi32, #tpu.memory_space<vmem>>) semaphore(%arg22 : memref<!tpu.dma_semaphore, #tpu.memory_space<semaphore_mem>>) {add = true}
      %dma_wait3A_258 = arith.constant 0 : i32
      %dma_wait3A_259 = arith.constant 0 : i32
      %dma_wait3A_260 = tpu.memref_slice %arg18[%dma_wait3A_258, %dma_wait3A_259] : memref<10240x128xf32, #tpu.memory_space<vmem_shared>> -> memref<10240x128xf32, #tpu.memory_space<vmem_shared>>
      tpu.wait_indirect_dma semaphore(%arg21 : memref<!tpu.dma_semaphore, #tpu.memory_space<semaphore_mem>>) src(%arg16 : memref<128x128xf32, #tpu.memory_space<vmem>>) dst(%dma_wait3A_260 : memref<10240x128xf32, #tpu.memory_space<vmem_shared>>)
      %dma_wait3A_261 = arith.constant 0 : i32
      %dma_wait3A_262 = arith.constant 0 : i32
      %dma_wait3A_263 = tpu.memref_slice %arg18[%dma_wait3A_261, %dma_wait3A_262] : memref<10240x128xf32, #tpu.memory_space<vmem_shared>> -> memref<10240x128xf32, #tpu.memory_space<vmem_shared>>
      tpu.wait_indirect_dma semaphore(%arg22 : memref<!tpu.dma_semaphore, #tpu.memory_space<semaphore_mem>>) src(%arg17 : memref<128x128xf32, #tpu.memory_space<vmem>>) dst(%dma_wait3A_263 : memref<10240x128xf32, #tpu.memory_space<vmem_shared>>)
    }
    %scan3A_9 = arith.constant 10 : i32
    %barrier3A_10 = arith.constant 0 : index
    tpu.barrier barrier_id(%barrier3A_10)
    %mul3A_11 = arith.constant 640 : i32
    %mul3A_12 = arith.muli %arg1, %mul3A_11 : i32
    %mul3A_13 = arith.constant 640 : i32
    %mul3A_14 = arith.muli %arg1, %mul3A_13 : i32
    "tpu.region"() ({
      %run_scoped3A = tpu.sem_alloc : memref<!tpu.dma_semaphore, #tpu.memory_space<semaphore_mem>>
      %dma_start3A = arith.constant 0 : i32
      %dma_start3A_15 = tpu.memref_slice %arg6[%arg0, %mul3A_14, %dma_start3A] : memref<2x10240x128xf32, #tpu.memory_space<hbm>> -> memref<1x640x128xf32, #tpu.memory_space<hbm>>
      %dma_start3A_16 = tpu.memref_squeeze %dma_start3A_15 : memref<1x640x128xf32, #tpu.memory_space<hbm>> -> memref<640x128xf32, #tpu.memory_space<hbm>>
      %dma_start3A_17 = arith.constant 0 : i32
      %dma_start3A_18 = tpu.memref_slice %arg18[%mul3A_12, %dma_start3A_17] : memref<10240x128xf32, #tpu.memory_space<vmem_shared>> -> memref<640x128xf32, #tpu.memory_space<vmem_shared>>
      tpu.enqueue_dma source(%dma_start3A_18 : memref<640x128xf32, #tpu.memory_space<vmem_shared>>) target(%dma_start3A_16 : memref<640x128xf32, #tpu.memory_space<hbm>>) target_semaphore(%run_scoped3A : memref<!tpu.dma_semaphore, #tpu.memory_space<semaphore_mem>>)
      %dma_wait3A = arith.constant 0 : i32
      %dma_wait3A_19 = tpu.memref_slice %arg6[%arg0, %mul3A_14, %dma_wait3A] : memref<2x10240x128xf32, #tpu.memory_space<hbm>> -> memref<1x640x128xf32, #tpu.memory_space<hbm>>
      %dma_wait3A_20 = tpu.memref_squeeze %dma_wait3A_19 : memref<1x640x128xf32, #tpu.memory_space<hbm>> -> memref<640x128xf32, #tpu.memory_space<hbm>>
      %dma_wait3A_21 = arith.constant 0 : i32
      %dma_wait3A_22 = tpu.memref_slice %arg18[%mul3A_12, %dma_wait3A_21] : memref<10240x128xf32, #tpu.memory_space<vmem_shared>> -> memref<640x128xf32, #tpu.memory_space<vmem_shared>>
      tpu.wait_dma2 semaphore(%run_scoped3A : memref<!tpu.dma_semaphore, #tpu.memory_space<semaphore_mem>>) src(%dma_wait3A_22 : memref<640x128xf32, #tpu.memory_space<vmem_shared>>) dst(%dma_wait3A_20 : memref<640x128xf32, #tpu.memory_space<hbm>>)
      tpu.yield
    }) : () -> ()
    return
  }
}

module attributes {stable_mosaic.version = 14 : i64} {
  func.func @_l0_body(%arg0: memref<2x10240x144xf32, #tpu.memory_space<vmem>>, %arg1: memref<10000x128xf32, #tpu.memory_space<vmem>>, %arg2: memref<128x64xf32, #tpu.memory_space<vmem>>, %arg3: memref<128x64xf32, #tpu.memory_space<vmem>>, %arg4: memref<128x64xf32, #tpu.memory_space<vmem>>, %arg5: memref<128x64xf32, #tpu.memory_space<vmem>>, %arg6: memref<1x64xf32, #tpu.memory_space<vmem>>, %arg7: memref<1x64xf32, #tpu.memory_space<vmem>>, %arg8: memref<10000x128xf32, #tpu.memory_space<vmem>>, %arg9: memref<10000x1xf32, #tpu.memory_space<vmem>>) attributes {dimension_semantics = [], scalar_prefetch = 0 : i64, scratch_operands = 0 : i64, tpu.core_type = #tpu.core_type<tc>} {
    %get3A = arith.constant 0 : index
    %get3A_0 = arith.constant 0 : index
    %get3A_1 = arith.constant 0 : index
    %get3A_2 = vector.load %arg0[%get3A, %get3A_0, %get3A_1] : memref<2x10240x144xf32, #tpu.memory_space<vmem>>, vector<1x10240x144xf32>
    %get3A_3 = vector.shape_cast %get3A_2 : vector<1x10240x144xf32> to vector<10240x144xf32>
    %get3A_4 = arith.constant 1 : index
    %get3A_5 = arith.constant 0 : index
    %get3A_6 = arith.constant 0 : index
    %get3A_7 = vector.load %arg0[%get3A_4, %get3A_5, %get3A_6] : memref<2x10240x144xf32, #tpu.memory_space<vmem>>, vector<1x10240x144xf32>
    %get3A_8 = vector.shape_cast %get3A_7 : vector<1x10240x144xf32> to vector<10240x144xf32>
    %add3A = arith.addf %get3A_3, %get3A_8 : vector<10240x144xf32>
    %slice3A = vector.extract_strided_slice %add3A {offsets = [0, 0], sizes = [10000, 144], strides = [1, 1]} : vector<10240x144xf32> to vector<10000x144xf32>
    %slice3A_9 = vector.extract_strided_slice %slice3A {offsets = [0, 128], sizes = [10000, 1], strides = [1, 1]} : vector<10000x144xf32> to vector<10000x1xf32>
    %max3A = arith.constant 1.000000e+00 : f32
    %max3A_10 = vector.broadcast %max3A : f32 to vector<10000x1xf32>
    %max3A_11 = arith.maximumf %slice3A_9, %max3A_10 : vector<10000x1xf32>
    %div3A = arith.constant 1.000000e+00 : f32
    %div3A_12 = vector.broadcast %div3A : f32 to vector<10000x1xf32>
    %div3A_13 = arith.divf %div3A_12, %max3A_11 : vector<10000x1xf32>
    %slice3A_14 = vector.extract_strided_slice %slice3A {offsets = [0, 0], sizes = [10000, 128], strides = [1, 1]} : vector<10000x144xf32> to vector<10000x128xf32>
    %mul3A = vector.broadcast %div3A_13 : vector<10000x1xf32> to vector<10000x128xf32>
    %mul3A_15 = arith.mulf %slice3A_14, %mul3A : vector<10000x128xf32>
    %get3A_16 = arith.constant 0 : index
    %get3A_17 = arith.constant 0 : index
    %get3A_18 = vector.load %arg1[%get3A_16, %get3A_17] : memref<10000x128xf32, #tpu.memory_space<vmem>>, vector<10000x128xf32>
    %get3A_19 = arith.constant 0 : index
    %get3A_20 = arith.constant 0 : index
    %get3A_21 = vector.load %arg2[%get3A_19, %get3A_20] : memref<128x64xf32, #tpu.memory_space<vmem>>, vector<128x64xf32>
    %dot_general3A = arith.constant dense<0.000000e+00> : vector<10000x64xf32>
    %dot_general3A_22 = tpu.matmul %mul3A_15, %get3A_21, %dot_general3A {dimension_numbers = #tpu.dot_dimension_numbers<[1], [0], [0], [1], [0, 0, 1, 1], [], []>, transpose_lhs_hint = false} : vector<10000x128xf32>, vector<128x64xf32>, vector<10000x64xf32> -> vector<10000x64xf32>
    %get3A_23 = arith.constant 0 : index
    %get3A_24 = arith.constant 0 : index
    %get3A_25 = vector.load %arg6[%get3A_23, %get3A_24] : memref<1x64xf32, #tpu.memory_space<vmem>>, vector<1x64xf32>
    %add3A_26 = vector.broadcast %get3A_25 : vector<1x64xf32> to vector<10000x64xf32>
    %add3A_27 = arith.addf %dot_general3A_22, %add3A_26 : vector<10000x64xf32>
    %get3A_28 = arith.constant 0 : index
    %get3A_29 = arith.constant 0 : index
    %get3A_30 = vector.load %arg3[%get3A_28, %get3A_29] : memref<128x64xf32, #tpu.memory_space<vmem>>, vector<128x64xf32>
    %dot_general3A_31 = arith.constant dense<0.000000e+00> : vector<10000x64xf32>
    %dot_general3A_32 = tpu.matmul %get3A_18, %get3A_30, %dot_general3A_31 {dimension_numbers = #tpu.dot_dimension_numbers<[1], [0], [0], [1], [0, 0, 1, 1], [], []>, transpose_lhs_hint = false} : vector<10000x128xf32>, vector<128x64xf32>, vector<10000x64xf32> -> vector<10000x64xf32>
    %add3A_33 = arith.addf %add3A_27, %dot_general3A_32 : vector<10000x64xf32>
    %max3A_34 = arith.constant 0.000000e+00 : f32
    %max3A_35 = vector.broadcast %max3A_34 : f32 to vector<10000x64xf32>
    %max3A_36 = arith.maximumf %add3A_33, %max3A_35 : vector<10000x64xf32>
    %get3A_37 = arith.constant 0 : index
    %get3A_38 = arith.constant 0 : index
    %get3A_39 = vector.load %arg4[%get3A_37, %get3A_38] : memref<128x64xf32, #tpu.memory_space<vmem>>, vector<128x64xf32>
    %dot_general3A_40 = arith.constant dense<0.000000e+00> : vector<10000x64xf32>
    %dot_general3A_41 = tpu.matmul %mul3A_15, %get3A_39, %dot_general3A_40 {dimension_numbers = #tpu.dot_dimension_numbers<[1], [0], [0], [1], [0, 0, 1, 1], [], []>, transpose_lhs_hint = false} : vector<10000x128xf32>, vector<128x64xf32>, vector<10000x64xf32> -> vector<10000x64xf32>
    %get3A_42 = arith.constant 0 : index
    %get3A_43 = arith.constant 0 : index
    %get3A_44 = vector.load %arg7[%get3A_42, %get3A_43] : memref<1x64xf32, #tpu.memory_space<vmem>>, vector<1x64xf32>
    %add3A_45 = vector.broadcast %get3A_44 : vector<1x64xf32> to vector<10000x64xf32>
    %add3A_46 = arith.addf %dot_general3A_41, %add3A_45 : vector<10000x64xf32>
    %get3A_47 = arith.constant 0 : index
    %get3A_48 = arith.constant 0 : index
    %get3A_49 = vector.load %arg5[%get3A_47, %get3A_48] : memref<128x64xf32, #tpu.memory_space<vmem>>, vector<128x64xf32>
    %dot_general3A_50 = arith.constant dense<0.000000e+00> : vector<10000x64xf32>
    %dot_general3A_51 = tpu.matmul %get3A_18, %get3A_49, %dot_general3A_50 {dimension_numbers = #tpu.dot_dimension_numbers<[1], [0], [0], [1], [0, 0, 1, 1], [], []>, transpose_lhs_hint = false} : vector<10000x128xf32>, vector<128x64xf32>, vector<10000x64xf32> -> vector<10000x64xf32>
    %add3A_52 = arith.addf %add3A_46, %dot_general3A_51 : vector<10000x64xf32>
    %max3A_53 = arith.constant 0.000000e+00 : f32
    %max3A_54 = vector.broadcast %max3A_53 : f32 to vector<10000x64xf32>
    %max3A_55 = arith.maximumf %add3A_52, %max3A_54 : vector<10000x64xf32>
    %concatenate3A = tpu.concatenate %max3A_36, %max3A_55 in 1 : vector<10000x64xf32>, vector<10000x64xf32> -> vector<10000x128xf32>
    %swap3A = arith.constant 0 : index
    %swap3A_56 = arith.constant 0 : index
    %swap3A_57 = vector.load %arg8[%swap3A, %swap3A_56] : memref<10000x128xf32, #tpu.memory_space<vmem>>, vector<10000x128xf32>
    tpu.vector_store %arg8[%swap3A, %swap3A_56], %concatenate3A {strides = array<i32>} : memref<10000x128xf32, #tpu.memory_space<vmem>>, vector<10000x128xf32>,
    %swap3A_58 = arith.constant 0 : index
    %swap3A_59 = arith.constant 0 : index
    %swap3A_60 = vector.load %arg9[%swap3A_58, %swap3A_59] : memref<10000x1xf32, #tpu.memory_space<vmem>>, vector<10000x1xf32>
    tpu.vector_store %arg9[%swap3A_58, %swap3A_59], %div3A_13 {strides = array<i32>} : memref<10000x1xf32, #tpu.memory_space<vmem>>, vector<10000x1xf32>,
    return
  }
}

module attributes {stable_mosaic.version = 14 : i64} {
  func.func @_layer_body(%arg0: memref<2x10240x128xf32, #tpu.memory_space<vmem>>, %arg1: memref<10000x128xf32, #tpu.memory_space<vmem>>, %arg2: memref<10000x1xf32, #tpu.memory_space<vmem>>, %arg3: memref<64x64xf32, #tpu.memory_space<vmem>>, %arg4: memref<64x64xf32, #tpu.memory_space<vmem>>, %arg5: memref<64x64xf32, #tpu.memory_space<vmem>>, %arg6: memref<64x64xf32, #tpu.memory_space<vmem>>, %arg7: memref<1x64xf32, #tpu.memory_space<vmem>>, %arg8: memref<1x64xf32, #tpu.memory_space<vmem>>, %arg9: memref<10000x128xf32, #tpu.memory_space<vmem>>) attributes {dimension_semantics = [], scalar_prefetch = 0 : i64, scratch_operands = 0 : i64, tpu.core_type = #tpu.core_type<tc>} {
    %get3A = arith.constant 0 : index
    %get3A_0 = arith.constant 0 : index
    %get3A_1 = arith.constant 0 : index
    %get3A_2 = vector.load %arg0[%get3A, %get3A_0, %get3A_1] : memref<2x10240x128xf32, #tpu.memory_space<vmem>>, vector<1x10240x128xf32>
    %get3A_3 = vector.shape_cast %get3A_2 : vector<1x10240x128xf32> to vector<10240x128xf32>
    %get3A_4 = arith.constant 1 : index
    %get3A_5 = arith.constant 0 : index
    %get3A_6 = arith.constant 0 : index
    %get3A_7 = vector.load %arg0[%get3A_4, %get3A_5, %get3A_6] : memref<2x10240x128xf32, #tpu.memory_space<vmem>>, vector<1x10240x128xf32>
    %get3A_8 = vector.shape_cast %get3A_7 : vector<1x10240x128xf32> to vector<10240x128xf32>
    %add3A = arith.addf %get3A_3, %get3A_8 : vector<10240x128xf32>
    %slice3A = vector.extract_strided_slice %add3A {offsets = [0, 0], sizes = [10000, 128], strides = [1, 1]} : vector<10240x128xf32> to vector<10000x128xf32>
    %get3A_9 = arith.constant 0 : index
    %get3A_10 = arith.constant 0 : index
    %get3A_11 = vector.load %arg2[%get3A_9, %get3A_10] : memref<10000x1xf32, #tpu.memory_space<vmem>>, vector<10000x1xf32>
    %get3A_12 = arith.constant 0 : index
    %get3A_13 = arith.constant 0 : index
    %get3A_14 = vector.load %arg1[%get3A_12, %get3A_13] : memref<10000x128xf32, #tpu.memory_space<vmem>>, vector<10000x128xf32>
    %slice3A_15 = vector.extract_strided_slice %slice3A {offsets = [0, 0], sizes = [10000, 64], strides = [1, 1]} : vector<10000x128xf32> to vector<10000x64xf32>
    %mul3A = vector.broadcast %get3A_11 : vector<10000x1xf32> to vector<10000x64xf32>
    %mul3A_16 = arith.mulf %slice3A_15, %mul3A : vector<10000x64xf32>
    %get3A_17 = arith.constant 0 : index
    %get3A_18 = arith.constant 0 : index
    %get3A_19 = vector.load %arg3[%get3A_17, %get3A_18] : memref<64x64xf32, #tpu.memory_space<vmem>>, vector<64x64xf32>
    %dot_general3A = arith.constant dense<0.000000e+00> : vector<10000x64xf32>
    %dot_general3A_20 = tpu.matmul %mul3A_16, %get3A_19, %dot_general3A {dimension_numbers = #tpu.dot_dimension_numbers<[1], [0], [0], [1], [0, 0, 1, 1], [], []>, transpose_lhs_hint = false} : vector<10000x64xf32>, vector<64x64xf32>, vector<10000x64xf32> -> vector<10000x64xf32>
    %get3A_21 = arith.constant 0 : index
    %get3A_22 = arith.constant 0 : index
    %get3A_23 = vector.load %arg7[%get3A_21, %get3A_22] : memref<1x64xf32, #tpu.memory_space<vmem>>, vector<1x64xf32>
    %add3A_24 = vector.broadcast %get3A_23 : vector<1x64xf32> to vector<10000x64xf32>
    %add3A_25 = arith.addf %dot_general3A_20, %add3A_24 : vector<10000x64xf32>
    %slice3A_26 = vector.extract_strided_slice %get3A_14 {offsets = [0, 0], sizes = [10000, 64], strides = [1, 1]} : vector<10000x128xf32> to vector<10000x64xf32>
    %get3A_27 = arith.constant 0 : index
    %get3A_28 = arith.constant 0 : index
    %get3A_29 = vector.load %arg4[%get3A_27, %get3A_28] : memref<64x64xf32, #tpu.memory_space<vmem>>, vector<64x64xf32>
    %dot_general3A_30 = arith.constant dense<0.000000e+00> : vector<10000x64xf32>
    %dot_general3A_31 = tpu.matmul %slice3A_26, %get3A_29, %dot_general3A_30 {dimension_numbers = #tpu.dot_dimension_numbers<[1], [0], [0], [1], [0, 0, 1, 1], [], []>, transpose_lhs_hint = false} : vector<10000x64xf32>, vector<64x64xf32>, vector<10000x64xf32> -> vector<10000x64xf32>
    %add3A_32 = arith.addf %add3A_25, %dot_general3A_31 : vector<10000x64xf32>
    %max3A = arith.constant 0.000000e+00 : f32
    %max3A_33 = vector.broadcast %max3A : f32 to vector<10000x64xf32>
    %max3A_34 = arith.maximumf %add3A_32, %max3A_33 : vector<10000x64xf32>
    %slice3A_35 = vector.extract_strided_slice %slice3A {offsets = [0, 64], sizes = [10000, 64], strides = [1, 1]} : vector<10000x128xf32> to vector<10000x64xf32>
    %mul3A_36 = vector.broadcast %get3A_11 : vector<10000x1xf32> to vector<10000x64xf32>
    %mul3A_37 = arith.mulf %slice3A_35, %mul3A_36 : vector<10000x64xf32>
    %get3A_38 = arith.constant 0 : index
    %get3A_39 = arith.constant 0 : index
    %get3A_40 = vector.load %arg5[%get3A_38, %get3A_39] : memref<64x64xf32, #tpu.memory_space<vmem>>, vector<64x64xf32>
    %dot_general3A_41 = arith.constant dense<0.000000e+00> : vector<10000x64xf32>
    %dot_general3A_42 = tpu.matmul %mul3A_37, %get3A_40, %dot_general3A_41 {dimension_numbers = #tpu.dot_dimension_numbers<[1], [0], [0], [1], [0, 0, 1, 1], [], []>, transpose_lhs_hint = false} : vector<10000x64xf32>, vector<64x64xf32>, vector<10000x64xf32> -> vector<10000x64xf32>
    %get3A_43 = arith.constant 0 : index
    %get3A_44 = arith.constant 0 : index
    %get3A_45 = vector.load %arg8[%get3A_43, %get3A_44] : memref<1x64xf32, #tpu.memory_space<vmem>>, vector<1x64xf32>
    %add3A_46 = vector.broadcast %get3A_45 : vector<1x64xf32> to vector<10000x64xf32>
    %add3A_47 = arith.addf %dot_general3A_42, %add3A_46 : vector<10000x64xf32>
    %slice3A_48 = vector.extract_strided_slice %get3A_14 {offsets = [0, 64], sizes = [10000, 64], strides = [1, 1]} : vector<10000x128xf32> to vector<10000x64xf32>
    %get3A_49 = arith.constant 0 : index
    %get3A_50 = arith.constant 0 : index
    %get3A_51 = vector.load %arg6[%get3A_49, %get3A_50] : memref<64x64xf32, #tpu.memory_space<vmem>>, vector<64x64xf32>
    %dot_general3A_52 = arith.constant dense<0.000000e+00> : vector<10000x64xf32>
    %dot_general3A_53 = tpu.matmul %slice3A_48, %get3A_51, %dot_general3A_52 {dimension_numbers = #tpu.dot_dimension_numbers<[1], [0], [0], [1], [0, 0, 1, 1], [], []>, transpose_lhs_hint = false} : vector<10000x64xf32>, vector<64x64xf32>, vector<10000x64xf32> -> vector<10000x64xf32>
    %add3A_54 = arith.addf %add3A_47, %dot_general3A_53 : vector<10000x64xf32>
    %max3A_55 = arith.constant 0.000000e+00 : f32
    %max3A_56 = vector.broadcast %max3A_55 : f32 to vector<10000x64xf32>
    %max3A_57 = arith.maximumf %add3A_54, %max3A_56 : vector<10000x64xf32>
    %concatenate3A = tpu.concatenate %max3A_34, %max3A_57 in 1 : vector<10000x64xf32>, vector<10000x64xf32> -> vector<10000x128xf32>
    %swap3A = arith.constant 0 : index
    %swap3A_58 = arith.constant 0 : index
    %swap3A_59 = vector.load %arg9[%swap3A, %swap3A_58] : memref<10000x128xf32, #tpu.memory_space<vmem>>, vector<10000x128xf32>
    tpu.vector_store %arg9[%swap3A, %swap3A_58], %concatenate3A {strides = array<i32>} : memref<10000x128xf32, #tpu.memory_space<vmem>>, vector<10000x128xf32>,
    return
  }
}

module attributes {stable_mosaic.version = 14 : i64} {
  func.func @_head_body(%arg0: memref<10000x128xf32, #tpu.memory_space<vmem>>, %arg1: memref<10000x64xf32, #tpu.memory_space<vmem>>, %arg2: memref<10000x1xi32, #tpu.memory_space<vmem>>, %arg3: memref<64x128xf32, #tpu.memory_space<vmem>>, %arg4: memref<1x128xf32, #tpu.memory_space<vmem>>, %arg5: memref<128x2xf32, #tpu.memory_space<vmem>>, %arg6: memref<1x2xf32, #tpu.memory_space<vmem>>, %arg7: memref<64x2xf32, #tpu.memory_space<vmem>>) attributes {dimension_semantics = [], scalar_prefetch = 0 : i64, scratch_operands = 0 : i64, tpu.core_type = #tpu.core_type<tc>} {
    %get3A = arith.constant 0 : index
    %get3A_0 = arith.constant 0 : index
    %get3A_1 = vector.load %arg0[%get3A, %get3A_0] : memref<10000x128xf32, #tpu.memory_space<vmem>>, vector<10000x128xf32>
    %slice3A = vector.extract_strided_slice %get3A_1 {offsets = [0, 0], sizes = [10000, 64], strides = [1, 1]} : vector<10000x128xf32> to vector<10000x64xf32>
    %get3A_2 = arith.constant 0 : index
    %get3A_3 = arith.constant 0 : index
    %get3A_4 = vector.load %arg1[%get3A_2, %get3A_3] : memref<10000x64xf32, #tpu.memory_space<vmem>>, vector<10000x64xf32>
    %slice3A_5 = vector.extract_strided_slice %get3A_1 {offsets = [0, 64], sizes = [10000, 64], strides = [1, 1]} : vector<10000x128xf32> to vector<10000x64xf32>
    %mul3A = arith.constant 5.000000e-01 : f32
    %mul3A_6 = vector.broadcast %mul3A : f32 to vector<10000x64xf32>
    %mul3A_7 = arith.mulf %mul3A_6, %slice3A_5 : vector<10000x64xf32>
    %exp3A = math.exp %mul3A_7 : vector<10000x64xf32>
    %mul3A_8 = arith.mulf %get3A_4, %exp3A : vector<10000x64xf32>
    %add3A = arith.addf %slice3A, %mul3A_8 : vector<10000x64xf32>
    %iota3A = tpu.iota {dimensions = array<i32: 1>} : vector<10000x64xi32>
    %get3A_9 = arith.constant 0 : index
    %get3A_10 = arith.constant 0 : index
    %get3A_11 = vector.load %arg2[%get3A_9, %get3A_10] : memref<10000x1xi32, #tpu.memory_space<vmem>>, vector<10000x1xi32>
    %eq3A = vector.broadcast %get3A_11 : vector<10000x1xi32> to vector<10000x64xi32>
    %eq3A_12 = arith.cmpi eq, %eq3A, %iota3A : vector<10000x64xi32>
    %convert_element_type3A = arith.extui %eq3A_12 : vector<10000x64xi1> to vector<10000x64xi32>
    %convert_element_type3A_13 = arith.sitofp %convert_element_type3A : vector<10000x64xi32> to vector<10000x64xf32>
    %dot_general3A = arith.constant dense<0.000000e+00> : vector<64x64xf32>
    %dot_general3A_14 = tpu.matmul %convert_element_type3A_13, %add3A, %dot_general3A {dimension_numbers = #tpu.dot_dimension_numbers<[0], [0], [1], [1], [0, 1, 1, 1], [], []>, transpose_lhs_hint = false} : vector<10000x64xf32>, vector<10000x64xf32>, vector<64x64xf32> -> vector<64x64xf32>
    %reduce_sum3A = arith.constant dense<0.000000e+00> : vector<64xf32>
    %reduce_sum3A_15 = vector.multi_reduction <add>, %convert_element_type3A_13, %reduce_sum3A [0] : vector<10000x64xf32> to vector<64xf32>
    %broadcast_in_dim3A = vector.shape_cast %reduce_sum3A_15 : vector<64xf32> to vector<64x1xf32>
    %max3A = arith.constant 1.000000e+00 : f32
    %max3A_16 = vector.broadcast %max3A : f32 to vector<64x1xf32>
    %max3A_17 = arith.maximumf %broadcast_in_dim3A, %max3A_16 : vector<64x1xf32>
    %div3A = vector.broadcast %max3A_17 : vector<64x1xf32> to vector<64x64xf32>
    %div3A_18 = arith.divf %dot_general3A_14, %div3A : vector<64x64xf32>
    %get3A_19 = arith.constant 0 : index
    %get3A_20 = arith.constant 0 : index
    %get3A_21 = vector.load %arg3[%get3A_19, %get3A_20] : memref<64x128xf32, #tpu.memory_space<vmem>>, vector<64x128xf32>
    %dot_general3A_22 = arith.constant dense<0.000000e+00> : vector<64x128xf32>
    %dot_general3A_23 = tpu.matmul %div3A_18, %get3A_21, %dot_general3A_22 {dimension_numbers = #tpu.dot_dimension_numbers<[1], [0], [0], [1], [0, 0, 1, 1], [], []>, transpose_lhs_hint = false} : vector<64x64xf32>, vector<64x128xf32>, vector<64x128xf32> -> vector<64x128xf32>
    %get3A_24 = arith.constant 0 : index
    %get3A_25 = arith.constant 0 : index
    %get3A_26 = vector.load %arg4[%get3A_24, %get3A_25] : memref<1x128xf32, #tpu.memory_space<vmem>>, vector<1x128xf32>
    %add3A_27 = vector.broadcast %get3A_26 : vector<1x128xf32> to vector<64x128xf32>
    %add3A_28 = arith.addf %dot_general3A_23, %add3A_27 : vector<64x128xf32>
    %max3A_29 = arith.constant 0.000000e+00 : f32
    %max3A_30 = vector.broadcast %max3A_29 : f32 to vector<64x128xf32>
    %max3A_31 = arith.maximumf %add3A_28, %max3A_30 : vector<64x128xf32>
    %get3A_32 = arith.constant 0 : index
    %get3A_33 = arith.constant 0 : index
    %get3A_34 = vector.load %arg5[%get3A_32, %get3A_33] : memref<128x2xf32, #tpu.memory_space<vmem>>, vector<128x2xf32>
    %dot_general3A_35 = arith.constant dense<0.000000e+00> : vector<64x2xf32>
    %dot_general3A_36 = tpu.matmul %max3A_31, %get3A_34, %dot_general3A_35 {dimension_numbers = #tpu.dot_dimension_numbers<[1], [0], [0], [1], [0, 0, 1, 1], [], []>, transpose_lhs_hint = false} : vector<64x128xf32>, vector<128x2xf32>, vector<64x2xf32> -> vector<64x2xf32>
    %get3A_37 = arith.constant 0 : index
    %get3A_38 = arith.constant 0 : index
    %get3A_39 = vector.load %arg6[%get3A_37, %get3A_38] : memref<1x2xf32, #tpu.memory_space<vmem>>, vector<1x2xf32>
    %add3A_40 = vector.broadcast %get3A_39 : vector<1x2xf32> to vector<64x2xf32>
    %add3A_41 = arith.addf %dot_general3A_36, %add3A_40 : vector<64x2xf32>
    %reduce_max3A = arith.constant dense<0xFF800000> : vector<64xf32>
    %reduce_max3A_42 = vector.multi_reduction <maximumf>, %add3A_41, %reduce_max3A [1] : vector<64x2xf32> to vector<64xf32>
    %broadcast_in_dim3A_43 = vector.shape_cast %reduce_max3A_42 : vector<64xf32> to vector<64x1xf32>
    %sub3A = vector.broadcast %broadcast_in_dim3A_43 : vector<64x1xf32> to vector<64x2xf32>
    %sub3A_44 = arith.subf %add3A_41, %sub3A : vector<64x2xf32>
    %exp3A_45 = math.exp %sub3A_44 : vector<64x2xf32>
    %reduce_sum3A_46 = arith.constant dense<0.000000e+00> : vector<64xf32>
    %reduce_sum3A_47 = vector.multi_reduction <add>, %exp3A_45, %reduce_sum3A_46 [1] : vector<64x2xf32> to vector<64xf32>
    %broadcast_in_dim3A_48 = vector.shape_cast %reduce_sum3A_47 : vector<64xf32> to vector<64x1xf32>
    %log3A = math.log %broadcast_in_dim3A_48 : vector<64x1xf32>
    %add3A_49 = arith.addf %broadcast_in_dim3A_43, %log3A : vector<64x1xf32>
    %sub3A_50 = vector.broadcast %add3A_49 : vector<64x1xf32> to vector<64x2xf32>
    %sub3A_51 = arith.subf %add3A_41, %sub3A_50 : vector<64x2xf32>
    %swap3A = arith.constant 0 : index
    %swap3A_52 = arith.constant 0 : index
    %swap3A_53 = vector.load %arg7[%swap3A, %swap3A_52] : memref<64x2xf32, #tpu.memory_space<vmem>>, vector<64x2xf32>
    tpu.vector_store %arg7[%swap3A, %swap3A_52], %sub3A_51 {strides = array<i32>} : memref<64x2xf32, #tpu.memory_space<vmem>>, vector<64x2xf32>,
    return
  }
}

</mosaic_0001>

<sc_bundles>
// kernel: kernel.12.cloned.1.call-start
scs
__scs_entry_jumppad:
0x0: {  	(pc) =	sbr.rel $0x88, $3  }
0x1: {  	(tag) =	ssettag $0x0;
	lr =	simm.s32 $0x1  }
0x2: {  	[smem:$0x3F88] =	sst lr;
	_ =	strace $0xD0000000  }
0x3: {  	_ = 	snop  }
0x4: {  	_ = 	snop  }
0x5: {  	_ = 	snop  }
0x6: {  	_ = 	snop  }
0x7: {  	_ = 	snop  }
__scs_overlays_trampoline_lowered:
0x8: {  	[smem:$0x3F97] =	sst s0  }
0x9: {  	[smem:$0x3F98] =	sst s1  }
0xa: {  	[smem:$0x3F99] =	sst s2  }
0xb: {  	[smem:$0x3F9A] =	sst s3  }
0xc: {  	[smem:$0x3F9B] =	sst s4  }
0xd: {  	[smem:$0x3F9C] =	sst s5  }
0xe: {  	[smem:$0x3F9D] =	sst s6  }
0xf: {  	[smem:$0x3F9E] =	sst s7  }
0x10: {  	[smem:$0x3F9F] =	sst s8  }
0x11: {  	[smem:$0x3FA0] =	sst s9;
	s0 =	simm.s32 @!p0 $0x0  }
0x12: {  	s1 =	sld [smem:$0x3F86];
	s0 =	simm.s32 @p0 $0x1  }
0x13: {  	[smem:$0x3FA1] =	sst s0;
	s0 =	simm.s32 @!p1 $0x0  }
0x14: {  	s2 =	sld [smem:$0x3F85];
	s0 =	simm.s32 @p1 $0x1  }
0x15: {  	[smem:$0x3FA2] =	sst s0;
	s0 =	simm.s32 @!p2 $0x0  }
0x16: {  	s3 =	sld [smem:$0x3FDB];
	s0 =	simm.s32 @p2 $0x1  }
0x17: {  	s4 =	simm.s32 $0x1BF5;
	[smem:$0x3FA4] =	sst s0  }
0x18: {  	s0 =	sld [smem:$0x3F87];
	_ =	swait.ge [sflag:s4], $0x0  }
0x19: {  	s7 =	sld [smem:$0x3F88]  }
0x1a: {  	s8 =	sadd.s32 $0xFFFFE003, lr  }
0x1b: {  	s9 =	sadd.s32 $0xFFFFFEF7, lr;
	s5 =	simm.s32 $0xFFFFFFFF;
	p2 =	slt.u32 s8, $0xFFFFF086  }
0x1c: {  	p1 =	slt.u32 s9, $0xF7A;
	s5 =	simm.s32 @!p2 $0x0  }
0x1d: {  	s5 =	simm.s32 @p1 $0x1;
	p0 =	seq.s32 s7, s2  }
0x1e: {  	s7 =	smul.u32 @!p0 $0xF7A, s2;
	p2 =	seq.s32 @!p0 s5, $0x0  }
0x1f: {  	s9 =	smul.u32 $0xF7A, s1;
	s8 =	simm.s32 @!p0 $0x1BF5;
	p2 =	por !p2, p0  }
0x20: {  	[sflag:s8] =	ssyncset.s32 @!p0 $0xFFFFF086;
	s6 =	sadd.s32 @!p0 s3, s7;
	s7 =	simm.s32 @!p0 $0x108  }
0x21: {  	s3 =	sadd.s32 s3, s9;
	s6 =	sadd.s32 @!p0 $0x88, s6;
	s7 =	simm.s32 @p2 $0x1082  }
0x22: {  	[simem:s7], [sflag:s8] =	dma.local @!p0 [hbm:s6], $0xF7A  }
0x23: {  	s9 =	sor.u32 $0xD0000000, s2;
	s6 =	simm.s32 $0x108;
	_ =	swait.ge @!p0 [sflag:s8], $0x0  }
0x24: {  	s3 =	sadd.s32 $0x88, s3;
	s6 =	simm.s32 @!p1 $0x1082;
	[sflag:s4] =	ssyncset.s32 $0xFFFFF086  }
0x25: {  	[simem:s6], [sflag:s4] =	dma.local [hbm:s3], $0xF7A  }
0x26: {  	[smem:$0x3F88] =	sst s1;
	(tag) =	ssettag s2;
	_ =	strace s9  }
0x27: {  	s1 =	sld [smem:$0x3F98]  }
0x28: {  	s2 =	sld [smem:$0x3F99]  }
0x29: {  	s4 =	sld [smem:$0x3F9B]  }
0x2a: {  	p0 =	seq.s32 s5, $0x0;
	s5 =	sld [smem:$0x3F9C]  }
0x2b: {  	s6 =	sld [smem:$0x3F9D]  }
0x2c: {  	s7 =	sld [smem:$0x3F9E]  }
0x2d: {  	s3 =	simm.s32 $0x108;
	s8 =	sld [smem:$0x3F9F]  }
0x2e: {  	s3 =	simm.s32 @!p0 $0x1082;
	s9 =	sld [smem:$0x3FA0]  }
0x2f: {  	lr =	sadd.s32 s0, s3;
	s0 =	sld [smem:$0x3F97]  }
0x30: {  	s3 =	sld [smem:$0x3F9A]  }
0x31: {  	[smem:$0x3FA3] =	sst s10  }
0x32: {  	s10 =	sld [smem:$0x3FA1];
	_ =	sdelay $0x3  }
0x33: {  	p0 =	seq.s32 s10, $0x1;
	s10 =	sld [smem:$0x3FA3];
	_ =	sdelay $0x3  }
0x34: {  	[smem:$0x3FA3] =	sst s10  }
0x35: {  	s10 =	sld [smem:$0x3FA2];
	_ =	sdelay $0x3  }
0x36: {  	p1 =	seq.s32 s10, $0x1;
	s10 =	sld [smem:$0x3FA3];
	_ =	sdelay $0x3  }
0x37: {  	[smem:$0x3FA3] =	sst s10  }
0x38: {  	s10 =	sld [smem:$0x3FA4]  }
0x39: {  	_ = 	snop;
	(pc) =	sbr.ind lr, $3  }
0x3a: {  	_ = 	snop  }
0x3b: {  	_ = 	snop  }
0x3c: {  	p2 =	seq.s32 s10, $0x1;
	s10 =	sld [smem:$0x3FA3]  }
0x3d: {  	_ =	shalt  }
0x3e: {  	_ =	shalt  }
0x3f: {  	_ =	shalt  }
0x40: {  	_ =	shalt  }
0x41: {  	_ =	shalt  }
0x42: {  	_ =	shalt  }
0x43: {  	_ =	shalt  }
0x44: {  	_ =	shalt  }
0x45: {  	_ =	shalt  }
0x46: {  	_ =	shalt  }
0x47: {  	_ =	shalt  }
0x48: {  	_ =	shalt  }
0x49: {  	_ =	shalt  }
0x4a: {  	_ =	shalt  }
0x4b: {  	_ =	shalt  }
0x4c: {  	_ =	shalt  }
0x4d: {  	_ =	shalt  }
0x4e: {  	_ =	shalt  }
0x4f: {  	_ =	shalt  }
0x50: {  	_ =	shalt  }
0x51: {  	_ =	shalt  }
0x52: {  	_ =	shalt  }
0x53: {  	_ =	shalt  }
0x54: {  	_ =	shalt  }
0x55: {  	_ =	shalt  }
0x56: {  	_ =	shalt  }
0x57: {  	_ =	shalt  }
0x58: {  	_ =	shalt  }
0x59: {  	_ =	shalt  }
0x5a: {  	_ =	shalt  }
0x5b: {  	_ =	shalt  }
0x5c: {  	_ =	shalt  }
0x5d: {  	_ =	shalt  }
0x5e: {  	_ =	shalt  }
0x5f: {  	_ =	shalt  }
0x60: {  	_ =	shalt  }
0x61: {  	_ =	shalt  }
0x62: {  	_ =	shalt  }
0x63: {  	_ =	shalt  }
0x64: {  	_ =	shalt  }
0x65: {  	_ =	shalt  }
0x66: {  	_ =	shalt  }
0x67: {  	_ =	shalt  }
0x68: {  	_ =	shalt  }
0x69: {  	_ =	shalt  }
0x6a: {  	_ =	shalt  }
0x6b: {  	_ =	shalt  }
0x6c: {  	_ =	shalt  }
0x6d: {  	_ =	shalt  }
0x6e: {  	_ =	shalt  }
0x6f: {  	_ =	shalt  }
0x70: {  	_ =	shalt  }
0x71: {  	_ =	shalt  }
0x72: {  	_ =	shalt  }
0x73: {  	_ =	shalt  }
0x74: {  	_ =	shalt  }
0x75: {  	_ =	shalt  }
0x76: {  	_ =	shalt  }
0x77: {  	_ =	shalt  }
0x78: {  	_ =	shalt  }
0x79: {  	_ =	shalt  }
0x7a: {  	_ =	shalt  }
0x7b: {  	_ =	shalt  }
0x7c: {  	_ =	shalt  }
0x7d: {  	_ =	shalt  }
0x7e: {  	_ =	shalt  }
0x7f: {  	_ =	shalt  }
0x80: {  	_ =	shalt  }
0x81: {  	_ =	shalt  }
0x82: {  	_ =	shalt  }
0x83: {  	_ =	shalt  }
0x84: {  	_ =	shalt  }
0x85: {  	_ =	shalt  }
0x86: {  	_ =	shalt  }
0x87: {  	_ =	shalt  }
.Lfunc_end0:
.L_simem_size_0:
called_computation.1_lowered:
.L_overlay_start_0:
0x88: {  	s2 =	sld [smem:$0x3FD9]  }
0x89: {  	s3 =	sld [smem:$0x3FFE];
	_ =	sdelay $0x1  }
0x8a: {  	s1 =	srdreg.scid  }
0x8b: {  	s0 =	sand.u32 $0x1, s1  }
0x8c: {  	s14 =	sshll.u32 s0, $0xA;
	s2 =	sadd.s32 s3, s2  }
0x8d: {  	s2 =	sadd.s32 s2, s14  }
0x8e: {  	[smem:$0x3FAF] =	sst s2  }
0x8f: {  	_ = 	snop  }
0x90: {  	s2 =	sld [smem:$0x3FD0];
	_ =	sdelay $0x2  }
0x91: {  	s15 =	simm.s32 $0xA;
	s4 =	simm.s32 $0x10  }
0x92: {  	[smem:s4], [sflag:s15] =	dma.local [hbm:s2], $0x1  }
0x93: {  	_ =	swait.eq [sflag:s15], $0x1  }
0x94: {  	[sflag:s15] =	ssyncset.done $0x0  }
0x95: {  	s16 =	sld [smem:$0x11];
	[sflag:s15] =	ssyncadd.s32 $0xFFFFFFFF  }
0x96: {  	s17 =	sld [smem:$0x12];
	(tm) =	ssettm $0x1  }
0x97: {  	s18 =	sld [smem:$0x3FFB];
	_ =	sdelay $0x3  }
0x98: {  	_ =	strace s18  }
0x99: {  	s4 =	sld [smem:$0x3FFC];
	_ =	sdelay $0x3  }
0x9a: {  	_ =	strace s4  }
0x9b: {  	s4 =	sld [smem:$0x3FFD];
	_ =	sdelay $0x3  }
0x9c: {  	_ =	strace s4  }
0x9d: {  	_ =	strace $0x8FFFFFFF  }
0x9e: {  	s19 =	sld [smem:$0x3FDB];
	_ =	sdelay $0x1  }
0x9f: {  	s5 =	simm.s32 $_scs_section_size  }
0xa0: {  	s6 =	simm.s32 $_size__tile_overlayer_lowered;
	s7 =	simm.s32 $_tile_overlayer_lowered  }
0xa1: {  	s22 =	simm.s32 $0x1BFF;
	s21 =	sshll.u32 s7, $0x1;
	s4 =	sadd.s32 s5, s19  }
0xa2: {  	s8 =	simm.s32 $0x0;
	s20 =	sshll.u32 s6, $0x1;
	s6 =	sadd.s32 s21, s4  }
0xa3: {  	[timem:s8], [sflag:s22] =	dma.local [hbm:s6], s20  }
0xa4: {  	_ =	swait.ge [sflag:s22], s20  }
0xa5: {  	s5 =	ssub.s32 $0x0, s20;
	[sflag:s22] =	ssyncset.done $0x0  }
0xa6: {  	[sflag:s22] =	ssyncadd.s32 s5;
	_ =	sdelay $0x1  }
0xa7: {  	s23 =	simm.s32 $0x1B8B  }
0xa8: {  	_ =	swait.ge [sflag:s23], $0x1  }
0xa9: {  	[sflag:s23] =	ssyncset.done $0x0  }
0xaa: {  	s25 =	simm.s32 $0x1B8E;
	s24 =	sld [smem:$0x3FFE];
	[sflag:s23] =	ssyncadd.s32 $0xFFFFFFFF  }
0xab: {  	s26 =	simm.s32 $execute0_lowered;
	[smem:$0x3FD2] =	sst s25  }
0xac: {  	s6 =	sshll.u32 s26, $0x1;
	_ =	strace $0x80000049;
	[dreg:$0x1] =	wrdreg $0xFFFFFFFF  }
0xad: {  	s28 =	simm.s32 $_size_execute0_lowered;
	s4 =	sadd.s32 s4, s6;
	[dreg:$0x0] =	wrdreg $0x0  }
0xae: {  	s6 =	sshll.u32 s28, $0x1;
	[dreg:$0x2] =	wrdreg s4  }
0xaf: {  	[dreg:$0x3] =	wrdreg s6  }
0xb0: {  	[dreg:$0x4] =	wrdreg $0xC0  }
0xb1: {  	_ =	task [dreg:s8], $0x5FFFF  }
0xb2: {  	[dreg:$0x1] =	wrdreg $0xFFFFFFFF  }
0xb3: {  	[dreg:$0x0] =	wrdreg $0x60  }
0xb4: {  	[dreg:$0x2] =	wrdreg s24  }
0xb5: {  	[dreg:$0x3] =	wrdreg s17  }
0xb6: {  	[dreg:$0x4] =	wrdreg s16  }
0xb7: {  	[dreg:$0x5] =	wrdreg $0xAC000  }
0xb8: {  	[dreg:$0x6] =	wrdreg $0x9  }
0xb9: {  	_ =	task.clear_ibuf [dreg:s8], $0x7FFFF;
	_ =	strace $0x90000049  }
0xba: {  	s29 =	simm.s32 $0x9;
	_ =	strace $0x8000004B  }
0xbb: {  	_ =	swait.ge [sflag:s29], $0x1  }
0xbc: {  	[sflag:s29] =	ssyncadd.s32 $0xFFFFFFFF  }
0xbd: {  	_ =	strace $0x9000004B  }
0xbe: {  	_ =	sfence  }
0xbf: {  	s30 =	sld [smem:$0x0];
	_ =	sdelay $0x2  }
0xc0: {  	s31 =	sshll.u32 s1, $0xD;
	s1 =	sshrl.u32 s1, $0x2  }
0xc1: {  	s3 =	sand.u32 $0x4000, s31;
	s1 =	sadd.s32 s1, s30  }
0xc2: {  	s0 =	sor.u32 s3, s0;
	s1 =	sshll.u32 s1, $0x11  }
0xc3: {  	s0 =	sor.u32 s1, s0  }
0xc4: {  	s0 =	sadd.s32 $0x8F2B, s0  }
0xc5: {  	[sflag:s0] =	ssyncadd.remote.s32 $0x1  }
0xc6: {  	_ =	sfence.sel $0xFFFF  }
0xc7: {  	[dreg:$0x0] =	wrdreg $0xFFFFFFFF;
	(pc) =	sbr.abs _section_cstart, $3  }
0xc8: {  	[dreg:$0x1] =	wrdreg $0xFFFFFFFF  }
0xc9: {  	_ =	task.clear_ibuf [dreg:s8], $0x2FFFF;
	_ =	strace $0x9FFFFFFF  }
0xca: {  	(tm) =	ssettm $0x7FFFFFFF  }
0xcb: {  	_ =	shalt  }
tec
execute0_lowered:
.L_overlay_start_1:
0x0: {  	(tag) =	ssettag $0x1  }
0x1: {  	s0 =	rddreg [dreg:$0x0]  }
0x2: {  	s1 =	rddreg [dreg:$0x1]  }
0x3: {  	s3 =	rddreg [dreg:$0x3]  }
0x4: {  	s2 =	srdreg.scid;
	s13 =	stileid.u32  }
0x5: {  	s4 =	simm.s32 $0x0;
	s28 =	simm.s32 $0x2;
	s29 =	simm.s32 $0x6  }
0x6: {  	s30 =	simm.s32 $0x4;
	s31 =	simm.s32 $0x7;
	s2 =	sand.u32 $0x1, s2  }
0x7: {  	s6 =	smul.u32 $0x14000, s13;
	[smem:$0x7FF] =	sst s4;
	s5 =	sadd.s32 $0x5200, s0  }
0x8: {  	s8 =	sadd.s32 $0x53600, s0;
	s9 =	smul.u32 $0x5000, s13;
	s11 =	sshll.u32 s13, $0x1  }
0x9: {  	s7 =	smul.u32 $0x140000, s2;
	_ =	strace $0x8000004A;
	[dreg:$0xd] =	wrdreg s8  }
0xa: {  	s25 =	ssub.s32 $0x2, s2;
	s12 =	smul.u32 $0x2800, s2;
	s2 =	sor.u32 s2, s11  }
0xb: {  	s8 =	simm.s32 $0xB;
	s10 =	sshrl.u32 s25, $0x1;
	s2 =	smul.u32 $0x500, s2  }
0xc: {  	s7 =	sadd.s32 s6, s7;
	s26 =	ssub.s32 s25, s10;
	s10 =	sshll.u32 s13, $0x6  }
0xd: {  	s9 =	sadd.s32 s12, s9;
	s6 =	sadd.s32 s6, s3;
	s7 =	sshrl.u32 s7, $0x3  }
0xe: {  	s10 =	sor.u32 $0x1C0D, s10;
	s11 =	sor.u32 $0x380, s9;
	s1 =	sadd.s32 s1, s2  }
0xf: {  	s13 =	sor.u32 $0x300, s9;
	s15 =	sor.u32 $0x280, s9;
	s17 =	sor.u32 $0x200, s9  }
0x10: {  	s19 =	sor.u32 $0x180, s9;
	s21 =	sor.u32 $0x100, s9;
	s23 =	sor.u32 $0x80, s9  }
0x11: {  	s25 =	smax.u32 s26, $0x1;
	s26 =	sshrl.u32 s9, $0x3;
	[dreg:$0xf] =	wrdreg s1  }
0x12: {  	s9 =	simm.s32 $0xC;
	s0 =	sadd.s32 s7, s0;
	[dreg:$0x11] =	wrdreg s25  }
0x13: {  	s12 =	sshrl.u32 s11, $0x3;
	s14 =	sshrl.u32 s13, $0x3;
	[dreg:$0xc] =	wrdreg s26  }
0x14: {  	s16 =	sshrl.u32 s15, $0x3;
	s18 =	sshrl.u32 s17, $0x3;
	[dreg:$0xe] =	wrdreg s10  }
0x15: {  	s20 =	sshrl.u32 s19, $0x3;
	s22 =	sshrl.u32 s21, $0x3;
	[dreg:$0x5] =	wrdreg s12  }
0x16: {  	s24 =	sshrl.u32 s23, $0x3;
	s7 =	sshrl.u32 s6, $0x3;
	[dreg:$0x6] =	wrdreg s14  }
0x17: {  	s11 =	simm.s32 $0xD;
	s21 =	simm.s32 $0x80;
	[dreg:$0x7] =	wrdreg s16  }
0x18: {  	s23 =	simm.s32 $0x6C00;
	s26 =	simm.s32 $0x3;
	[dreg:$0x8] =	wrdreg s18  }
0x19: {  	s1 =	simm.s32 $0x9;
	s6 =	simm.s32 $0xA;
	[dreg:$0x9] =	wrdreg s20  }
0x1a: {  	s19 =	simm.s32 $0x2A00;
	s25 =	simm.s32 $0x2B80;
	[dreg:$0xa] =	wrdreg s22  }
0x1b: {  	s0 =	sadd.s32 $0x55E00, s0;
	[dreg:$0xb] =	wrdreg s24;
	s22 =	simm.s32 $0x2C00  }
0x1c: {  	s24 =	simm.s32 $0x1;
	s12 =	simm.s32 $0x0;
	[dreg:$0x12] =	wrdreg s7  }
0x1d: {  	s20 =	simm.s32 $0x2A80;
	[dreg:$0x10] =	wrdreg s0;
	s0 =	simm.s32 $0x8  }
.LBB2_1:
0x1e: {  	[dreg:$0x13] =	wrdreg s12  }
0x1f: {  	s2 =	rddreg [dreg:$0xd]  }
0x20: {  	[spmem:s7], [sflag:s10] =	dma.local [hbm:s2], $0x2800  }
0x21: {  	_ =	swait.ge [sflag:s11], $0x2800  }
0x22: {  	[sflag:s11] =	ssyncset.done $0x0  }
0x23: {  	s13 =	rddreg [dreg:$0xf];
	[sflag:s11] =	ssyncadd.s32 $0xFFFFD800  }
0x24: {  	[tilespmem:s4], [sflag:$0xD] =	stream.linear.gather [hbm4b:s13+s4], $0x2800, $0x38;
	[tilespmem:$0x1EC00] =	vst v63  }
0x25: {  	_ =	swait.ge [sflag:s11], $0x2800  }
0x26: {  	[sflag:s11] =	ssyncset.done $0x0  }
0x27: {  	[sflag:s11] =	ssyncadd.s32 $0xFFFFD800  }
0x28: {  	[bflag:$0x0] =	sbarrier.arrive $0xFFFF  }
0x29: {  	s14 =	rddreg [dreg:$0xc]  }
0x2a: {  	s10 =	rddreg [dreg:$0x2]  }
0x2b: {  	s12 =	simm.s32 $0x2800;
	s15 =	rddreg [dreg:$0xb];
	s2 =	sadd.s32 s10, s14  }
0x2c: {  	[tilespmem:s12], [sflag:$0x5] =	stream.linear.gather [hbm4b:s2+s4], $0x80, $0x38;
	[tilespmem:$0x1EC00] =	vst v63  }
0x2d: {  	s13 =	simm.s32 $0x2880;
	s16 =	rddreg [dreg:$0xa];
	s17 =	sadd.s32 s10, s15  }
0x2e: {  	[tilespmem:s13], [sflag:$0x6] =	stream.linear.gather [hbm4b:s17+s4], $0x80, $0x38;
	[tilespmem:$0x1EC00] =	vst v63  }
0x2f: {  	s18 =	rddreg [dreg:$0x9];
	s15 =	sadd.s32 s10, s16;
	s14 =	simm.s32 $0x2900  }
0x30: {  	[tilespmem:s14], [sflag:$0x7] =	stream.linear.gather [hbm4b:s15+s4], $0x80, $0x38;
	[tilespmem:$0x1EC00] =	vst v63  }
0x31: {  	s16 =	rddreg [dreg:$0x8];
	s17 =	sadd.s32 s10, s18;
	s15 =	simm.s32 $0x2980  }
0x32: {  	[tilespmem:s15], [sflag:$0x8] =	stream.linear.gather [hbm4b:s17+s4], $0x80, $0x38;
	[tilespmem:$0x1EC00] =	vst v63  }
0x33: {  	s18 =	rddreg [dreg:$0x7];
	s17 =	sadd.s32 s10, s16;
	s16 =	simm.s32 $0x2A00  }
0x34: {  	[tilespmem:s16], [sflag:$0x9] =	stream.linear.gather [hbm4b:s17+s4], $0x80, $0x38;
	[tilespmem:$0x1EC00] =	vst v63  }
0x35: {  	s11 =	rddreg [dreg:$0x6];
	s18 =	sadd.s32 s10, s18;
	s17 =	simm.s32 $0x2A80  }
0x36: {  	[tilespmem:s17], [sflag:$0xA] =	stream.linear.gather [hbm4b:s18+s4], $0x80, $0x38;
	[tilespmem:$0x1EC00] =	vst v63  }
0x37: {  	s7 =	rddreg [dreg:$0x5];
	s18 =	sadd.s32 s10, s11;
	s11 =	simm.s32 $0x2B00  }
0x38: {  	[tilespmem:s11], [sflag:$0xB] =	stream.linear.gather [hbm4b:s18+s4], $0x80, $0x38;
	[tilespmem:$0x1EC00] =	vst v63  }
0x39: {  	s18 =	sadd.s32 s10, s7;
	s7 =	simm.s32 $0x2B80  }
0x3a: {  	[tilespmem:s7], [sflag:$0xC] =	stream.linear.gather [hbm4b:s18+s4], $0x80, $0x38;
	[tilespmem:$0x1EC00] =	vst v63  }
0x3b: {  	s18 =	simm.s32 $0x0  }
0x3c: {  	[tilespmem:s22], [sflag:$0x1] =	stream.indirect.gather [hbm4b:s5+s21], $0x80, s18, s21, $0xb8;
	[tilespmem:$0x1EC00] =	vst v63  }
0x3d: {  	s18 =	simm.s32 $0x80  }
0x3e: {  	[tilespmem:s23], [sflag:$0x2] =	stream.indirect.gather [hbm4b:s5+s21], $0x80, s18, s21, $0xb8;
	[tilespmem:$0x1EC00] =	vst v63  }
0x3f: {  	_ =	swait.ge [sflag:s24], $0x4000  }
0x40: {  	[sflag:s24] =	ssyncset.done $0x0  }
0x41: {  	s18 =	simm.s32 $0x5;
	[sflag:s24] =	ssyncadd.s32 $0xFFFFC000  }
0x42: {  	_ =	swait.ge [sflag:s18], $0x80  }
0x43: {  	[sflag:s18] =	ssyncset.done $0x0  }
0x44: {  	[sflag:s18] =	ssyncadd.s32 $0xFFFFFF80  }
0x45: {  	[spmem:s3] =	stream.indirect.scatter.add.f32 [tilespmem:s22], [sflag:$0x3], $0x80, s12, s21, $0xb8;
	[tilespmem:$0x1EC00] =	vst v63  }
0x46: {  	_ =	swait.ge [sflag:s26], $0x4000  }
0x47: {  	[sflag:s26] =	ssyncset.done $0x0  }
0x48: {  	s12 =	simm.s32 $0x100;
	[sflag:s26] =	ssyncadd.s32 $0xFFFFC000  }
0x49: {  	[tilespmem:s22], [sflag:$0x1] =	stream.indirect.gather [hbm4b:s5+s21], $0x80, s12, s21, $0xb8;
	[tilespmem:$0x1EC00] =	vst v63  }
0x4a: {  	_ =	swait.ge [sflag:s28], $0x4000  }
0x4b: {  	[sflag:s28] =	ssyncset.done $0x0  }
0x4c: {  	[sflag:s28] =	ssyncadd.s32 $0xFFFFC000  }
0x4d: {  	_ =	swait.ge [sflag:s29], $0x80  }
0x4e: {  	[sflag:s29] =	ssyncset.done $0x0  }
0x4f: {  	[sflag:s29] =	ssyncadd.s32 $0xFFFFFF80  }
0x50: {  	[spmem:s3] =	stream.indirect.scatter.add.f32 [tilespmem:s23], [sflag:$0x4], $0x80, s13, s21, $0xb8;
	[tilespmem:$0x1EC00] =	vst v63  }
0x51: {  	_ =	swait.ge [sflag:s30], $0x4000  }
0x52: {  	[sflag:s30] =	ssyncset.done $0x0  }
0x53: {  	s13 =	simm.s32 $0x180;
	[sflag:s30] =	ssyncadd.s32 $0xFFFFC000  }
0x54: {  	[tilespmem:s23], [sflag:$0x2] =	stream.indirect.gather [hbm4b:s5+s21], $0x80, s13, s21, $0xb8;
	[tilespmem:$0x1EC00] =	vst v63  }
0x55: {  	_ =	swait.ge [sflag:s24], $0x4000  }
0x56: {  	[sflag:s24] =	ssyncset.done $0x0  }
0x57: {  	[sflag:s24] =	ssyncadd.s32 $0xFFFFC000  }
0x58: {  	_ =	swait.ge [sflag:s31], $0x80  }
0x59: {  	[sflag:s31] =	ssyncset.done $0x0  }
0x5a: {  	[sflag:s31] =	ssyncadd.s32 $0xFFFFFF80  }
0x5b: {  	[spmem:s3] =	stream.indirect.scatter.add.f32 [tilespmem:s22], [sflag:$0x3], $0x80, s14, s21, $0xb8;
	[tilespmem:$0x1EC00] =	vst v63  }
0x5c: {  	_ =	swait.ge [sflag:s26], $0x4000  }
0x5d: {  	[sflag:s26] =	ssyncset.done $0x0  }
0x5e: {  	s14 =	simm.s32 $0x200;
	[sflag:s26] =	ssyncadd.s32 $0xFFFFC000  }
0x5f: {  	[tilespmem:s22], [sflag:$0x1] =	stream.indirect.gather [hbm4b:s5+s21], $0x80, s14, s21, $0xb8;
	[tilespmem:$0x1EC00] =	vst v63  }
0x60: {  	_ =	swait.ge [sflag:s28], $0x4000  }
0x61: {  	[sflag:s28] =	ssyncset.done $0x0  }
0x62: {  	[sflag:s28] =	ssyncadd.s32 $0xFFFFC000  }
0x63: {  	_ =	swait.ge [sflag:s0], $0x80  }
0x64: {  	[sflag:s0] =	ssyncset.done $0x0  }
0x65: {  	[sflag:s0] =	ssyncadd.s32 $0xFFFFFF80  }
0x66: {  	[spmem:s3] =	stream.indirect.scatter.add.f32 [tilespmem:s23], [sflag:$0x4], $0x80, s15, s21, $0xb8;
	[tilespmem:$0x1EC00] =	vst v63  }
0x67: {  	_ =	swait.ge [sflag:s30], $0x4000  }
0x68: {  	[sflag:s30] =	ssyncset.done $0x0  }
0x69: {  	s15 =	simm.s32 $0x280;
	[sflag:s30] =	ssyncadd.s32 $0xFFFFC000  }
0x6a: {  	[tilespmem:s23], [sflag:$0x2] =	stream.indirect.gather [hbm4b:s5+s21], $0x80, s15, s21, $0xb8;
	[tilespmem:$0x1EC00] =	vst v63  }
0x6b: {  	_ =	swait.ge [sflag:s24], $0x4000  }
0x6c: {  	[sflag:s24] =	ssyncset.done $0x0  }
0x6d: {  	[sflag:s24] =	ssyncadd.s32 $0xFFFFC000  }
0x6e: {  	_ =	swait.ge [sflag:s1], $0x80  }
0x6f: {  	[sflag:s1] =	ssyncset.done $0x0  }
0x70: {  	[sflag:s1] =	ssyncadd.s32 $0xFFFFFF80  }
0x71: {  	[spmem:s3] =	stream.indirect.scatter.add.f32 [tilespmem:s22], [sflag:$0x3], $0x80, s16, s21, $0xb8;
	[tilespmem:$0x1EC00] =	vst v63  }
0x72: {  	_ =	swait.ge [sflag:s26], $0x4000  }
0x73: {  	[sflag:s26] =	ssyncset.done $0x0  }
0x74: {  	s16 =	simm.s32 $0x300;
	[sflag:s26] =	ssyncadd.s32 $0xFFFFC000  }
0x75: {  	[tilespmem:s22], [sflag:$0x1] =	stream.indirect.gather [hbm4b:s5+s21], $0x80, s16, s21, $0xb8;
	[tilespmem:$0x1EC00] =	vst v63  }
0x76: {  	_ =	swait.ge [sflag:s28], $0x4000  }
0x77: {  	[sflag:s28] =	ssyncset.done $0x0  }
0x78: {  	[sflag:s28] =	ssyncadd.s32 $0xFFFFC000  }
0x79: {  	_ =	swait.ge [sflag:s6], $0x80  }
0x7a: {  	[sflag:s6] =	ssyncset.done $0x0  }
0x7b: {  	[sflag:s6] =	ssyncadd.s32 $0xFFFFFF80  }
0x7c: {  	[spmem:s3] =	stream.indirect.scatter.add.f32 [tilespmem:s23], [sflag:$0x4], $0x80, s17, s21, $0xb8;
	[tilespmem:$0x1EC00] =	vst v63  }
0x7d: {  	_ =	swait.ge [sflag:s30], $0x4000  }
0x7e: {  	[sflag:s30] =	ssyncset.done $0x0  }
0x7f: {  	s18 =	simm.s32 $0x380;
	[sflag:s30] =	ssyncadd.s32 $0xFFFFC000  }
0x80: {  	[tilespmem:s23], [sflag:$0x2] =	stream.indirect.gather [hbm4b:s5+s21], $0x80, s18, s21, $0xb8;
	[tilespmem:$0x1EC00] =	vst v63  }
0x81: {  	_ =	swait.ge [sflag:s24], $0x4000  }
0x82: {  	[sflag:s24] =	ssyncset.done $0x0  }
0x83: {  	[sflag:s24] =	ssyncadd.s32 $0xFFFFC000  }
0x84: {  	_ =	swait.ge [sflag:s8], $0x80  }
0x85: {  	[sflag:s8] =	ssyncset.done $0x0  }
0x86: {  	[sflag:s8] =	ssyncadd.s32 $0xFFFFFF80  }
0x87: {  	[spmem:s3] =	stream.indirect.scatter.add.f32 [tilespmem:s22], [sflag:$0x3], $0x80, s11, s21, $0xb8;
	[tilespmem:$0x1EC00] =	vst v63  }
0x88: {  	_ =	swait.ge [sflag:s28], $0x4000  }
0x89: {  	[sflag:s28] =	ssyncset.done $0x0  }
0x8a: {  	[sflag:s28] =	ssyncadd.s32 $0xFFFFC000  }
0x8b: {  	_ =	swait.ge [sflag:s9], $0x80  }
0x8c: {  	[sflag:s9] =	ssyncset.done $0x0  }
0x8d: {  	[sflag:s9] =	ssyncadd.s32 $0xFFFFFF80  }
0x8e: {  	[spmem:s3] =	stream.indirect.scatter.add.f32 [tilespmem:s23], [sflag:$0x4], $0x80, s7, s21, $0xb8;
	[tilespmem:$0x1EC00] =	vst v63  }
0x8f: {  	_ =	swait.ge [sflag:s26], $0x4000  }
0x90: {  	[sflag:s26] =	ssyncset.done $0x0  }
0x91: {  	[sflag:s26] =	ssyncadd.s32 $0xFFFFC000  }
0x92: {  	s2 =	smov.u32 s10;
	s11 =	simm.s32 $0x2000;
	_ =	swait.ge [sflag:s30], $0x4000  }
0x93: {  	s7 =	simm.s32 $0x1000;
	s12 =	rddreg [dreg:$0xc];
	[sflag:s30] =	ssyncset.done $0x0  }
.LBB2_2:
0x94: {  	[sflag:s30] =	ssyncadd.s32 $0xFFFFC000;
	s2 =	sadd.s32 $0x80, s2  }
0x95: {  	s10 =	rddreg [dreg:$0xb];
	s15 =	simm.s32 $0x2800;
	s12 =	sadd.s32 s2, s12  }
0x96: {  	[tilespmem:s15], [sflag:$0x5] =	stream.linear.gather [hbm4b:s12+s4], $0x80, $0x38;
	[tilespmem:$0x1EC00] =	vst v63  }
0x97: {  	s14 =	rddreg [dreg:$0xa];
	s16 =	simm.s32 $0x2880;
	s10 =	sadd.s32 s2, s10  }
0x98: {  	[tilespmem:s16], [sflag:$0x6] =	stream.linear.gather [hbm4b:s10+s4], $0x80, $0x38;
	[tilespmem:$0x1EC00] =	vst v63  }
0x99: {  	s17 =	simm.s32 $0x2900;
	s18 =	sadd.s32 s2, s14;
	s12 =	rddreg [dreg:$0x9]  }
0x9a: {  	[tilespmem:s17], [sflag:$0x7] =	stream.linear.gather [hbm4b:s18+s4], $0x80, $0x38;
	[tilespmem:$0x1EC00] =	vst v63  }
0x9b: {  	s14 =	rddreg [dreg:$0x8];
	s10 =	sadd.s32 s2, s12;
	s18 =	simm.s32 $0x2980  }
0x9c: {  	[tilespmem:s18], [sflag:$0x8] =	stream.linear.gather [hbm4b:s10+s4], $0x80, $0x38;
	[tilespmem:$0x1EC00] =	vst v63  }
0x9d: {  	s12 =	rddreg [dreg:$0x7];
	s10 =	sadd.s32 s2, s14  }
0x9e: {  	[tilespmem:s19], [sflag:$0x9] =	stream.linear.gather [hbm4b:s10+s4], $0x80, $0x38;
	[tilespmem:$0x1EC00] =	vst v63  }
0x9f: {  	s14 =	rddreg [dreg:$0x6];
	s10 =	sadd.s32 s2, s12  }
0xa0: {  	[tilespmem:s20], [sflag:$0xA] =	stream.linear.gather [hbm4b:s10+s4], $0x80, $0x38;
	[tilespmem:$0x1EC00] =	vst v63  }
0xa1: {  	s12 =	rddreg [dreg:$0x5];
	s10 =	sadd.s32 s2, s14;
	s14 =	simm.s32 $0x2B00  }
0xa2: {  	[tilespmem:s14], [sflag:$0xB] =	stream.linear.gather [hbm4b:s10+s4], $0x80, $0x38;
	[tilespmem:$0x1EC00] =	vst v63  }
0xa3: {  	s12 =	sadd.s32 s2, s12  }
0xa4: {  	[tilespmem:s25], [sflag:$0xC] =	stream.linear.gather [hbm4b:s12+s4], $0x80, $0x38;
	[tilespmem:$0x1EC00] =	vst v63  }
0xa5: {  	s13 =	smov.u32 s11;
	s12 =	sshra.s32 s7, $0x2  }
0xa6: {  	[tilespmem:s22], [sflag:$0x1] =	stream.indirect.gather [hbm4b:s5+s21], $0x80, s12, s21, $0xb8;
	[tilespmem:$0x1EC00] =	vst v63  }
0xa7: {  	s7 =	smov.u32 s13;
	s13 =	sadd.s32 $0x80, s12  }
0xa8: {  	[tilespmem:s23], [sflag:$0x2] =	stream.indirect.gather [hbm4b:s5+s21], $0x80, s13, s21, $0xb8;
	[tilespmem:$0x1EC00] =	vst v63  }
0xa9: {  	_ =	swait.ge [sflag:s24], $0x4000  }
0xaa: {  	[sflag:s24] =	ssyncset.done $0x0  }
0xab: {  	s13 =	simm.s32 $0x5;
	[sflag:s24] =	ssyncadd.s32 $0xFFFFC000  }
0xac: {  	_ =	swait.ge [sflag:s13], $0x80  }
0xad: {  	[sflag:s13] =	ssyncset.done $0x0  }
0xae: {  	[sflag:s13] =	ssyncadd.s32 $0xFFFFFF80  }
0xaf: {  	[spmem:s3] =	stream.indirect.scatter.add.f32 [tilespmem:s22], [sflag:$0x3], $0x80, s15, s21, $0xb8;
	[tilespmem:$0x1EC00] =	vst v63  }
0xb0: {  	_ =	swait.ge [sflag:s26], $0x4000  }
0xb1: {  	[sflag:s26] =	ssyncset.done $0x0  }
0xb2: {  	s15 =	sadd.s32 $0x100, s12;
	[sflag:s26] =	ssyncadd.s32 $0xFFFFC000  }
0xb3: {  	[tilespmem:s22], [sflag:$0x1] =	stream.indirect.gather [hbm4b:s5+s21], $0x80, s15, s21, $0xb8;
	[tilespmem:$0x1EC00] =	vst v63  }
0xb4: {  	_ =	swait.ge [sflag:s28], $0x4000  }
0xb5: {  	[sflag:s28] =	ssyncset.done $0x0  }
0xb6: {  	[sflag:s28] =	ssyncadd.s32 $0xFFFFC000  }
0xb7: {  	_ =	swait.ge [sflag:s29], $0x80  }
0xb8: {  	[sflag:s29] =	ssyncset.done $0x0  }
0xb9: {  	[sflag:s29] =	ssyncadd.s32 $0xFFFFFF80  }
0xba: {  	[spmem:s3] =	stream.indirect.scatter.add.f32 [tilespmem:s23], [sflag:$0x4], $0x80, s16, s21, $0xb8;
	[tilespmem:$0x1EC00] =	vst v63  }
0xbb: {  	_ =	swait.ge [sflag:s30], $0x4000  }
0xbc: {  	[sflag:s30] =	ssyncset.done $0x0  }
0xbd: {  	s13 =	sadd.s32 $0x180, s12;
	[sflag:s30] =	ssyncadd.s32 $0xFFFFC000  }
0xbe: {  	[tilespmem:s23], [sflag:$0x2] =	stream.indirect.gather [hbm4b:s5+s21], $0x80, s13, s21, $0xb8;
	[tilespmem:$0x1EC00] =	vst v63  }
0xbf: {  	_ =	swait.ge [sflag:s24], $0x4000  }
0xc0: {  	[sflag:s24] =	ssyncset.done $0x0  }
0xc1: {  	[sflag:s24] =	ssyncadd.s32 $0xFFFFC000  }
0xc2: {  	_ =	swait.ge [sflag:s31], $0x80  }
0xc3: {  	[sflag:s31] =	ssyncset.done $0x0  }
0xc4: {  	[sflag:s31] =	ssyncadd.s32 $0xFFFFFF80  }
0xc5: {  	[spmem:s3] =	stream.indirect.scatter.add.f32 [tilespmem:s22], [sflag:$0x3], $0x80, s17, s21, $0xb8;
	[tilespmem:$0x1EC00] =	vst v63  }
0xc6: {  	_ =	swait.ge [sflag:s26], $0x4000  }
0xc7: {  	[sflag:s26] =	ssyncset.done $0x0  }
0xc8: {  	s15 =	sadd.s32 $0x200, s12;
	[sflag:s26] =	ssyncadd.s32 $0xFFFFC000  }
0xc9: {  	[tilespmem:s22], [sflag:$0x1] =	stream.indirect.gather [hbm4b:s5+s21], $0x80, s15, s21, $0xb8;
	[tilespmem:$0x1EC00] =	vst v63  }
0xca: {  	_ =	swait.ge [sflag:s28], $0x4000  }
0xcb: {  	[sflag:s28] =	ssyncset.done $0x0  }
0xcc: {  	[sflag:s28] =	ssyncadd.s32 $0xFFFFC000  }
0xcd: {  	_ =	swait.ge [sflag:s0], $0x80  }
0xce: {  	[sflag:s0] =	ssyncset.done $0x0  }
0xcf: {  	[sflag:s0] =	ssyncadd.s32 $0xFFFFFF80  }
0xd0: {  	[spmem:s3] =	stream.indirect.scatter.add.f32 [tilespmem:s23], [sflag:$0x4], $0x80, s18, s21, $0xb8;
	[tilespmem:$0x1EC00] =	vst v63  }
0xd1: {  	_ =	swait.ge [sflag:s30], $0x4000  }
0xd2: {  	[sflag:s30] =	ssyncset.done $0x0  }
0xd3: {  	s16 =	sadd.s32 $0x280, s12;
	[sflag:s30] =	ssyncadd.s32 $0xFFFFC000  }
0xd4: {  	[tilespmem:s23], [sflag:$0x2] =	stream.indirect.gather [hbm4b:s5+s21], $0x80, s16, s21, $0xb8;
	[tilespmem:$0x1EC00] =	vst v63  }
0xd5: {  	_ =	swait.ge [sflag:s24], $0x4000  }
0xd6: {  	[sflag:s24] =	ssyncset.done $0x0  }
0xd7: {  	[sflag:s24] =	ssyncadd.s32 $0xFFFFC000  }
0xd8: {  	_ =	swait.ge [sflag:s1], $0x80  }
0xd9: {  	[sflag:s1] =	ssyncset.done $0x0  }
0xda: {  	[sflag:s1] =	ssyncadd.s32 $0xFFFFFF80  }
0xdb: {  	[spmem:s3] =	stream.indirect.scatter.add.f32 [tilespmem:s22], [sflag:$0x3], $0x80, s19, s21, $0xb8;
	[tilespmem:$0x1EC00] =	vst v63  }
0xdc: {  	_ =	swait.ge [sflag:s26], $0x4000  }
0xdd: {  	[sflag:s26] =	ssyncset.done $0x0  }
0xde: {  	s17 =	sadd.s32 $0x300, s12;
	[sflag:s26] =	ssyncadd.s32 $0xFFFFC000  }
0xdf: {  	[tilespmem:s22], [sflag:$0x1] =	stream.indirect.gather [hbm4b:s5+s21], $0x80, s17, s21, $0xb8;
	[tilespmem:$0x1EC00] =	vst v63  }
0xe0: {  	_ =	swait.ge [sflag:s28], $0x4000  }
0xe1: {  	[sflag:s28] =	ssyncset.done $0x0  }
0xe2: {  	[sflag:s28] =	ssyncadd.s32 $0xFFFFC000  }
0xe3: {  	_ =	swait.ge [sflag:s6], $0x80  }
0xe4: {  	[sflag:s6] =	ssyncset.done $0x0  }
0xe5: {  	[sflag:s6] =	ssyncadd.s32 $0xFFFFFF80  }
0xe6: {  	[spmem:s3] =	stream.indirect.scatter.add.f32 [tilespmem:s23], [sflag:$0x4], $0x80, s20, s21, $0xb8;
	[tilespmem:$0x1EC00] =	vst v63  }
0xe7: {  	_ =	swait.ge [sflag:s30], $0x4000  }
0xe8: {  	[sflag:s30] =	ssyncset.done $0x0  }
0xe9: {  	s18 =	sadd.s32 $0x380, s12;
	[sflag:s30] =	ssyncadd.s32 $0xFFFFC000  }
0xea: {  	[tilespmem:s23], [sflag:$0x2] =	stream.indirect.gather [hbm4b:s5+s21], $0x80, s18, s21, $0xb8;
	[tilespmem:$0x1EC00] =	vst v63  }
0xeb: {  	_ =	swait.ge [sflag:s24], $0x4000  }
0xec: {  	[sflag:s24] =	ssyncset.done $0x0  }
0xed: {  	[sflag:s24] =	ssyncadd.s32 $0xFFFFC000  }
0xee: {  	_ =	swait.ge [sflag:s8], $0x80  }
0xef: {  	[sflag:s8] =	ssyncset.done $0x0  }
0xf0: {  	[sflag:s8] =	ssyncadd.s32 $0xFFFFFF80  }
0xf1: {  	[spmem:s3] =	stream.indirect.scatter.add.f32 [tilespmem:s22], [sflag:$0x3], $0x80, s14, s21, $0xb8;
	[tilespmem:$0x1EC00] =	vst v63  }
0xf2: {  	_ =	swait.ge [sflag:s28], $0x4000  }
0xf3: {  	[sflag:s28] =	ssyncset.done $0x0  }
0xf4: {  	[sflag:s28] =	ssyncadd.s32 $0xFFFFC000  }
0xf5: {  	_ =	swait.ge [sflag:s9], $0x80  }
0xf6: {  	[sflag:s9] =	ssyncset.done $0x0  }
0xf7: {  	p0 =	sne.s32 s11, $0x9000;
	[sflag:s9] =	ssyncadd.s32 $0xFFFFFF80  }
0xf8: {  	[spmem:s3] =	stream.indirect.scatter.add.f32 [tilespmem:s23], [sflag:$0x4], $0x80, s25, s21, $0xb8;
	[tilespmem:$0x1EC00] =	vst v63  }
.Ltmp0:
0xf9: {  	_ =	swait.ge [sflag:s26], $0x4000;
	(pc) =	sbr.rel @p0 .LBB2_2-.Ltmp0, $4  }
0xfa: {  	[sflag:s26] =	ssyncset.done $0x0  }
0xfb: {  	[sflag:s26] =	ssyncadd.s32 $0xFFFFC000  }
0xfc: {  	_ =	swait.ge [sflag:s30], $0x4000  }
0xfd: {  	s11 =	sadd.s32 $0x1000, s11;
	s12 =	rddreg [dreg:$0xc];
	[sflag:s30] =	ssyncset.done $0x0  }
0xfe: {  	s2 =	sadd.s32 $0x80, s2;
	s10 =	rddreg [dreg:$0xb]  }
0xff: {  	[sflag:s30] =	ssyncadd.s32 $0xFFFFC000;
	s11 =	sadd.s32 s2, s12;
	s12 =	simm.s32 $0x2800  }
0x100: {  	[tilespmem:s12], [sflag:$0x5] =	stream.linear.gather [hbm4b:s11+s4], $0x80, $0x38;
	[tilespmem:$0x1EC00] =	vst v63  }
0x101: {  	s14 =	rddreg [dreg:$0xa];
	s13 =	simm.s32 $0x2880;
	s10 =	sadd.s32 s2, s10  }
0x102: {  	[tilespmem:s13], [sflag:$0x6] =	stream.linear.gather [hbm4b:s10+s4], $0x80, $0x38;
	[tilespmem:$0x1EC00] =	vst v63  }
0x103: {  	s15 =	rddreg [dreg:$0x9];
	s11 =	sadd.s32 s2, s14;
	s14 =	simm.s32 $0x2900  }
0x104: {  	[tilespmem:s14], [sflag:$0x7] =	stream.linear.gather [hbm4b:s11+s4], $0x80, $0x38;
	[tilespmem:$0x1EC00] =	vst v63  }
0x105: {  	s16 =	rddreg [dreg:$0x8];
	s10 =	sadd.s32 s2, s15;
	s15 =	simm.s32 $0x2980  }
0x106: {  	[tilespmem:s15], [sflag:$0x8] =	stream.linear.gather [hbm4b:s10+s4], $0x80, $0x38;
	[tilespmem:$0x1EC00] =	vst v63  }
0x107: {  	s17 =	rddreg [dreg:$0x7];
	s11 =	sadd.s32 s2, s16;
	s16 =	simm.s32 $0x2A00  }
0x108: {  	[tilespmem:s16], [sflag:$0x9] =	stream.linear.gather [hbm4b:s11+s4], $0x80, $0x38;
	[tilespmem:$0x1EC00] =	vst v63  }
0x109: {  	s18 =	rddreg [dreg:$0x6];
	s10 =	sadd.s32 s2, s17;
	s17 =	simm.s32 $0x2A80  }
0x10a: {  	[tilespmem:s17], [sflag:$0xA] =	stream.linear.gather [hbm4b:s10+s4], $0x80, $0x38;
	[tilespmem:$0x1EC00] =	vst v63  }
0x10b: {  	s11 =	sadd.s32 s2, s18;
	s18 =	simm.s32 $0x2B00;
	s10 =	rddreg [dreg:$0x5]  }
0x10c: {  	[tilespmem:s18], [sflag:$0xB] =	stream.linear.gather [hbm4b:s11+s4], $0x80, $0x38;
	[tilespmem:$0x1EC00] =	vst v63  }
0x10d: {  	s2 =	sadd.s32 s2, s10;
	s10 =	simm.s32 $0x2B80  }
0x10e: {  	[tilespmem:s10], [sflag:$0xC] =	stream.linear.gather [hbm4b:s2+s4], $0x80, $0x38;
	[tilespmem:$0x1EC00] =	vst v63  }
0x10f: {  	s2 =	sshra.s32 s7, $0x2  }
0x110: {  	[tilespmem:s22], [sflag:$0x1] =	stream.indirect.gather [hbm4b:s5+s21], $0x80, s2, s21, $0xb8;
	[tilespmem:$0x1EC00] =	vst v63  }
0x111: {  	s7 =	sadd.s32 $0x80, s2  }
0x112: {  	[tilespmem:s23], [sflag:$0x2] =	stream.indirect.gather [hbm4b:s5+s21], $0x80, s7, s21, $0xb8;
	[tilespmem:$0x1EC00] =	vst v63  }
0x113: {  	_ =	swait.ge [sflag:s24], $0x4000  }
0x114: {  	[sflag:s24] =	ssyncset.done $0x0  }
0x115: {  	s11 =	simm.s32 $0x5;
	[sflag:s24] =	ssyncadd.s32 $0xFFFFC000  }
0x116: {  	_ =	swait.ge [sflag:s11], $0x80  }
0x117: {  	[sflag:s11] =	ssyncset.done $0x0  }
0x118: {  	[sflag:s11] =	ssyncadd.s32 $0xFFFFFF80  }
0x119: {  	[spmem:s3] =	stream.indirect.scatter.add.f32 [tilespmem:s22], [sflag:$0x3], $0x80, s12, s21, $0xb8;
	[tilespmem:$0x1EC00] =	vst v63  }
0x11a: {  	_ =	swait.ge [sflag:s26], $0x4000  }
0x11b: {  	[sflag:s26] =	ssyncset.done $0x0  }
0x11c: {  	s11 =	sadd.s32 $0x100, s2;
	[sflag:s26] =	ssyncadd.s32 $0xFFFFC000  }
0x11d: {  	[tilespmem:s22], [sflag:$0x1] =	stream.indirect.gather [hbm4b:s5+s21], $0x80, s11, s21, $0xb8;
	[tilespmem:$0x1EC00] =	vst v63  }
0x11e: {  	_ =	swait.ge [sflag:s28], $0x4000  }
0x11f: {  	[sflag:s28] =	ssyncset.done $0x0  }
0x120: {  	[sflag:s28] =	ssyncadd.s32 $0xFFFFC000  }
0x121: {  	_ =	swait.ge [sflag:s29], $0x80  }
0x122: {  	[sflag:s29] =	ssyncset.done $0x0  }
0x123: {  	[sflag:s29] =	ssyncadd.s32 $0xFFFFFF80  }
0x124: {  	[spmem:s3] =	stream.indirect.scatter.add.f32 [tilespmem:s23], [sflag:$0x4], $0x80, s13, s21, $0xb8;
	[tilespmem:$0x1EC00] =	vst v63  }
0x125: {  	_ =	swait.ge [sflag:s30], $0x4000  }
0x126: {  	[sflag:s30] =	ssyncset.done $0x0  }
0x127: {  	s12 =	sadd.s32 $0x180, s2;
	[sflag:s30] =	ssyncadd.s32 $0xFFFFC000  }
0x128: {  	[tilespmem:s23], [sflag:$0x2] =	stream.indirect.gather [hbm4b:s5+s21], $0x80, s12, s21, $0xb8;
	[tilespmem:$0x1EC00] =	vst v63  }
0x129: {  	_ =	swait.ge [sflag:s24], $0x4000  }
0x12a: {  	[sflag:s24] =	ssyncset.done $0x0  }
0x12b: {  	[sflag:s24] =	ssyncadd.s32 $0xFFFFC000  }
0x12c: {  	_ =	swait.ge [sflag:s31], $0x80  }
0x12d: {  	[sflag:s31] =	ssyncset.done $0x0  }
0x12e: {  	[sflag:s31] =	ssyncadd.s32 $0xFFFFFF80  }
0x12f: {  	[spmem:s3] =	stream.indirect.scatter.add.f32 [tilespmem:s22], [sflag:$0x3], $0x80, s14, s21, $0xb8;
	[tilespmem:$0x1EC00] =	vst v63  }
0x130: {  	_ =	swait.ge [sflag:s26], $0x4000  }
0x131: {  	[sflag:s26] =	ssyncset.done $0x0  }
0x132: {  	s13 =	sadd.s32 $0x200, s2;
	[sflag:s26] =	ssyncadd.s32 $0xFFFFC000  }
0x133: {  	[tilespmem:s22], [sflag:$0x1] =	stream.indirect.gather [hbm4b:s5+s21], $0x80, s13, s21, $0xb8;
	[tilespmem:$0x1EC00] =	vst v63  }
0x134: {  	_ =	swait.ge [sflag:s28], $0x4000  }
0x135: {  	[sflag:s28] =	ssyncset.done $0x0  }
0x136: {  	[sflag:s28] =	ssyncadd.s32 $0xFFFFC000  }
0x137: {  	_ =	swait.ge [sflag:s0], $0x80  }
0x138: {  	[sflag:s0] =	ssyncset.done $0x0  }
0x139: {  	[sflag:s0] =	ssyncadd.s32 $0xFFFFFF80  }
0x13a: {  	[spmem:s3] =	stream.indirect.scatter.add.f32 [tilespmem:s23], [sflag:$0x4], $0x80, s15, s21, $0xb8;
	[tilespmem:$0x1EC00] =	vst v63  }
0x13b: {  	_ =	swait.ge [sflag:s30], $0x4000  }
0x13c: {  	[sflag:s30] =	ssyncset.done $0x0  }
0x13d: {  	s14 =	sadd.s32 $0x280, s2;
	[sflag:s30] =	ssyncadd.s32 $0xFFFFC000  }
0x13e: {  	[tilespmem:s23], [sflag:$0x2] =	stream.indirect.gather [hbm4b:s5+s21], $0x80, s14, s21, $0xb8;
	[tilespmem:$0x1EC00] =	vst v63  }
0x13f: {  	_ =	swait.ge [sflag:s24], $0x4000  }
0x140: {  	[sflag:s24] =	ssyncset.done $0x0  }
0x141: {  	[sflag:s24] =	ssyncadd.s32 $0xFFFFC000  }
0x142: {  	_ =	swait.ge [sflag:s1], $0x80  }
0x143: {  	[sflag:s1] =	ssyncset.done $0x0  }
0x144: {  	[sflag:s1] =	ssyncadd.s32 $0xFFFFFF80  }
0x145: {  	[spmem:s3] =	stream.indirect.scatter.add.f32 [tilespmem:s22], [sflag:$0x3], $0x80, s16, s21, $0xb8;
	[tilespmem:$0x1EC00] =	vst v63  }
0x146: {  	_ =	swait.ge [sflag:s26], $0x4000  }
0x147: {  	[sflag:s26] =	ssyncset.done $0x0  }
0x148: {  	s15 =	sadd.s32 $0x300, s2;
	[sflag:s26] =	ssyncadd.s32 $0xFFFFC000  }
0x149: {  	[tilespmem:s22], [sflag:$0x1] =	stream.indirect.gather [hbm4b:s5+s21], $0x80, s15, s21, $0xb8;
	[tilespmem:$0x1EC00] =	vst v63  }
0x14a: {  	_ =	swait.ge [sflag:s28], $0x4000  }
0x14b: {  	[sflag:s28] =	ssyncset.done $0x0  }
0x14c: {  	[sflag:s28] =	ssyncadd.s32 $0xFFFFC000  }
0x14d: {  	_ =	swait.ge [sflag:s6], $0x80  }
0x14e: {  	[sflag:s6] =	ssyncset.done $0x0  }
0x14f: {  	[sflag:s6] =	ssyncadd.s32 $0xFFFFFF80  }
0x150: {  	[spmem:s3] =	stream.indirect.scatter.add.f32 [tilespmem:s23], [sflag:$0x4], $0x80, s17, s21, $0xb8;
	[tilespmem:$0x1EC00] =	vst v63  }
0x151: {  	_ =	swait.ge [sflag:s30], $0x4000  }
0x152: {  	[sflag:s30] =	ssyncset.done $0x0  }
0x153: {  	s2 =	sadd.s32 $0x380, s2;
	[sflag:s30] =	ssyncadd.s32 $0xFFFFC000  }
0x154: {  	[tilespmem:s23], [sflag:$0x2] =	stream.indirect.gather [hbm4b:s5+s21], $0x80, s2, s21, $0xb8;
	[tilespmem:$0x1EC00] =	vst v63  }
0x155: {  	_ =	swait.ge [sflag:s24], $0x4000  }
0x156: {  	[sflag:s24] =	ssyncset.done $0x0  }
0x157: {  	[sflag:s24] =	ssyncadd.s32 $0xFFFFC000  }
0x158: {  	_ =	swait.ge [sflag:s8], $0x80  }
0x159: {  	[sflag:s8] =	ssyncset.done $0x0  }
0x15a: {  	[sflag:s8] =	ssyncadd.s32 $0xFFFFFF80  }
0x15b: {  	[spmem:s3] =	stream.indirect.scatter.add.f32 [tilespmem:s22], [sflag:$0x3], $0x80, s18, s21, $0xb8;
	[tilespmem:$0x1EC00] =	vst v63  }
0x15c: {  	_ =	swait.ge [sflag:s28], $0x4000  }
0x15d: {  	[sflag:s28] =	ssyncset.done $0x0  }
0x15e: {  	[sflag:s28] =	ssyncadd.s32 $0xFFFFC000  }
0x15f: {  	_ =	swait.ge [sflag:s9], $0x80  }
0x160: {  	[sflag:s9] =	ssyncset.done $0x0  }
0x161: {  	[sflag:s9] =	ssyncadd.s32 $0xFFFFFF80  }
0x162: {  	[spmem:s3] =	stream.indirect.scatter.add.f32 [tilespmem:s23], [sflag:$0x4], $0x80, s10, s21, $0xb8;
	[tilespmem:$0x1EC00] =	vst v63  }
0x163: {  	_ =	swait.ge [sflag:s26], $0x4000  }
0x164: {  	[sflag:s26] =	ssyncset.done $0x0  }
0x165: {  	[sflag:s26] =	ssyncadd.s32 $0xFFFFC000  }
0x166: {  	_ =	swait.ge [sflag:s30], $0x4000  }
0x167: {  	[sflag:s30] =	ssyncset.done $0x0  }
0x168: {  	[sflag:s30] =	ssyncadd.s32 $0xFFFFC000  }
0x169: {  	[bflag:$0x0] =	sbarrier.arrive $0xFFFF  }
0x16a: {  	s10 =	rddreg [dreg:$0xe]  }
0x16b: {  	s16 =	rddreg [dreg:$0x10]  }
0x16c: {  	s11 =	simm.s32 $0xD;
	s7 =	rddreg [dreg:$0x12]  }
0x16d: {  	[hbm:s16], [sflag:s10] =	dma.local [spmem:s7], $0x2800  }
0x16e: {  	_ =	swait.ge [sflag:s11], $0x2800  }
0x16f: {  	s17 =	rddreg [dreg:$0x13]  }
0x170: {  	s18 =	rddreg [dreg:$0x11];
	s12 =	sadd.s32 $0x1, s17  }
0x171: {  	p0 =	sne.s32 s12, s18  }
.Ltmp1:
0x172: {  	_ = 	snop;
	(pc) =	sbr.rel @p0 .LBB2_1-.Ltmp1, $3  }
0x173: {  	_ =	sdelay $0x1  }
0x174: {  	[sflag:s11] =	ssyncset.done $0x0  }
0x175: {  	[sflag:s11] =	ssyncadd.s32 $0xFFFFD800  }
0x176: {  	_ =	sfence.sel $0x180000  }
0x177: {  	[bflag:$0x0] =	sbarrier.arrive $0xFFFF  }
0x178: {  	_ =	strace $0x9000004A  }
0x179: {  	s0 =	stileid.u32;
	[bflag:$0x2] =	sbarrier.arrive $0xFFFF  }
0x17a: {  	p0 =	sne.s32 s0, $0x0;
	s0 =	rddreg [dreg:$0x4]  }
0x17b: {  	s0 =	sadd.s32 @!p0 $0x100000, s0  }
0x17c: {  	[sflag:s0] =	ssyncadd.tile.s32 @!p0 $0x1;
	_ =	shalt  }
.Lfunc_end2:
_tile_overlayer_lowered:
.L_overlay_start_2:
0x17d: {  	(tag) =	ssettag $0x2  }
0x17e: {  	s0 =	rddreg [dreg:$0x0];
	s2 =	stileid.u32  }
0x17f: {  	s1 =	rddreg [dreg:$0x1];
	p0 =	sne.s32 s2, $0x0  }
0x180: {  	s3 =	rddreg [dreg:$0x2];
	[bflag:$0x3] =	sbarrier.arrive $0xFFFF;
	s2 =	simm.s32 @!p0 $0x1C0D  }
0x181: {  	[timem:s3], [sflag:s2] =	dma.local @!p0 [hbm:s0], s1  }
0x182: {  	s0 =	simm.s32 @!p0 $0xD  }
0x183: {  	_ =	swait.ge @!p0 [sflag:s0], s1  }
0x184: {  	s1 =	ssub.s32 @!p0 $0x0, s1;
	[sflag:s0] =	ssyncset.done @!p0 $0x0  }
0x185: {  	[sflag:s0] =	ssyncadd.s32 @!p0 s1  }
0x186: {  	[bflag:$0x3] =	sbarrier.arrive $0xFFFF  }
0x187: {  	_ =	shalt  }

// kernel: kernel.15.cloned.1.call-start
scs
__scs_entry_jumppad:
0x0: {  	(pc) =	sbr.rel $0x88, $3  }
0x1: {  	(tag) =	ssettag $0x0;
	lr =	simm.s32 $0x1  }
0x2: {  	[smem:$0x3F88] =	sst lr;
	_ =	strace $0xD0000000  }
0x3: {  	_ = 	snop  }
0x4: {  	_ = 	snop  }
0x5: {  	_ = 	snop  }
0x6: {  	_ = 	snop  }
0x7: {  	_ = 	snop  }
__scs_overlays_trampoline_lowered:
0x8: {  	[smem:$0x3F97] =	sst s0  }
0x9: {  	[smem:$0x3F98] =	sst s1  }
0xa: {  	[smem:$0x3F99] =	sst s2  }
0xb: {  	[smem:$0x3F9A] =	sst s3  }
0xc: {  	[smem:$0x3F9B] =	sst s4  }
0xd: {  	[smem:$0x3F9C] =	sst s5  }
0xe: {  	[smem:$0x3F9D] =	sst s6  }
0xf: {  	[smem:$0x3F9E] =	sst s7  }
0x10: {  	[smem:$0x3F9F] =	sst s8  }
0x11: {  	[smem:$0x3FA0] =	sst s9;
	s0 =	simm.s32 @!p0 $0x0  }
0x12: {  	s1 =	sld [smem:$0x3F86];
	s0 =	simm.s32 @p0 $0x1  }
0x13: {  	[smem:$0x3FA1] =	sst s0;
	s0 =	simm.s32 @!p1 $0x0  }
0x14: {  	s2 =	sld [smem:$0x3F85];
	s0 =	simm.s32 @p1 $0x1  }
0x15: {  	[smem:$0x3FA2] =	sst s0;
	s0 =	simm.s32 @!p2 $0x0  }
0x16: {  	s3 =	sld [smem:$0x3FDB];
	s0 =	simm.s32 @p2 $0x1  }
0x17: {  	s4 =	simm.s32 $0x1BF5;
	[smem:$0x3FA4] =	sst s0  }
0x18: {  	s0 =	sld [smem:$0x3F87];
	_ =	swait.ge [sflag:s4], $0x0  }
0x19: {  	s7 =	sld [smem:$0x3F88]  }
0x1a: {  	s8 =	sadd.s32 $0xFFFFE003, lr  }
0x1b: {  	s9 =	sadd.s32 $0xFFFFFEF7, lr;
	s5 =	simm.s32 $0xFFFFFFFF;
	p2 =	slt.u32 s8, $0xFFFFF086  }
0x1c: {  	p1 =	slt.u32 s9, $0xF7A;
	s5 =	simm.s32 @!p2 $0x0  }
0x1d: {  	s5 =	simm.s32 @p1 $0x1;
	p0 =	seq.s32 s7, s2  }
0x1e: {  	s7 =	smul.u32 @!p0 $0xF7A, s2;
	p2 =	seq.s32 @!p0 s5, $0x0  }
0x1f: {  	s9 =	smul.u32 $0xF7A, s1;
	s8 =	simm.s32 @!p0 $0x1BF5;
	p2 =	por !p2, p0  }
0x20: {  	[sflag:s8] =	ssyncset.s32 @!p0 $0xFFFFF086;
	s6 =	sadd.s32 @!p0 s3, s7;
	s7 =	simm.s32 @!p0 $0x108  }
0x21: {  	s3 =	sadd.s32 s3, s9;
	s6 =	sadd.s32 @!p0 $0x88, s6;
	s7 =	simm.s32 @p2 $0x1082  }
0x22: {  	[simem:s7], [sflag:s8] =	dma.local @!p0 [hbm:s6], $0xF7A  }
0x23: {  	s9 =	sor.u32 $0xD0000000, s2;
	s6 =	simm.s32 $0x108;
	_ =	swait.ge @!p0 [sflag:s8], $0x0  }
0x24: {  	s3 =	sadd.s32 $0x88, s3;
	s6 =	simm.s32 @!p1 $0x1082;
	[sflag:s4] =	ssyncset.s32 $0xFFFFF086  }
0x25: {  	[simem:s6], [sflag:s4] =	dma.local [hbm:s3], $0xF7A  }
0x26: {  	[smem:$0x3F88] =	sst s1;
	(tag) =	ssettag s2;
	_ =	strace s9  }
0x27: {  	s1 =	sld [smem:$0x3F98]  }
0x28: {  	s2 =	sld [smem:$0x3F99]  }
0x29: {  	s4 =	sld [smem:$0x3F9B]  }
0x2a: {  	p0 =	seq.s32 s5, $0x0;
	s5 =	sld [smem:$0x3F9C]  }
0x2b: {  	s6 =	sld [smem:$0x3F9D]  }
0x2c: {  	s7 =	sld [smem:$0x3F9E]  }
0x2d: {  	s3 =	simm.s32 $0x108;
	s8 =	sld [smem:$0x3F9F]  }
0x2e: {  	s3 =	simm.s32 @!p0 $0x1082;
	s9 =	sld [smem:$0x3FA0]  }
0x2f: {  	lr =	sadd.s32 s0, s3;
	s0 =	sld [smem:$0x3F97]  }
0x30: {  	s3 =	sld [smem:$0x3F9A]  }
0x31: {  	[smem:$0x3FA3] =	sst s10  }
0x32: {  	s10 =	sld [smem:$0x3FA1];
	_ =	sdelay $0x3  }
0x33: {  	p0 =	seq.s32 s10, $0x1;
	s10 =	sld [smem:$0x3FA3];
	_ =	sdelay $0x3  }
0x34: {  	[smem:$0x3FA3] =	sst s10  }
0x35: {  	s10 =	sld [smem:$0x3FA2];
	_ =	sdelay $0x3  }
0x36: {  	p1 =	seq.s32 s10, $0x1;
	s10 =	sld [smem:$0x3FA3];
	_ =	sdelay $0x3  }
0x37: {  	[smem:$0x3FA3] =	sst s10  }
0x38: {  	s10 =	sld [smem:$0x3FA4]  }
0x39: {  	_ = 	snop;
	(pc) =	sbr.ind lr, $3  }
0x3a: {  	_ = 	snop  }
0x3b: {  	_ = 	snop  }
0x3c: {  	p2 =	seq.s32 s10, $0x1;
	s10 =	sld [smem:$0x3FA3]  }
0x3d: {  	_ =	shalt  }
0x3e: {  	_ =	shalt  }
0x3f: {  	_ =	shalt  }
0x40: {  	_ =	shalt  }
0x41: {  	_ =	shalt  }
0x42: {  	_ =	shalt  }
0x43: {  	_ =	shalt  }
0x44: {  	_ =	shalt  }
0x45: {  	_ =	shalt  }
0x46: {  	_ =	shalt  }
0x47: {  	_ =	shalt  }
0x48: {  	_ =	shalt  }
0x49: {  	_ =	shalt  }
0x4a: {  	_ =	shalt  }
0x4b: {  	_ =	shalt  }
0x4c: {  	_ =	shalt  }
0x4d: {  	_ =	shalt  }
0x4e: {  	_ =	shalt  }
0x4f: {  	_ =	shalt  }
0x50: {  	_ =	shalt  }
0x51: {  	_ =	shalt  }
0x52: {  	_ =	shalt  }
0x53: {  	_ =	shalt  }
0x54: {  	_ =	shalt  }
0x55: {  	_ =	shalt  }
0x56: {  	_ =	shalt  }
0x57: {  	_ =	shalt  }
0x58: {  	_ =	shalt  }
0x59: {  	_ =	shalt  }
0x5a: {  	_ =	shalt  }
0x5b: {  	_ =	shalt  }
0x5c: {  	_ =	shalt  }
0x5d: {  	_ =	shalt  }
0x5e: {  	_ =	shalt  }
0x5f: {  	_ =	shalt  }
0x60: {  	_ =	shalt  }
0x61: {  	_ =	shalt  }
0x62: {  	_ =	shalt  }
0x63: {  	_ =	shalt  }
0x64: {  	_ =	shalt  }
0x65: {  	_ =	shalt  }
0x66: {  	_ =	shalt  }
0x67: {  	_ =	shalt  }
0x68: {  	_ =	shalt  }
0x69: {  	_ =	shalt  }
0x6a: {  	_ =	shalt  }
0x6b: {  	_ =	shalt  }
0x6c: {  	_ =	shalt  }
0x6d: {  	_ =	shalt  }
0x6e: {  	_ =	shalt  }
0x6f: {  	_ =	shalt  }
0x70: {  	_ =	shalt  }
0x71: {  	_ =	shalt  }
0x72: {  	_ =	shalt  }
0x73: {  	_ =	shalt  }
0x74: {  	_ =	shalt  }
0x75: {  	_ =	shalt  }
0x76: {  	_ =	shalt  }
0x77: {  	_ =	shalt  }
0x78: {  	_ =	shalt  }
0x79: {  	_ =	shalt  }
0x7a: {  	_ =	shalt  }
0x7b: {  	_ =	shalt  }
0x7c: {  	_ =	shalt  }
0x7d: {  	_ =	shalt  }
0x7e: {  	_ =	shalt  }
0x7f: {  	_ =	shalt  }
0x80: {  	_ =	shalt  }
0x81: {  	_ =	shalt  }
0x82: {  	_ =	shalt  }
0x83: {  	_ =	shalt  }
0x84: {  	_ =	shalt  }
0x85: {  	_ =	shalt  }
0x86: {  	_ =	shalt  }
0x87: {  	_ =	shalt  }
.Lfunc_end0:
.L_simem_size_0:
called_computation.2_lowered:
.L_overlay_start_0:
0x88: {  	s2 =	sld [smem:$0x3FD9]  }
0x89: {  	s3 =	sld [smem:$0x3FFE];
	_ =	sdelay $0x1  }
0x8a: {  	s1 =	srdreg.scid  }
0x8b: {  	s0 =	sand.u32 $0x1, s1  }
0x8c: {  	s14 =	sshll.u32 s0, $0xA;
	s2 =	sadd.s32 s3, s2  }
0x8d: {  	s2 =	sadd.s32 s2, s14  }
0x8e: {  	[smem:$0x3FAF] =	sst s2  }
0x8f: {  	_ = 	snop  }
0x90: {  	s2 =	sld [smem:$0x3FD0];
	_ =	sdelay $0x2  }
0x91: {  	s15 =	simm.s32 $0xA;
	s4 =	simm.s32 $0x10  }
0x92: {  	[smem:s4], [sflag:s15] =	dma.local [hbm:s2], $0x1  }
0x93: {  	_ =	swait.eq [sflag:s15], $0x1  }
0x94: {  	[sflag:s15] =	ssyncset.done $0x0  }
0x95: {  	s16 =	sld [smem:$0x11];
	[sflag:s15] =	ssyncadd.s32 $0xFFFFFFFF  }
0x96: {  	s17 =	sld [smem:$0x12];
	(tm) =	ssettm $0x1  }
0x97: {  	s18 =	sld [smem:$0x3FFB];
	_ =	sdelay $0x3  }
0x98: {  	_ =	strace s18  }
0x99: {  	s4 =	sld [smem:$0x3FFC];
	_ =	sdelay $0x3  }
0x9a: {  	_ =	strace s4  }
0x9b: {  	s4 =	sld [smem:$0x3FFD];
	_ =	sdelay $0x3  }
0x9c: {  	_ =	strace s4  }
0x9d: {  	_ =	strace $0x8FFFFFFF  }
0x9e: {  	s19 =	sld [smem:$0x3FDB];
	_ =	sdelay $0x1  }
0x9f: {  	s5 =	simm.s32 $_scs_section_size  }
0xa0: {  	s6 =	simm.s32 $_size__tile_overlayer_lowered;
	s7 =	simm.s32 $_tile_overlayer_lowered  }
0xa1: {  	s22 =	simm.s32 $0x1BFF;
	s21 =	sshll.u32 s7, $0x1;
	s4 =	sadd.s32 s5, s19  }
0xa2: {  	s8 =	simm.s32 $0x0;
	s20 =	sshll.u32 s6, $0x1;
	s6 =	sadd.s32 s21, s4  }
0xa3: {  	[timem:s8], [sflag:s22] =	dma.local [hbm:s6], s20  }
0xa4: {  	_ =	swait.ge [sflag:s22], s20  }
0xa5: {  	s5 =	ssub.s32 $0x0, s20;
	[sflag:s22] =	ssyncset.done $0x0  }
0xa6: {  	[sflag:s22] =	ssyncadd.s32 s5;
	_ =	sdelay $0x1  }
0xa7: {  	s23 =	simm.s32 $0x1B8B  }
0xa8: {  	_ =	swait.ge [sflag:s23], $0x1  }
0xa9: {  	[sflag:s23] =	ssyncset.done $0x0  }
0xaa: {  	s25 =	simm.s32 $0x1B8E;
	s24 =	sld [smem:$0x3FFE];
	[sflag:s23] =	ssyncadd.s32 $0xFFFFFFFF  }
0xab: {  	s26 =	simm.s32 $execute0_lowered;
	[smem:$0x3FD2] =	sst s25  }
0xac: {  	s6 =	sshll.u32 s26, $0x1;
	_ =	strace $0x8000004C;
	[dreg:$0x1] =	wrdreg $0xFFFFFFFF  }
0xad: {  	s28 =	simm.s32 $_size_execute0_lowered;
	s4 =	sadd.s32 s4, s6;
	[dreg:$0x0] =	wrdreg $0x0  }
0xae: {  	s6 =	sshll.u32 s28, $0x1;
	[dreg:$0x2] =	wrdreg s4  }
0xaf: {  	[dreg:$0x3] =	wrdreg s6  }
0xb0: {  	[dreg:$0x4] =	wrdreg $0xC0  }
0xb1: {  	_ =	task [dreg:s8], $0x5FFFF  }
0xb2: {  	[dreg:$0x1] =	wrdreg $0xFFFFFFFF  }
0xb3: {  	[dreg:$0x0] =	wrdreg $0x60  }
0xb4: {  	[dreg:$0x2] =	wrdreg s24  }
0xb5: {  	[dreg:$0x3] =	wrdreg s17  }
0xb6: {  	[dreg:$0x4] =	wrdreg s16  }
0xb7: {  	[dreg:$0x5] =	wrdreg $0xAC000  }
0xb8: {  	[dreg:$0x6] =	wrdreg $0x9  }
0xb9: {  	_ =	task.clear_ibuf [dreg:s8], $0x7FFFF;
	_ =	strace $0x9000004C  }
0xba: {  	s29 =	simm.s32 $0x9;
	_ =	strace $0x8000004E  }
0xbb: {  	_ =	swait.ge [sflag:s29], $0x1  }
0xbc: {  	[sflag:s29] =	ssyncadd.s32 $0xFFFFFFFF  }
0xbd: {  	_ =	strace $0x9000004E  }
0xbe: {  	_ =	sfence  }
0xbf: {  	s30 =	sld [smem:$0x0];
	_ =	sdelay $0x2  }
0xc0: {  	s31 =	sshll.u32 s1, $0xD;
	s1 =	sshrl.u32 s1, $0x2  }
0xc1: {  	s3 =	sand.u32 $0x4000, s31;
	s1 =	sadd.s32 s1, s30  }
0xc2: {  	s0 =	sor.u32 s3, s0;
	s1 =	sshll.u32 s1, $0x11  }
0xc3: {  	s0 =	sor.u32 s1, s0  }
0xc4: {  	s0 =	sadd.s32 $0x8F2B, s0  }
0xc5: {  	[sflag:s0] =	ssyncadd.remote.s32 $0x1  }
0xc6: {  	_ =	sfence.sel $0xFFFF  }
0xc7: {  	[dreg:$0x0] =	wrdreg $0xFFFFFFFF;
	(pc) =	sbr.abs _section_cstart, $3  }
0xc8: {  	[dreg:$0x1] =	wrdreg $0xFFFFFFFF  }
0xc9: {  	_ =	task.clear_ibuf [dreg:s8], $0x2FFFF;
	_ =	strace $0x9FFFFFFF  }
0xca: {  	(tm) =	ssettm $0x7FFFFFFF  }
0xcb: {  	_ =	shalt  }
tec
execute0_lowered:
.L_overlay_start_1:
0x0: {  	(tag) =	ssettag $0x1  }
0x1: {  	s0 =	rddreg [dreg:$0x0]  }
0x2: {  	s1 =	rddreg [dreg:$0x1]  }
0x3: {  	s3 =	rddreg [dreg:$0x3]  }
0x4: {  	s2 =	srdreg.scid;
	s13 =	stileid.u32  }
0x5: {  	s4 =	simm.s32 $0x0;
	s28 =	simm.s32 $0x2;
	s29 =	simm.s32 $0x6  }
0x6: {  	s30 =	simm.s32 $0x4;
	s31 =	simm.s32 $0x7;
	s2 =	sand.u32 $0x1, s2  }
0x7: {  	s6 =	smul.u32 $0x14000, s13;
	[smem:$0x7FF] =	sst s4;
	s5 =	sadd.s32 $0x5200, s0  }
0x8: {  	s8 =	sadd.s32 $0x53600, s0;
	s9 =	smul.u32 $0x5000, s13;
	s11 =	sshll.u32 s13, $0x1  }
0x9: {  	s7 =	smul.u32 $0x140000, s2;
	_ =	strace $0x8000004D;
	[dreg:$0xd] =	wrdreg s8  }
0xa: {  	s25 =	ssub.s32 $0x2, s2;
	s12 =	smul.u32 $0x2800, s2;
	s2 =	sor.u32 s2, s11  }
0xb: {  	s8 =	simm.s32 $0xB;
	s10 =	sshrl.u32 s25, $0x1;
	s2 =	smul.u32 $0x500, s2  }
0xc: {  	s7 =	sadd.s32 s6, s7;
	s26 =	ssub.s32 s25, s10;
	s10 =	sshll.u32 s13, $0x6  }
0xd: {  	s9 =	sadd.s32 s12, s9;
	s6 =	sadd.s32 s6, s3;
	s7 =	sshrl.u32 s7, $0x3  }
0xe: {  	s10 =	sor.u32 $0x1C0D, s10;
	s11 =	sor.u32 $0x380, s9;
	s1 =	sadd.s32 s1, s2  }
0xf: {  	s13 =	sor.u32 $0x300, s9;
	s15 =	sor.u32 $0x280, s9;
	s17 =	sor.u32 $0x200, s9  }
0x10: {  	s19 =	sor.u32 $0x180, s9;
	s21 =	sor.u32 $0x100, s9;
	s23 =	sor.u32 $0x80, s9  }
0x11: {  	s25 =	smax.u32 s26, $0x1;
	s26 =	sshrl.u32 s9, $0x3;
	[dreg:$0xf] =	wrdreg s1  }
0x12: {  	s9 =	simm.s32 $0xC;
	s0 =	sadd.s32 s7, s0;
	[dreg:$0x11] =	wrdreg s25  }
0x13: {  	s12 =	sshrl.u32 s11, $0x3;
	s14 =	sshrl.u32 s13, $0x3;
	[dreg:$0xc] =	wrdreg s26  }
0x14: {  	s16 =	sshrl.u32 s15, $0x3;
	s18 =	sshrl.u32 s17, $0x3;
	[dreg:$0xe] =	wrdreg s10  }
0x15: {  	s20 =	sshrl.u32 s19, $0x3;
	s22 =	sshrl.u32 s21, $0x3;
	[dreg:$0x5] =	wrdreg s12  }
0x16: {  	s24 =	sshrl.u32 s23, $0x3;
	s7 =	sshrl.u32 s6, $0x3;
	[dreg:$0x6] =	wrdreg s14  }
0x17: {  	s11 =	simm.s32 $0xD;
	s21 =	simm.s32 $0x80;
	[dreg:$0x7] =	wrdreg s16  }
0x18: {  	s23 =	simm.s32 $0x6C00;
	s26 =	simm.s32 $0x3;
	[dreg:$0x8] =	wrdreg s18  }
0x19: {  	s1 =	simm.s32 $0x9;
	s6 =	simm.s32 $0xA;
	[dreg:$0x9] =	wrdreg s20  }
0x1a: {  	s19 =	simm.s32 $0x2A00;
	s25 =	simm.s32 $0x2B80;
	[dreg:$0xa] =	wrdreg s22  }
0x1b: {  	s0 =	sadd.s32 $0x55E00, s0;
	[dreg:$0xb] =	wrdreg s24;
	s22 =	simm.s32 $0x2C00  }
0x1c: {  	s24 =	simm.s32 $0x1;
	s12 =	simm.s32 $0x0;
	[dreg:$0x12] =	wrdreg s7  }
0x1d: {  	s20 =	simm.s32 $0x2A80;
	[dreg:$0x10] =	wrdreg s0;
	s0 =	simm.s32 $0x8  }
.LBB2_1:
0x1e: {  	[dreg:$0x13] =	wrdreg s12  }
0x1f: {  	s2 =	rddreg [dreg:$0xd]  }
0x20: {  	[spmem:s7], [sflag:s10] =	dma.local [hbm:s2], $0x2800  }
0x21: {  	_ =	swait.ge [sflag:s11], $0x2800  }
0x22: {  	[sflag:s11] =	ssyncset.done $0x0  }
0x23: {  	s13 =	rddreg [dreg:$0xf];
	[sflag:s11] =	ssyncadd.s32 $0xFFFFD800  }
0x24: {  	[tilespmem:s4], [sflag:$0xD] =	stream.linear.gather [hbm4b:s13+s4], $0x2800, $0x38;
	[tilespmem:$0x1EC00] =	vst v63  }
0x25: {  	_ =	swait.ge [sflag:s11], $0x2800  }
0x26: {  	[sflag:s11] =	ssyncset.done $0x0  }
0x27: {  	[sflag:s11] =	ssyncadd.s32 $0xFFFFD800  }
0x28: {  	[bflag:$0x0] =	sbarrier.arrive $0xFFFF  }
0x29: {  	s14 =	rddreg [dreg:$0xc]  }
0x2a: {  	s10 =	rddreg [dreg:$0x2]  }
0x2b: {  	s12 =	simm.s32 $0x2800;
	s15 =	rddreg [dreg:$0xb];
	s2 =	sadd.s32 s10, s14  }
0x2c: {  	[tilespmem:s12], [sflag:$0x5] =	stream.linear.gather [hbm4b:s2+s4], $0x80, $0x38;
	[tilespmem:$0x1EC00] =	vst v63  }
0x2d: {  	s13 =	simm.s32 $0x2880;
	s16 =	rddreg [dreg:$0xa];
	s17 =	sadd.s32 s10, s15  }
0x2e: {  	[tilespmem:s13], [sflag:$0x6] =	stream.linear.gather [hbm4b:s17+s4], $0x80, $0x38;
	[tilespmem:$0x1EC00] =	vst v63  }
0x2f: {  	s18 =	rddreg [dreg:$0x9];
	s15 =	sadd.s32 s10, s16;
	s14 =	simm.s32 $0x2900  }
0x30: {  	[tilespmem:s14], [sflag:$0x7] =	stream.linear.gather [hbm4b:s15+s4], $0x80, $0x38;
	[tilespmem:$0x1EC00] =	vst v63  }
0x31: {  	s16 =	rddreg [dreg:$0x8];
	s17 =	sadd.s32 s10, s18;
	s15 =	simm.s32 $0x2980  }
0x32: {  	[tilespmem:s15], [sflag:$0x8] =	stream.linear.gather [hbm4b:s17+s4], $0x80, $0x38;
	[tilespmem:$0x1EC00] =	vst v63  }
0x33: {  	s18 =	rddreg [dreg:$0x7];
	s17 =	sadd.s32 s10, s16;
	s16 =	simm.s32 $0x2A00  }
0x34: {  	[tilespmem:s16], [sflag:$0x9] =	stream.linear.gather [hbm4b:s17+s4], $0x80, $0x38;
	[tilespmem:$0x1EC00] =	vst v63  }
0x35: {  	s11 =	rddreg [dreg:$0x6];
	s18 =	sadd.s32 s10, s18;
	s17 =	simm.s32 $0x2A80  }
0x36: {  	[tilespmem:s17], [sflag:$0xA] =	stream.linear.gather [hbm4b:s18+s4], $0x80, $0x38;
	[tilespmem:$0x1EC00] =	vst v63  }
0x37: {  	s7 =	rddreg [dreg:$0x5];
	s18 =	sadd.s32 s10, s11;
	s11 =	simm.s32 $0x2B00  }
0x38: {  	[tilespmem:s11], [sflag:$0xB] =	stream.linear.gather [hbm4b:s18+s4], $0x80, $0x38;
	[tilespmem:$0x1EC00] =	vst v63  }
0x39: {  	s18 =	sadd.s32 s10, s7;
	s7 =	simm.s32 $0x2B80  }
0x3a: {  	[tilespmem:s7], [sflag:$0xC] =	stream.linear.gather [hbm4b:s18+s4], $0x80, $0x38;
	[tilespmem:$0x1EC00] =	vst v63  }
0x3b: {  	s18 =	simm.s32 $0x0  }
0x3c: {  	[tilespmem:s22], [sflag:$0x1] =	stream.indirect.gather [hbm4b:s5+s21], $0x80, s18, s21, $0xb8;
	[tilespmem:$0x1EC00] =	vst v63  }
0x3d: {  	s18 =	simm.s32 $0x80  }
0x3e: {  	[tilespmem:s23], [sflag:$0x2] =	stream.indirect.gather [hbm4b:s5+s21], $0x80, s18, s21, $0xb8;
	[tilespmem:$0x1EC00] =	vst v63  }
0x3f: {  	_ =	swait.ge [sflag:s24], $0x4000  }
0x40: {  	[sflag:s24] =	ssyncset.done $0x0  }
0x41: {  	s18 =	simm.s32 $0x5;
	[sflag:s24] =	ssyncadd.s32 $0xFFFFC000  }
0x42: {  	_ =	swait.ge [sflag:s18], $0x80  }
0x43: {  	[sflag:s18] =	ssyncset.done $0x0  }
0x44: {  	[sflag:s18] =	ssyncadd.s32 $0xFFFFFF80  }
0x45: {  	[spmem:s3] =	stream.indirect.scatter.add.f32 [tilespmem:s22], [sflag:$0x3], $0x80, s12, s21, $0xb8;
	[tilespmem:$0x1EC00] =	vst v63  }
0x46: {  	_ =	swait.ge [sflag:s26], $0x4000  }
0x47: {  	[sflag:s26] =	ssyncset.done $0x0  }
0x48: {  	s12 =	simm.s32 $0x100;
	[sflag:s26] =	ssyncadd.s32 $0xFFFFC000  }
0x49: {  	[tilespmem:s22], [sflag:$0x1] =	stream.indirect.gather [hbm4b:s5+s21], $0x80, s12, s21, $0xb8;
	[tilespmem:$0x1EC00] =	vst v63  }
0x4a: {  	_ =	swait.ge [sflag:s28], $0x4000  }
0x4b: {  	[sflag:s28] =	ssyncset.done $0x0  }
0x4c: {  	[sflag:s28] =	ssyncadd.s32 $0xFFFFC000  }
0x4d: {  	_ =	swait.ge [sflag:s29], $0x80  }
0x4e: {  	[sflag:s29] =	ssyncset.done $0x0  }
0x4f: {  	[sflag:s29] =	ssyncadd.s32 $0xFFFFFF80  }
0x50: {  	[spmem:s3] =	stream.indirect.scatter.add.f32 [tilespmem:s23], [sflag:$0x4], $0x80, s13, s21, $0xb8;
	[tilespmem:$0x1EC00] =	vst v63  }
0x51: {  	_ =	swait.ge [sflag:s30], $0x4000  }
0x52: {  	[sflag:s30] =	ssyncset.done $0x0  }
0x53: {  	s13 =	simm.s32 $0x180;
	[sflag:s30] =	ssyncadd.s32 $0xFFFFC000  }
0x54: {  	[tilespmem:s23], [sflag:$0x2] =	stream.indirect.gather [hbm4b:s5+s21], $0x80, s13, s21, $0xb8;
	[tilespmem:$0x1EC00] =	vst v63  }
0x55: {  	_ =	swait.ge [sflag:s24], $0x4000  }
0x56: {  	[sflag:s24] =	ssyncset.done $0x0  }
0x57: {  	[sflag:s24] =	ssyncadd.s32 $0xFFFFC000  }
0x58: {  	_ =	swait.ge [sflag:s31], $0x80  }
0x59: {  	[sflag:s31] =	ssyncset.done $0x0  }
0x5a: {  	[sflag:s31] =	ssyncadd.s32 $0xFFFFFF80  }
0x5b: {  	[spmem:s3] =	stream.indirect.scatter.add.f32 [tilespmem:s22], [sflag:$0x3], $0x80, s14, s21, $0xb8;
	[tilespmem:$0x1EC00] =	vst v63  }
0x5c: {  	_ =	swait.ge [sflag:s26], $0x4000  }
0x5d: {  	[sflag:s26] =	ssyncset.done $0x0  }
0x5e: {  	s14 =	simm.s32 $0x200;
	[sflag:s26] =	ssyncadd.s32 $0xFFFFC000  }
0x5f: {  	[tilespmem:s22], [sflag:$0x1] =	stream.indirect.gather [hbm4b:s5+s21], $0x80, s14, s21, $0xb8;
	[tilespmem:$0x1EC00] =	vst v63  }
0x60: {  	_ =	swait.ge [sflag:s28], $0x4000  }
0x61: {  	[sflag:s28] =	ssyncset.done $0x0  }
0x62: {  	[sflag:s28] =	ssyncadd.s32 $0xFFFFC000  }
0x63: {  	_ =	swait.ge [sflag:s0], $0x80  }
0x64: {  	[sflag:s0] =	ssyncset.done $0x0  }
0x65: {  	[sflag:s0] =	ssyncadd.s32 $0xFFFFFF80  }
0x66: {  	[spmem:s3] =	stream.indirect.scatter.add.f32 [tilespmem:s23], [sflag:$0x4], $0x80, s15, s21, $0xb8;
	[tilespmem:$0x1EC00] =	vst v63  }
0x67: {  	_ =	swait.ge [sflag:s30], $0x4000  }
0x68: {  	[sflag:s30] =	ssyncset.done $0x0  }
0x69: {  	s15 =	simm.s32 $0x280;
	[sflag:s30] =	ssyncadd.s32 $0xFFFFC000  }
0x6a: {  	[tilespmem:s23], [sflag:$0x2] =	stream.indirect.gather [hbm4b:s5+s21], $0x80, s15, s21, $0xb8;
	[tilespmem:$0x1EC00] =	vst v63  }
0x6b: {  	_ =	swait.ge [sflag:s24], $0x4000  }
0x6c: {  	[sflag:s24] =	ssyncset.done $0x0  }
0x6d: {  	[sflag:s24] =	ssyncadd.s32 $0xFFFFC000  }
0x6e: {  	_ =	swait.ge [sflag:s1], $0x80  }
0x6f: {  	[sflag:s1] =	ssyncset.done $0x0  }
0x70: {  	[sflag:s1] =	ssyncadd.s32 $0xFFFFFF80  }
0x71: {  	[spmem:s3] =	stream.indirect.scatter.add.f32 [tilespmem:s22], [sflag:$0x3], $0x80, s16, s21, $0xb8;
	[tilespmem:$0x1EC00] =	vst v63  }
0x72: {  	_ =	swait.ge [sflag:s26], $0x4000  }
0x73: {  	[sflag:s26] =	ssyncset.done $0x0  }
0x74: {  	s16 =	simm.s32 $0x300;
	[sflag:s26] =	ssyncadd.s32 $0xFFFFC000  }
0x75: {  	[tilespmem:s22], [sflag:$0x1] =	stream.indirect.gather [hbm4b:s5+s21], $0x80, s16, s21, $0xb8;
	[tilespmem:$0x1EC00] =	vst v63  }
0x76: {  	_ =	swait.ge [sflag:s28], $0x4000  }
0x77: {  	[sflag:s28] =	ssyncset.done $0x0  }
0x78: {  	[sflag:s28] =	ssyncadd.s32 $0xFFFFC000  }
0x79: {  	_ =	swait.ge [sflag:s6], $0x80  }
0x7a: {  	[sflag:s6] =	ssyncset.done $0x0  }
0x7b: {  	[sflag:s6] =	ssyncadd.s32 $0xFFFFFF80  }
0x7c: {  	[spmem:s3] =	stream.indirect.scatter.add.f32 [tilespmem:s23], [sflag:$0x4], $0x80, s17, s21, $0xb8;
	[tilespmem:$0x1EC00] =	vst v63  }
0x7d: {  	_ =	swait.ge [sflag:s30], $0x4000  }
0x7e: {  	[sflag:s30] =	ssyncset.done $0x0  }
0x7f: {  	s18 =	simm.s32 $0x380;
	[sflag:s30] =	ssyncadd.s32 $0xFFFFC000  }
0x80: {  	[tilespmem:s23], [sflag:$0x2] =	stream.indirect.gather [hbm4b:s5+s21], $0x80, s18, s21, $0xb8;
	[tilespmem:$0x1EC00] =	vst v63  }
0x81: {  	_ =	swait.ge [sflag:s24], $0x4000  }
0x82: {  	[sflag:s24] =	ssyncset.done $0x0  }
0x83: {  	[sflag:s24] =	ssyncadd.s32 $0xFFFFC000  }
0x84: {  	_ =	swait.ge [sflag:s8], $0x80  }
0x85: {  	[sflag:s8] =	ssyncset.done $0x0  }
0x86: {  	[sflag:s8] =	ssyncadd.s32 $0xFFFFFF80  }
0x87: {  	[spmem:s3] =	stream.indirect.scatter.add.f32 [tilespmem:s22], [sflag:$0x3], $0x80, s11, s21, $0xb8;
	[tilespmem:$0x1EC00] =	vst v63  }
0x88: {  	_ =	swait.ge [sflag:s28], $0x4000  }
0x89: {  	[sflag:s28] =	ssyncset.done $0x0  }
0x8a: {  	[sflag:s28] =	ssyncadd.s32 $0xFFFFC000  }
0x8b: {  	_ =	swait.ge [sflag:s9], $0x80  }
0x8c: {  	[sflag:s9] =	ssyncset.done $0x0  }
0x8d: {  	[sflag:s9] =	ssyncadd.s32 $0xFFFFFF80  }
0x8e: {  	[spmem:s3] =	stream.indirect.scatter.add.f32 [tilespmem:s23], [sflag:$0x4], $0x80, s7, s21, $0xb8;
	[tilespmem:$0x1EC00] =	vst v63  }
0x8f: {  	_ =	swait.ge [sflag:s26], $0x4000  }
0x90: {  	[sflag:s26] =	ssyncset.done $0x0  }
0x91: {  	[sflag:s26] =	ssyncadd.s32 $0xFFFFC000  }
0x92: {  	s2 =	smov.u32 s10;
	s11 =	simm.s32 $0x2000;
	_ =	swait.ge [sflag:s30], $0x4000  }
0x93: {  	s7 =	simm.s32 $0x1000;
	s12 =	rddreg [dreg:$0xc];
	[sflag:s30] =	ssyncset.done $0x0  }
.LBB2_2:
0x94: {  	[sflag:s30] =	ssyncadd.s32 $0xFFFFC000;
	s2 =	sadd.s32 $0x80, s2  }
0x95: {  	s10 =	rddreg [dreg:$0xb];
	s15 =	simm.s32 $0x2800;
	s12 =	sadd.s32 s2, s12  }
0x96: {  	[tilespmem:s15], [sflag:$0x5] =	stream.linear.gather [hbm4b:s12+s4], $0x80, $0x38;
	[tilespmem:$0x1EC00] =	vst v63  }
0x97: {  	s14 =	rddreg [dreg:$0xa];
	s16 =	simm.s32 $0x2880;
	s10 =	sadd.s32 s2, s10  }
0x98: {  	[tilespmem:s16], [sflag:$0x6] =	stream.linear.gather [hbm4b:s10+s4], $0x80, $0x38;
	[tilespmem:$0x1EC00] =	vst v63  }
0x99: {  	s17 =	simm.s32 $0x2900;
	s18 =	sadd.s32 s2, s14;
	s12 =	rddreg [dreg:$0x9]  }
0x9a: {  	[tilespmem:s17], [sflag:$0x7] =	stream.linear.gather [hbm4b:s18+s4], $0x80, $0x38;
	[tilespmem:$0x1EC00] =	vst v63  }
0x9b: {  	s14 =	rddreg [dreg:$0x8];
	s10 =	sadd.s32 s2, s12;
	s18 =	simm.s32 $0x2980  }
0x9c: {  	[tilespmem:s18], [sflag:$0x8] =	stream.linear.gather [hbm4b:s10+s4], $0x80, $0x38;
	[tilespmem:$0x1EC00] =	vst v63  }
0x9d: {  	s12 =	rddreg [dreg:$0x7];
	s10 =	sadd.s32 s2, s14  }
0x9e: {  	[tilespmem:s19], [sflag:$0x9] =	stream.linear.gather [hbm4b:s10+s4], $0x80, $0x38;
	[tilespmem:$0x1EC00] =	vst v63  }
0x9f: {  	s14 =	rddreg [dreg:$0x6];
	s10 =	sadd.s32 s2, s12  }
0xa0: {  	[tilespmem:s20], [sflag:$0xA] =	stream.linear.gather [hbm4b:s10+s4], $0x80, $0x38;
	[tilespmem:$0x1EC00] =	vst v63  }
0xa1: {  	s12 =	rddreg [dreg:$0x5];
	s10 =	sadd.s32 s2, s14;
	s14 =	simm.s32 $0x2B00  }
0xa2: {  	[tilespmem:s14], [sflag:$0xB] =	stream.linear.gather [hbm4b:s10+s4], $0x80, $0x38;
	[tilespmem:$0x1EC00] =	vst v63  }
0xa3: {  	s12 =	sadd.s32 s2, s12  }
0xa4: {  	[tilespmem:s25], [sflag:$0xC] =	stream.linear.gather [hbm4b:s12+s4], $0x80, $0x38;
	[tilespmem:$0x1EC00] =	vst v63  }
0xa5: {  	s13 =	smov.u32 s11;
	s12 =	sshra.s32 s7, $0x2  }
0xa6: {  	[tilespmem:s22], [sflag:$0x1] =	stream.indirect.gather [hbm4b:s5+s21], $0x80, s12, s21, $0xb8;
	[tilespmem:$0x1EC00] =	vst v63  }
0xa7: {  	s7 =	smov.u32 s13;
	s13 =	sadd.s32 $0x80, s12  }
0xa8: {  	[tilespmem:s23], [sflag:$0x2] =	stream.indirect.gather [hbm4b:s5+s21], $0x80, s13, s21, $0xb8;
	[tilespmem:$0x1EC00] =	vst v63  }
0xa9: {  	_ =	swait.ge [sflag:s24], $0x4000  }
0xaa: {  	[sflag:s24] =	ssyncset.done $0x0  }
0xab: {  	s13 =	simm.s32 $0x5;
	[sflag:s24] =	ssyncadd.s32 $0xFFFFC000  }
0xac: {  	_ =	swait.ge [sflag:s13], $0x80  }
0xad: {  	[sflag:s13] =	ssyncset.done $0x0  }
0xae: {  	[sflag:s13] =	ssyncadd.s32 $0xFFFFFF80  }
0xaf: {  	[spmem:s3] =	stream.indirect.scatter.add.f32 [tilespmem:s22], [sflag:$0x3], $0x80, s15, s21, $0xb8;
	[tilespmem:$0x1EC00] =	vst v63  }
0xb0: {  	_ =	swait.ge [sflag:s26], $0x4000  }
0xb1: {  	[sflag:s26] =	ssyncset.done $0x0  }
0xb2: {  	s15 =	sadd.s32 $0x100, s12;
	[sflag:s26] =	ssyncadd.s32 $0xFFFFC000  }
0xb3: {  	[tilespmem:s22], [sflag:$0x1] =	stream.indirect.gather [hbm4b:s5+s21], $0x80, s15, s21, $0xb8;
	[tilespmem:$0x1EC00] =	vst v63  }
0xb4: {  	_ =	swait.ge [sflag:s28], $0x4000  }
0xb5: {  	[sflag:s28] =	ssyncset.done $0x0  }
0xb6: {  	[sflag:s28] =	ssyncadd.s32 $0xFFFFC000  }
0xb7: {  	_ =	swait.ge [sflag:s29], $0x80  }
0xb8: {  	[sflag:s29] =	ssyncset.done $0x0  }
0xb9: {  	[sflag:s29] =	ssyncadd.s32 $0xFFFFFF80  }
0xba: {  	[spmem:s3] =	stream.indirect.scatter.add.f32 [tilespmem:s23], [sflag:$0x4], $0x80, s16, s21, $0xb8;
	[tilespmem:$0x1EC00] =	vst v63  }
0xbb: {  	_ =	swait.ge [sflag:s30], $0x4000  }
0xbc: {  	[sflag:s30] =	ssyncset.done $0x0  }
0xbd: {  	s13 =	sadd.s32 $0x180, s12;
	[sflag:s30] =	ssyncadd.s32 $0xFFFFC000  }
0xbe: {  	[tilespmem:s23], [sflag:$0x2] =	stream.indirect.gather [hbm4b:s5+s21], $0x80, s13, s21, $0xb8;
	[tilespmem:$0x1EC00] =	vst v63  }
0xbf: {  	_ =	swait.ge [sflag:s24], $0x4000  }
0xc0: {  	[sflag:s24] =	ssyncset.done $0x0  }
0xc1: {  	[sflag:s24] =	ssyncadd.s32 $0xFFFFC000  }
0xc2: {  	_ =	swait.ge [sflag:s31], $0x80  }
0xc3: {  	[sflag:s31] =	ssyncset.done $0x0  }
0xc4: {  	[sflag:s31] =	ssyncadd.s32 $0xFFFFFF80  }
0xc5: {  	[spmem:s3] =	stream.indirect.scatter.add.f32 [tilespmem:s22], [sflag:$0x3], $0x80, s17, s21, $0xb8;
	[tilespmem:$0x1EC00] =	vst v63  }
0xc6: {  	_ =	swait.ge [sflag:s26], $0x4000  }
0xc7: {  	[sflag:s26] =	ssyncset.done $0x0  }
0xc8: {  	s15 =	sadd.s32 $0x200, s12;
	[sflag:s26] =	ssyncadd.s32 $0xFFFFC000  }
0xc9: {  	[tilespmem:s22], [sflag:$0x1] =	stream.indirect.gather [hbm4b:s5+s21], $0x80, s15, s21, $0xb8;
	[tilespmem:$0x1EC00] =	vst v63  }
0xca: {  	_ =	swait.ge [sflag:s28], $0x4000  }
0xcb: {  	[sflag:s28] =	ssyncset.done $0x0  }
0xcc: {  	[sflag:s28] =	ssyncadd.s32 $0xFFFFC000  }
0xcd: {  	_ =	swait.ge [sflag:s0], $0x80  }
0xce: {  	[sflag:s0] =	ssyncset.done $0x0  }
0xcf: {  	[sflag:s0] =	ssyncadd.s32 $0xFFFFFF80  }
0xd0: {  	[spmem:s3] =	stream.indirect.scatter.add.f32 [tilespmem:s23], [sflag:$0x4], $0x80, s18, s21, $0xb8;
	[tilespmem:$0x1EC00] =	vst v63  }
0xd1: {  	_ =	swait.ge [sflag:s30], $0x4000  }
0xd2: {  	[sflag:s30] =	ssyncset.done $0x0  }
0xd3: {  	s16 =	sadd.s32 $0x280, s12;
	[sflag:s30] =	ssyncadd.s32 $0xFFFFC000  }
0xd4: {  	[tilespmem:s23], [sflag:$0x2] =	stream.indirect.gather [hbm4b:s5+s21], $0x80, s16, s21, $0xb8;
	[tilespmem:$0x1EC00] =	vst v63  }
0xd5: {  	_ =	swait.ge [sflag:s24], $0x4000  }
0xd6: {  	[sflag:s24] =	ssyncset.done $0x0  }
0xd7: {  	[sflag:s24] =	ssyncadd.s32 $0xFFFFC000  }
0xd8: {  	_ =	swait.ge [sflag:s1], $0x80  }
0xd9: {  	[sflag:s1] =	ssyncset.done $0x0  }
0xda: {  	[sflag:s1] =	ssyncadd.s32 $0xFFFFFF80  }
0xdb: {  	[spmem:s3] =	stream.indirect.scatter.add.f32 [tilespmem:s22], [sflag:$0x3], $0x80, s19, s21, $0xb8;
	[tilespmem:$0x1EC00] =	vst v63  }
0xdc: {  	_ =	swait.ge [sflag:s26], $0x4000  }
0xdd: {  	[sflag:s26] =	ssyncset.done $0x0  }
0xde: {  	s17 =	sadd.s32 $0x300, s12;
	[sflag:s26] =	ssyncadd.s32 $0xFFFFC000  }
0xdf: {  	[tilespmem:s22], [sflag:$0x1] =	stream.indirect.gather [hbm4b:s5+s21], $0x80, s17, s21, $0xb8;
	[tilespmem:$0x1EC00] =	vst v63  }
0xe0: {  	_ =	swait.ge [sflag:s28], $0x4000  }
0xe1: {  	[sflag:s28] =	ssyncset.done $0x0  }
0xe2: {  	[sflag:s28] =	ssyncadd.s32 $0xFFFFC000  }
0xe3: {  	_ =	swait.ge [sflag:s6], $0x80  }
0xe4: {  	[sflag:s6] =	ssyncset.done $0x0  }
0xe5: {  	[sflag:s6] =	ssyncadd.s32 $0xFFFFFF80  }
0xe6: {  	[spmem:s3] =	stream.indirect.scatter.add.f32 [tilespmem:s23], [sflag:$0x4], $0x80, s20, s21, $0xb8;
	[tilespmem:$0x1EC00] =	vst v63  }
0xe7: {  	_ =	swait.ge [sflag:s30], $0x4000  }
0xe8: {  	[sflag:s30] =	ssyncset.done $0x0  }
0xe9: {  	s18 =	sadd.s32 $0x380, s12;
	[sflag:s30] =	ssyncadd.s32 $0xFFFFC000  }
0xea: {  	[tilespmem:s23], [sflag:$0x2] =	stream.indirect.gather [hbm4b:s5+s21], $0x80, s18, s21, $0xb8;
	[tilespmem:$0x1EC00] =	vst v63  }
0xeb: {  	_ =	swait.ge [sflag:s24], $0x4000  }
0xec: {  	[sflag:s24] =	ssyncset.done $0x0  }
0xed: {  	[sflag:s24] =	ssyncadd.s32 $0xFFFFC000  }
0xee: {  	_ =	swait.ge [sflag:s8], $0x80  }
0xef: {  	[sflag:s8] =	ssyncset.done $0x0  }
0xf0: {  	[sflag:s8] =	ssyncadd.s32 $0xFFFFFF80  }
0xf1: {  	[spmem:s3] =	stream.indirect.scatter.add.f32 [tilespmem:s22], [sflag:$0x3], $0x80, s14, s21, $0xb8;
	[tilespmem:$0x1EC00] =	vst v63  }
0xf2: {  	_ =	swait.ge [sflag:s28], $0x4000  }
0xf3: {  	[sflag:s28] =	ssyncset.done $0x0  }
0xf4: {  	[sflag:s28] =	ssyncadd.s32 $0xFFFFC000  }
0xf5: {  	_ =	swait.ge [sflag:s9], $0x80  }
0xf6: {  	[sflag:s9] =	ssyncset.done $0x0  }
0xf7: {  	p0 =	sne.s32 s11, $0x9000;
	[sflag:s9] =	ssyncadd.s32 $0xFFFFFF80  }
0xf8: {  	[spmem:s3] =	stream.indirect.scatter.add.f32 [tilespmem:s23], [sflag:$0x4], $0x80, s25, s21, $0xb8;
	[tilespmem:$0x1EC00] =	vst v63  }
.Ltmp0:
0xf9: {  	_ =	swait.ge [sflag:s26], $0x4000;
	(pc) =	sbr.rel @p0 .LBB2_2-.Ltmp0, $4  }
0xfa: {  	[sflag:s26] =	ssyncset.done $0x0  }
0xfb: {  	[sflag:s26] =	ssyncadd.s32 $0xFFFFC000  }
0xfc: {  	_ =	swait.ge [sflag:s30], $0x4000  }
0xfd: {  	s11 =	sadd.s32 $0x1000, s11;
	s12 =	rddreg [dreg:$0xc];
	[sflag:s30] =	ssyncset.done $0x0  }
0xfe: {  	s2 =	sadd.s32 $0x80, s2;
	s10 =	rddreg [dreg:$0xb]  }
0xff: {  	[sflag:s30] =	ssyncadd.s32 $0xFFFFC000;
	s11 =	sadd.s32 s2, s12;
	s12 =	simm.s32 $0x2800  }
0x100: {  	[tilespmem:s12], [sflag:$0x5] =	stream.linear.gather [hbm4b:s11+s4], $0x80, $0x38;
	[tilespmem:$0x1EC00] =	vst v63  }
0x101: {  	s14 =	rddreg [dreg:$0xa];
	s13 =	simm.s32 $0x2880;
	s10 =	sadd.s32 s2, s10  }
0x102: {  	[tilespmem:s13], [sflag:$0x6] =	stream.linear.gather [hbm4b:s10+s4], $0x80, $0x38;
	[tilespmem:$0x1EC00] =	vst v63  }
0x103: {  	s15 =	rddreg [dreg:$0x9];
	s11 =	sadd.s32 s2, s14;
	s14 =	simm.s32 $0x2900  }
0x104: {  	[tilespmem:s14], [sflag:$0x7] =	stream.linear.gather [hbm4b:s11+s4], $0x80, $0x38;
	[tilespmem:$0x1EC00] =	vst v63  }
0x105: {  	s16 =	rddreg [dreg:$0x8];
	s10 =	sadd.s32 s2, s15;
	s15 =	simm.s32 $0x2980  }
0x106: {  	[tilespmem:s15], [sflag:$0x8] =	stream.linear.gather [hbm4b:s10+s4], $0x80, $0x38;
	[tilespmem:$0x1EC00] =	vst v63  }
0x107: {  	s17 =	rddreg [dreg:$0x7];
	s11 =	sadd.s32 s2, s16;
	s16 =	simm.s32 $0x2A00  }
0x108: {  	[tilespmem:s16], [sflag:$0x9] =	stream.linear.gather [hbm4b:s11+s4], $0x80, $0x38;
	[tilespmem:$0x1EC00] =	vst v63  }
0x109: {  	s18 =	rddreg [dreg:$0x6];
	s10 =	sadd.s32 s2, s17;
	s17 =	simm.s32 $0x2A80  }
0x10a: {  	[tilespmem:s17], [sflag:$0xA] =	stream.linear.gather [hbm4b:s10+s4], $0x80, $0x38;
	[tilespmem:$0x1EC00] =	vst v63  }
0x10b: {  	s11 =	sadd.s32 s2, s18;
	s18 =	simm.s32 $0x2B00;
	s10 =	rddreg [dreg:$0x5]  }
0x10c: {  	[tilespmem:s18], [sflag:$0xB] =	stream.linear.gather [hbm4b:s11+s4], $0x80, $0x38;
	[tilespmem:$0x1EC00] =	vst v63  }
0x10d: {  	s2 =	sadd.s32 s2, s10;
	s10 =	simm.s32 $0x2B80  }
0x10e: {  	[tilespmem:s10], [sflag:$0xC] =	stream.linear.gather [hbm4b:s2+s4], $0x80, $0x38;
	[tilespmem:$0x1EC00] =	vst v63  }
0x10f: {  	s2 =	sshra.s32 s7, $0x2  }
0x110: {  	[tilespmem:s22], [sflag:$0x1] =	stream.indirect.gather [hbm4b:s5+s21], $0x80, s2, s21, $0xb8;
	[tilespmem:$0x1EC00] =	vst v63  }
0x111: {  	s7 =	sadd.s32 $0x80, s2  }
0x112: {  	[tilespmem:s23], [sflag:$0x2] =	stream.indirect.gather [hbm4b:s5+s21], $0x80, s7, s21, $0xb8;
	[tilespmem:$0x1EC00] =	vst v63  }
0x113: {  	_ =	swait.ge [sflag:s24], $0x4000  }
0x114: {  	[sflag:s24] =	ssyncset.done $0x0  }
0x115: {  	s11 =	simm.s32 $0x5;
	[sflag:s24] =	ssyncadd.s32 $0xFFFFC000  }
0x116: {  	_ =	swait.ge [sflag:s11], $0x80  }
0x117: {  	[sflag:s11] =	ssyncset.done $0x0  }
0x118: {  	[sflag:s11] =	ssyncadd.s32 $0xFFFFFF80  }
0x119: {  	[spmem:s3] =	stream.indirect.scatter.add.f32 [tilespmem:s22], [sflag:$0x3], $0x80, s12, s21, $0xb8;
	[tilespmem:$0x1EC00] =	vst v63  }
0x11a: {  	_ =	swait.ge [sflag:s26], $0x4000  }
0x11b: {  	[sflag:s26] =	ssyncset.done $0x0  }
0x11c: {  	s11 =	sadd.s32 $0x100, s2;
	[sflag:s26] =	ssyncadd.s32 $0xFFFFC000  }
0x11d: {  	[tilespmem:s22], [sflag:$0x1] =	stream.indirect.gather [hbm4b:s5+s21], $0x80, s11, s21, $0xb8;
	[tilespmem:$0x1EC00] =	vst v63  }
0x11e: {  	_ =	swait.ge [sflag:s28], $0x4000  }
0x11f: {  	[sflag:s28] =	ssyncset.done $0x0  }
0x120: {  	[sflag:s28] =	ssyncadd.s32 $0xFFFFC000  }
0x121: {  	_ =	swait.ge [sflag:s29], $0x80  }
0x122: {  	[sflag:s29] =	ssyncset.done $0x0  }
0x123: {  	[sflag:s29] =	ssyncadd.s32 $0xFFFFFF80  }
0x124: {  	[spmem:s3] =	stream.indirect.scatter.add.f32 [tilespmem:s23], [sflag:$0x4], $0x80, s13, s21, $0xb8;
	[tilespmem:$0x1EC00] =	vst v63  }
0x125: {  	_ =	swait.ge [sflag:s30], $0x4000  }
0x126: {  	[sflag:s30] =	ssyncset.done $0x0  }
0x127: {  	s12 =	sadd.s32 $0x180, s2;
	[sflag:s30] =	ssyncadd.s32 $0xFFFFC000  }
0x128: {  	[tilespmem:s23], [sflag:$0x2] =	stream.indirect.gather [hbm4b:s5+s21], $0x80, s12, s21, $0xb8;
	[tilespmem:$0x1EC00] =	vst v63  }
0x129: {  	_ =	swait.ge [sflag:s24], $0x4000  }
0x12a: {  	[sflag:s24] =	ssyncset.done $0x0  }
0x12b: {  	[sflag:s24] =	ssyncadd.s32 $0xFFFFC000  }
0x12c: {  	_ =	swait.ge [sflag:s31], $0x80  }
0x12d: {  	[sflag:s31] =	ssyncset.done $0x0  }
0x12e: {  	[sflag:s31] =	ssyncadd.s32 $0xFFFFFF80  }
0x12f: {  	[spmem:s3] =	stream.indirect.scatter.add.f32 [tilespmem:s22], [sflag:$0x3], $0x80, s14, s21, $0xb8;
	[tilespmem:$0x1EC00] =	vst v63  }
0x130: {  	_ =	swait.ge [sflag:s26], $0x4000  }
0x131: {  	[sflag:s26] =	ssyncset.done $0x0  }
0x132: {  	s13 =	sadd.s32 $0x200, s2;
	[sflag:s26] =	ssyncadd.s32 $0xFFFFC000  }
0x133: {  	[tilespmem:s22], [sflag:$0x1] =	stream.indirect.gather [hbm4b:s5+s21], $0x80, s13, s21, $0xb8;
	[tilespmem:$0x1EC00] =	vst v63  }
0x134: {  	_ =	swait.ge [sflag:s28], $0x4000  }
0x135: {  	[sflag:s28] =	ssyncset.done $0x0  }
0x136: {  	[sflag:s28] =	ssyncadd.s32 $0xFFFFC000  }
0x137: {  	_ =	swait.ge [sflag:s0], $0x80  }
0x138: {  	[sflag:s0] =	ssyncset.done $0x0  }
0x139: {  	[sflag:s0] =	ssyncadd.s32 $0xFFFFFF80  }
0x13a: {  	[spmem:s3] =	stream.indirect.scatter.add.f32 [tilespmem:s23], [sflag:$0x4], $0x80, s15, s21, $0xb8;
	[tilespmem:$0x1EC00] =	vst v63  }
0x13b: {  	_ =	swait.ge [sflag:s30], $0x4000  }
0x13c: {  	[sflag:s30] =	ssyncset.done $0x0  }
0x13d: {  	s14 =	sadd.s32 $0x280, s2;
	[sflag:s30] =	ssyncadd.s32 $0xFFFFC000  }
0x13e: {  	[tilespmem:s23], [sflag:$0x2] =	stream.indirect.gather [hbm4b:s5+s21], $0x80, s14, s21, $0xb8;
	[tilespmem:$0x1EC00] =	vst v63  }
0x13f: {  	_ =	swait.ge [sflag:s24], $0x4000  }
0x140: {  	[sflag:s24] =	ssyncset.done $0x0  }
0x141: {  	[sflag:s24] =	ssyncadd.s32 $0xFFFFC000  }
0x142: {  	_ =	swait.ge [sflag:s1], $0x80  }
0x143: {  	[sflag:s1] =	ssyncset.done $0x0  }
0x144: {  	[sflag:s1] =	ssyncadd.s32 $0xFFFFFF80  }
0x145: {  	[spmem:s3] =	stream.indirect.scatter.add.f32 [tilespmem:s22], [sflag:$0x3], $0x80, s16, s21, $0xb8;
	[tilespmem:$0x1EC00] =	vst v63  }
0x146: {  	_ =	swait.ge [sflag:s26], $0x4000  }
0x147: {  	[sflag:s26] =	ssyncset.done $0x0  }
0x148: {  	s15 =	sadd.s32 $0x300, s2;
	[sflag:s26] =	ssyncadd.s32 $0xFFFFC000  }
0x149: {  	[tilespmem:s22], [sflag:$0x1] =	stream.indirect.gather [hbm4b:s5+s21], $0x80, s15, s21, $0xb8;
	[tilespmem:$0x1EC00] =	vst v63  }
0x14a: {  	_ =	swait.ge [sflag:s28], $0x4000  }
0x14b: {  	[sflag:s28] =	ssyncset.done $0x0  }
0x14c: {  	[sflag:s28] =	ssyncadd.s32 $0xFFFFC000  }
0x14d: {  	_ =	swait.ge [sflag:s6], $0x80  }
0x14e: {  	[sflag:s6] =	ssyncset.done $0x0  }
0x14f: {  	[sflag:s6] =	ssyncadd.s32 $0xFFFFFF80  }
0x150: {  	[spmem:s3] =	stream.indirect.scatter.add.f32 [tilespmem:s23], [sflag:$0x4], $0x80, s17, s21, $0xb8;
	[tilespmem:$0x1EC00] =	vst v63  }
0x151: {  	_ =	swait.ge [sflag:s30], $0x4000  }
0x152: {  	[sflag:s30] =	ssyncset.done $0x0  }
0x153: {  	s2 =	sadd.s32 $0x380, s2;
	[sflag:s30] =	ssyncadd.s32 $0xFFFFC000  }
0x154: {  	[tilespmem:s23], [sflag:$0x2] =	stream.indirect.gather [hbm4b:s5+s21], $0x80, s2, s21, $0xb8;
	[tilespmem:$0x1EC00] =	vst v63  }
0x155: {  	_ =	swait.ge [sflag:s24], $0x4000  }
0x156: {  	[sflag:s24] =	ssyncset.done $0x0  }
0x157: {  	[sflag:s24] =	ssyncadd.s32 $0xFFFFC000  }
0x158: {  	_ =	swait.ge [sflag:s8], $0x80  }
0x159: {  	[sflag:s8] =	ssyncset.done $0x0  }
0x15a: {  	[sflag:s8] =	ssyncadd.s32 $0xFFFFFF80  }
0x15b: {  	[spmem:s3] =	stream.indirect.scatter.add.f32 [tilespmem:s22], [sflag:$0x3], $0x80, s18, s21, $0xb8;
	[tilespmem:$0x1EC00] =	vst v63  }
0x15c: {  	_ =	swait.ge [sflag:s28], $0x4000  }
0x15d: {  	[sflag:s28] =	ssyncset.done $0x0  }
0x15e: {  	[sflag:s28] =	ssyncadd.s32 $0xFFFFC000  }
0x15f: {  	_ =	swait.ge [sflag:s9], $0x80  }
0x160: {  	[sflag:s9] =	ssyncset.done $0x0  }
0x161: {  	[sflag:s9] =	ssyncadd.s32 $0xFFFFFF80  }
0x162: {  	[spmem:s3] =	stream.indirect.scatter.add.f32 [tilespmem:s23], [sflag:$0x4], $0x80, s10, s21, $0xb8;
	[tilespmem:$0x1EC00] =	vst v63  }
0x163: {  	_ =	swait.ge [sflag:s26], $0x4000  }
0x164: {  	[sflag:s26] =	ssyncset.done $0x0  }
0x165: {  	[sflag:s26] =	ssyncadd.s32 $0xFFFFC000  }
0x166: {  	_ =	swait.ge [sflag:s30], $0x4000  }
0x167: {  	[sflag:s30] =	ssyncset.done $0x0  }
0x168: {  	[sflag:s30] =	ssyncadd.s32 $0xFFFFC000  }
0x169: {  	[bflag:$0x0] =	sbarrier.arrive $0xFFFF  }
0x16a: {  	s10 =	rddreg [dreg:$0xe]  }
0x16b: {  	s16 =	rddreg [dreg:$0x10]  }
0x16c: {  	s11 =	simm.s32 $0xD;
	s7 =	rddreg [dreg:$0x12]  }
0x16d: {  	[hbm:s16], [sflag:s10] =	dma.local [spmem:s7], $0x2800  }
0x16e: {  	_ =	swait.ge [sflag:s11], $0x2800  }
0x16f: {  	s17 =	rddreg [dreg:$0x13]  }
0x170: {  	s18 =	rddreg [dreg:$0x11];
	s12 =	sadd.s32 $0x1, s17  }
0x171: {  	p0 =	sne.s32 s12, s18  }
.Ltmp1:
0x172: {  	_ = 	snop;
	(pc) =	sbr.rel @p0 .LBB2_1-.Ltmp1, $3  }
0x173: {  	_ =	sdelay $0x1  }
0x174: {  	[sflag:s11] =	ssyncset.done $0x0  }
0x175: {  	[sflag:s11] =	ssyncadd.s32 $0xFFFFD800  }
0x176: {  	_ =	sfence.sel $0x180000  }
0x177: {  	[bflag:$0x0] =	sbarrier.arrive $0xFFFF  }
0x178: {  	_ =	strace $0x9000004D  }
0x179: {  	s0 =	stileid.u32;
	[bflag:$0x2] =	sbarrier.arrive $0xFFFF  }
0x17a: {  	p0 =	sne.s32 s0, $0x0;
	s0 =	rddreg [dreg:$0x4]  }
0x17b: {  	s0 =	sadd.s32 @!p0 $0x100000, s0  }
0x17c: {  	[sflag:s0] =	ssyncadd.tile.s32 @!p0 $0x1;
	_ =	shalt  }
.Lfunc_end2:
_tile_overlayer_lowered:
.L_overlay_start_2:
0x17d: {  	(tag) =	ssettag $0x2  }
0x17e: {  	s0 =	rddreg [dreg:$0x0];
	s2 =	stileid.u32  }
0x17f: {  	s1 =	rddreg [dreg:$0x1];
	p0 =	sne.s32 s2, $0x0  }
0x180: {  	s3 =	rddreg [dreg:$0x2];
	[bflag:$0x3] =	sbarrier.arrive $0xFFFF;
	s2 =	simm.s32 @!p0 $0x1C0D  }
0x181: {  	[timem:s3], [sflag:s2] =	dma.local @!p0 [hbm:s0], s1  }
0x182: {  	s0 =	simm.s32 @!p0 $0xD  }
0x183: {  	_ =	swait.ge @!p0 [sflag:s0], s1  }
0x184: {  	s1 =	ssub.s32 @!p0 $0x0, s1;
	[sflag:s0] =	ssyncset.done @!p0 $0x0  }
0x185: {  	[sflag:s0] =	ssyncadd.s32 @!p0 s1  }
0x186: {  	[bflag:$0x3] =	sbarrier.arrive $0xFFFF  }
0x187: {  	_ =	shalt  }

// kernel: kernel.9.cloned.1.call-start
scs
__scs_entry_jumppad:
0x0: {  	(pc) =	sbr.rel $0x88, $3  }
0x1: {  	(tag) =	ssettag $0x0;
	lr =	simm.s32 $0x1  }
0x2: {  	[smem:$0x3F88] =	sst lr;
	_ =	strace $0xD0000000  }
0x3: {  	_ = 	snop  }
0x4: {  	_ = 	snop  }
0x5: {  	_ = 	snop  }
0x6: {  	_ = 	snop  }
0x7: {  	_ = 	snop  }
__scs_overlays_trampoline_lowered:
0x8: {  	[smem:$0x3F97] =	sst s0  }
0x9: {  	[smem:$0x3F98] =	sst s1  }
0xa: {  	[smem:$0x3F99] =	sst s2  }
0xb: {  	[smem:$0x3F9A] =	sst s3  }
0xc: {  	[smem:$0x3F9B] =	sst s4  }
0xd: {  	[smem:$0x3F9C] =	sst s5  }
0xe: {  	[smem:$0x3F9D] =	sst s6  }
0xf: {  	[smem:$0x3F9E] =	sst s7  }
0x10: {  	[smem:$0x3F9F] =	sst s8  }
0x11: {  	[smem:$0x3FA0] =	sst s9;
	s0 =	simm.s32 @!p0 $0x0  }
0x12: {  	s1 =	sld [smem:$0x3F86];
	s0 =	simm.s32 @p0 $0x1  }
0x13: {  	[smem:$0x3FA1] =	sst s0;
	s0 =	simm.s32 @!p1 $0x0  }
0x14: {  	s2 =	sld [smem:$0x3F85];
	s0 =	simm.s32 @p1 $0x1  }
0x15: {  	[smem:$0x3FA2] =	sst s0;
	s0 =	simm.s32 @!p2 $0x0  }
0x16: {  	s3 =	sld [smem:$0x3FDB];
	s0 =	simm.s32 @p2 $0x1  }
0x17: {  	s4 =	simm.s32 $0x1BF5;
	[smem:$0x3FA4] =	sst s0  }
0x18: {  	s0 =	sld [smem:$0x3F87];
	_ =	swait.ge [sflag:s4], $0x0  }
0x19: {  	s7 =	sld [smem:$0x3F88]  }
0x1a: {  	s8 =	sadd.s32 $0xFFFFE003, lr  }
0x1b: {  	s9 =	sadd.s32 $0xFFFFFEF7, lr;
	s5 =	simm.s32 $0xFFFFFFFF;
	p2 =	slt.u32 s8, $0xFFFFF086  }
0x1c: {  	p1 =	slt.u32 s9, $0xF7A;
	s5 =	simm.s32 @!p2 $0x0  }
0x1d: {  	s5 =	simm.s32 @p1 $0x1;
	p0 =	seq.s32 s7, s2  }
0x1e: {  	s7 =	smul.u32 @!p0 $0xF7A, s2;
	p2 =	seq.s32 @!p0 s5, $0x0  }
0x1f: {  	s9 =	smul.u32 $0xF7A, s1;
	s8 =	simm.s32 @!p0 $0x1BF5;
	p2 =	por !p2, p0  }
0x20: {  	[sflag:s8] =	ssyncset.s32 @!p0 $0xFFFFF086;
	s6 =	sadd.s32 @!p0 s3, s7;
	s7 =	simm.s32 @!p0 $0x108  }
0x21: {  	s3 =	sadd.s32 s3, s9;
	s6 =	sadd.s32 @!p0 $0x88, s6;
	s7 =	simm.s32 @p2 $0x1082  }
0x22: {  	[simem:s7], [sflag:s8] =	dma.local @!p0 [hbm:s6], $0xF7A  }
0x23: {  	s9 =	sor.u32 $0xD0000000, s2;
	s6 =	simm.s32 $0x108;
	_ =	swait.ge @!p0 [sflag:s8], $0x0  }
0x24: {  	s3 =	sadd.s32 $0x88, s3;
	s6 =	simm.s32 @!p1 $0x1082;
	[sflag:s4] =	ssyncset.s32 $0xFFFFF086  }
0x25: {  	[simem:s6], [sflag:s4] =	dma.local [hbm:s3], $0xF7A  }
0x26: {  	[smem:$0x3F88] =	sst s1;
	(tag) =	ssettag s2;
	_ =	strace s9  }
0x27: {  	s1 =	sld [smem:$0x3F98]  }
0x28: {  	s2 =	sld [smem:$0x3F99]  }
0x29: {  	s4 =	sld [smem:$0x3F9B]  }
0x2a: {  	p0 =	seq.s32 s5, $0x0;
	s5 =	sld [smem:$0x3F9C]  }
0x2b: {  	s6 =	sld [smem:$0x3F9D]  }
0x2c: {  	s7 =	sld [smem:$0x3F9E]  }
0x2d: {  	s3 =	simm.s32 $0x108;
	s8 =	sld [smem:$0x3F9F]  }
0x2e: {  	s3 =	simm.s32 @!p0 $0x1082;
	s9 =	sld [smem:$0x3FA0]  }
0x2f: {  	lr =	sadd.s32 s0, s3;
	s0 =	sld [smem:$0x3F97]  }
0x30: {  	s3 =	sld [smem:$0x3F9A]  }
0x31: {  	[smem:$0x3FA3] =	sst s10  }
0x32: {  	s10 =	sld [smem:$0x3FA1];
	_ =	sdelay $0x3  }
0x33: {  	p0 =	seq.s32 s10, $0x1;
	s10 =	sld [smem:$0x3FA3];
	_ =	sdelay $0x3  }
0x34: {  	[smem:$0x3FA3] =	sst s10  }
0x35: {  	s10 =	sld [smem:$0x3FA2];
	_ =	sdelay $0x3  }
0x36: {  	p1 =	seq.s32 s10, $0x1;
	s10 =	sld [smem:$0x3FA3];
	_ =	sdelay $0x3  }
0x37: {  	[smem:$0x3FA3] =	sst s10  }
0x38: {  	s10 =	sld [smem:$0x3FA4]  }
0x39: {  	_ = 	snop;
	(pc) =	sbr.ind lr, $3  }
0x3a: {  	_ = 	snop  }
0x3b: {  	_ = 	snop  }
0x3c: {  	p2 =	seq.s32 s10, $0x1;
	s10 =	sld [smem:$0x3FA3]  }
0x3d: {  	_ =	shalt  }
0x3e: {  	_ =	shalt  }
0x3f: {  	_ =	shalt  }
0x40: {  	_ =	shalt  }
0x41: {  	_ =	shalt  }
0x42: {  	_ =	shalt  }
0x43: {  	_ =	shalt  }
0x44: {  	_ =	shalt  }
0x45: {  	_ =	shalt  }
0x46: {  	_ =	shalt  }
0x47: {  	_ =	shalt  }
0x48: {  	_ =	shalt  }
0x49: {  	_ =	shalt  }
0x4a: {  	_ =	shalt  }
0x4b: {  	_ =	shalt  }
0x4c: {  	_ =	shalt  }
0x4d: {  	_ =	shalt  }
0x4e: {  	_ =	shalt  }
0x4f: {  	_ =	shalt  }
0x50: {  	_ =	shalt  }
0x51: {  	_ =	shalt  }
0x52: {  	_ =	shalt  }
0x53: {  	_ =	shalt  }
0x54: {  	_ =	shalt  }
0x55: {  	_ =	shalt  }
0x56: {  	_ =	shalt  }
0x57: {  	_ =	shalt  }
0x58: {  	_ =	shalt  }
0x59: {  	_ =	shalt  }
0x5a: {  	_ =	shalt  }
0x5b: {  	_ =	shalt  }
0x5c: {  	_ =	shalt  }
0x5d: {  	_ =	shalt  }
0x5e: {  	_ =	shalt  }
0x5f: {  	_ =	shalt  }
0x60: {  	_ =	shalt  }
0x61: {  	_ =	shalt  }
0x62: {  	_ =	shalt  }
0x63: {  	_ =	shalt  }
0x64: {  	_ =	shalt  }
0x65: {  	_ =	shalt  }
0x66: {  	_ =	shalt  }
0x67: {  	_ =	shalt  }
0x68: {  	_ =	shalt  }
0x69: {  	_ =	shalt  }
0x6a: {  	_ =	shalt  }
0x6b: {  	_ =	shalt  }
0x6c: {  	_ =	shalt  }
0x6d: {  	_ =	shalt  }
0x6e: {  	_ =	shalt  }
0x6f: {  	_ =	shalt  }
0x70: {  	_ =	shalt  }
0x71: {  	_ =	shalt  }
0x72: {  	_ =	shalt  }
0x73: {  	_ =	shalt  }
0x74: {  	_ =	shalt  }
0x75: {  	_ =	shalt  }
0x76: {  	_ =	shalt  }
0x77: {  	_ =	shalt  }
0x78: {  	_ =	shalt  }
0x79: {  	_ =	shalt  }
0x7a: {  	_ =	shalt  }
0x7b: {  	_ =	shalt  }
0x7c: {  	_ =	shalt  }
0x7d: {  	_ =	shalt  }
0x7e: {  	_ =	shalt  }
0x7f: {  	_ =	shalt  }
0x80: {  	_ =	shalt  }
0x81: {  	_ =	shalt  }
0x82: {  	_ =	shalt  }
0x83: {  	_ =	shalt  }
0x84: {  	_ =	shalt  }
0x85: {  	_ =	shalt  }
0x86: {  	_ =	shalt  }
0x87: {  	_ =	shalt  }
.Lfunc_end0:
.L_simem_size_0:
called_computation_lowered:
.L_overlay_start_0:
0x88: {  	s2 =	sld [smem:$0x3FD9]  }
0x89: {  	s3 =	sld [smem:$0x3FFE];
	_ =	sdelay $0x1  }
0x8a: {  	s1 =	srdreg.scid  }
0x8b: {  	s0 =	sand.u32 $0x1, s1  }
0x8c: {  	s14 =	sshll.u32 s0, $0xA;
	s2 =	sadd.s32 s3, s2  }
0x8d: {  	s2 =	sadd.s32 s2, s14  }
0x8e: {  	[smem:$0x3FAF] =	sst s2  }
0x8f: {  	_ = 	snop  }
0x90: {  	s2 =	sld [smem:$0x3FD0];
	_ =	sdelay $0x2  }
0x91: {  	s15 =	simm.s32 $0xA;
	s4 =	simm.s32 $0x10  }
0x92: {  	[smem:s4], [sflag:s15] =	dma.local [hbm:s2], $0x1  }
0x93: {  	_ =	swait.eq [sflag:s15], $0x1  }
0x94: {  	[sflag:s15] =	ssyncset.done $0x0  }
0x95: {  	s16 =	sld [smem:$0x11];
	[sflag:s15] =	ssyncadd.s32 $0xFFFFFFFF  }
0x96: {  	s17 =	sld [smem:$0x12];
	(tm) =	ssettm $0x1  }
0x97: {  	s18 =	sld [smem:$0x3FFB];
	_ =	sdelay $0x3  }
0x98: {  	_ =	strace s18  }
0x99: {  	s4 =	sld [smem:$0x3FFC];
	_ =	sdelay $0x3  }
0x9a: {  	_ =	strace s4  }
0x9b: {  	s4 =	sld [smem:$0x3FFD];
	_ =	sdelay $0x3  }
0x9c: {  	_ =	strace s4  }
0x9d: {  	_ =	strace $0x8FFFFFFF  }
0x9e: {  	s19 =	sld [smem:$0x3FDB];
	_ =	sdelay $0x1  }
0x9f: {  	s5 =	simm.s32 $_scs_section_size  }
0xa0: {  	s6 =	simm.s32 $_size__tile_overlayer_lowered;
	s7 =	simm.s32 $_tile_overlayer_lowered  }
0xa1: {  	s22 =	simm.s32 $0x1BFF;
	s21 =	sshll.u32 s7, $0x1;
	s4 =	sadd.s32 s5, s19  }
0xa2: {  	s8 =	simm.s32 $0x0;
	s20 =	sshll.u32 s6, $0x1;
	s6 =	sadd.s32 s21, s4  }
0xa3: {  	[timem:s8], [sflag:s22] =	dma.local [hbm:s6], s20  }
0xa4: {  	_ =	swait.ge [sflag:s22], s20  }
0xa5: {  	s5 =	ssub.s32 $0x0, s20;
	[sflag:s22] =	ssyncset.done $0x0  }
0xa6: {  	[sflag:s22] =	ssyncadd.s32 s5;
	_ =	sdelay $0x1  }
0xa7: {  	s23 =	simm.s32 $0x1B8B  }
0xa8: {  	_ =	swait.ge [sflag:s23], $0x1  }
0xa9: {  	[sflag:s23] =	ssyncset.done $0x0  }
0xaa: {  	s25 =	simm.s32 $0x1B8E;
	s24 =	sld [smem:$0x3FFE];
	[sflag:s23] =	ssyncadd.s32 $0xFFFFFFFF  }
0xab: {  	s26 =	simm.s32 $execute0_lowered;
	[smem:$0x3FD2] =	sst s25  }
0xac: {  	s6 =	sshll.u32 s26, $0x1;
	_ =	strace $0x80000046;
	[dreg:$0x1] =	wrdreg $0xFFFFFFFF  }
0xad: {  	s28 =	simm.s32 $_size_execute0_lowered;
	s4 =	sadd.s32 s4, s6;
	[dreg:$0x0] =	wrdreg $0x0  }
0xae: {  	s6 =	sshll.u32 s28, $0x1;
	[dreg:$0x2] =	wrdreg s4  }
0xaf: {  	[dreg:$0x3] =	wrdreg s6  }
0xb0: {  	[dreg:$0x4] =	wrdreg $0xC0  }
0xb1: {  	_ =	task [dreg:s8], $0x5FFFF  }
0xb2: {  	[dreg:$0x1] =	wrdreg $0xFFFFFFFF  }
0xb3: {  	[dreg:$0x0] =	wrdreg $0x60  }
0xb4: {  	[dreg:$0x2] =	wrdreg s24  }
0xb5: {  	[dreg:$0x3] =	wrdreg s17  }
0xb6: {  	[dreg:$0x4] =	wrdreg s16  }
0xb7: {  	[dreg:$0x5] =	wrdreg $0x95000  }
0xb8: {  	[dreg:$0x6] =	wrdreg $0x9  }
0xb9: {  	_ =	task.clear_ibuf [dreg:s8], $0x7FFFF;
	_ =	strace $0x90000046  }
0xba: {  	s29 =	simm.s32 $0x9;
	_ =	strace $0x80000048  }
0xbb: {  	_ =	swait.ge [sflag:s29], $0x1  }
0xbc: {  	[sflag:s29] =	ssyncadd.s32 $0xFFFFFFFF  }
0xbd: {  	_ =	strace $0x90000048  }
0xbe: {  	_ =	sfence  }
0xbf: {  	s30 =	sld [smem:$0x0];
	_ =	sdelay $0x2  }
0xc0: {  	s31 =	sshll.u32 s1, $0xD;
	s1 =	sshrl.u32 s1, $0x2  }
0xc1: {  	s3 =	sand.u32 $0x4000, s31;
	s1 =	sadd.s32 s1, s30  }
0xc2: {  	s0 =	sor.u32 s3, s0;
	s1 =	sshll.u32 s1, $0x11  }
0xc3: {  	s0 =	sor.u32 s1, s0  }
0xc4: {  	s0 =	sadd.s32 $0x8F2B, s0  }
0xc5: {  	[sflag:s0] =	ssyncadd.remote.s32 $0x1  }
0xc6: {  	_ =	sfence.sel $0xFFFF  }
0xc7: {  	[dreg:$0x0] =	wrdreg $0xFFFFFFFF;
	(pc) =	sbr.abs _section_cstart, $3  }
0xc8: {  	[dreg:$0x1] =	wrdreg $0xFFFFFFFF  }
0xc9: {  	_ =	task.clear_ibuf [dreg:s8], $0x2FFFF;
	_ =	strace $0x9FFFFFFF  }
0xca: {  	(tm) =	ssettm $0x7FFFFFFF  }
0xcb: {  	_ =	shalt  }
tec
execute0_lowered:
.L_overlay_start_1:
0x0: {  	(tag) =	ssettag $0x1  }
0x1: {  	s0 =	rddreg [dreg:$0x0]  }
0x2: {  	s1 =	rddreg [dreg:$0x1]  }
0x3: {  	s2 =	srdreg.scid;
	s12 =	stileid.u32  }
0x4: {  	s5 =	rddreg [dreg:$0x2];
	s3 =	simm.s32 $0x0;
	s28 =	simm.s32 $0xC  }
0x5: {  	s29 =	simm.s32 $0x2;
	s30 =	simm.s32 $0x6;
	s7 =	smul.u32 $0x16800, s12  }
0x6: {  	s6 =	sand.u32 $0x1, s2;
	s2 =	rddreg [dreg:$0x3];
	s9 =	smul.u32 $0x5000, s12  }
0x7: {  	s31 =	simm.s32 $0x4;
	[smem:$0x7FF] =	sst s3;
	s8 =	smul.u32 $0x168000, s6  }
0x8: {  	s4 =	sadd.s32 $0x5200, s0;
	s11 =	sadd.s32 $0x31200, s0;
	s10 =	smul.u32 $0x2800, s6  }
0x9: {  	_ =	strace $0x80000047;
	[dreg:$0xf] =	wrdreg s11;
	s6 =	ssub.s32 $0x2, s6  }
0xa: {  	s24 =	sshrl.u32 s6, $0x1;
	s8 =	sadd.s32 s7, s8;
	s9 =	sadd.s32 s10, s9  }
0xb: {  	s6 =	ssub.s32 s6, s24;
	s7 =	sadd.s32 s7, s2;
	s24 =	sshll.u32 s12, $0x6  }
0xc: {  	s8 =	sshrl.u32 s8, $0x3;
	s10 =	sor.u32 $0x200, s9;
	s26 =	sor.u32 $0x180, s9  }
0xd: {  	s14 =	sor.u32 $0x100, s9;
	s18 =	sor.u32 $0x80, s9;
	[dreg:$0x10] =	wrdreg s7  }
0xe: {  	s23 =	sshrl.u32 s9, $0x3;
	s9 =	sor.u32 $0x1C0F, s24;
	s10 =	sshrl.u32 s10, $0x3  }
0xf: {  	s11 =	sshrl.u32 s26, $0x3;
	s26 =	smax.u32 s6, $0x1;
	[dreg:$0x11] =	wrdreg s9  }
0x10: {  	s24 =	simm.s32 $0x1;
	s25 =	sadd.s32 s10, s1;
	[dreg:$0x13] =	wrdreg s26  }
0x11: {  	s0 =	sadd.s32 s8, s0;
	s10 =	sadd.s32 s10, s5;
	[dreg:$0x5] =	wrdreg s25  }
0x12: {  	s16 =	sshrl.u32 s14, $0x3;
	s13 =	sadd.s32 s11, s1;
	[dreg:$0x6] =	wrdreg s10  }
0x13: {  	s20 =	sshrl.u32 s18, $0x3;
	s15 =	sadd.s32 s11, s5;
	[dreg:$0x7] =	wrdreg s13  }
0x14: {  	s6 =	simm.s32 $0x8;
	s17 =	sadd.s32 s16, s1;
	[dreg:$0x8] =	wrdreg s15  }
0x15: {  	s8 =	simm.s32 $0x9;
	s19 =	sadd.s32 s16, s5;
	[dreg:$0x9] =	wrdreg s17  }
0x16: {  	s21 =	sadd.s32 s20, s1;
	s22 =	sadd.s32 s20, s5;
	[dreg:$0xa] =	wrdreg s19  }
0x17: {  	s1 =	sadd.s32 s23, s1;
	s0 =	sadd.s32 $0x34000, s0;
	[dreg:$0xb] =	wrdreg s21  }
0x18: {  	s26 =	simm.s32 $0x3;
	s11 =	simm.s32 $0x0;
	[dreg:$0xc] =	wrdreg s22  }
0x19: {  	s20 =	simm.s32 $0x180;
	[dreg:$0xd] =	wrdreg s1;
	s25 =	sadd.s32 s23, s5  }
0x1a: {  	[dreg:$0x12] =	wrdreg s0;
	s10 =	simm.s32 $0xF;
	s13 =	simm.s32 $0x80  }
0x1b: {  	s21 =	simm.s32 $0x500;
	s22 =	simm.s32 $0xB;
	s23 =	simm.s32 $0x4D00  }
0x1c: {  	s1 =	simm.s32 $0xD;
	s0 =	simm.s32 $0x7;
	s5 =	simm.s32 $0xE  }
0x1d: {  	s19 =	simm.s32 $0x400;
	[dreg:$0xe] =	wrdreg s25;
	s25 =	simm.s32 $0x5  }
.LBB2_1:
0x1e: {  	[dreg:$0x14] =	wrdreg s11  }
0x1f: {  	s7 =	rddreg [dreg:$0x10]  }
0x20: {  	s15 =	rddreg [dreg:$0xf];
	s14 =	sshrl.u32 s7, $0x3  }
0x21: {  	[dreg:$0x15] =	wrdreg s14  }
0x22: {  	[spmem:s14], [sflag:s9] =	dma.local [hbm:s15], $0x2D00  }
0x23: {  	_ =	swait.ge [sflag:s10], $0x2D00  }
0x24: {  	[sflag:s10] =	ssyncset.done $0x0  }
0x25: {  	[sflag:s10] =	ssyncadd.s32 $0xFFFFD300  }
0x26: {  	[bflag:$0x0] =	sbarrier.arrive $0xFFFF  }
0x27: {  	s16 =	rddreg [dreg:$0xe]  }
0x28: {  	s11 =	simm.s32 $0x280;
	s17 =	rddreg [dreg:$0xd];
	s7 =	sadd.s32 $0x0, s16  }
0x29: {  	[tilespmem:s11], [sflag:$0x5] =	stream.linear.gather [hbm4b:s7+s3], $0x80, $0x38;
	[tilespmem:$0x1FD00] =	vst v63  }
0x2a: {  	s18 =	rddreg [dreg:$0xc];
	s12 =	sadd.s32 $0x0, s17  }
0x2b: {  	[tilespmem:s3], [sflag:$0xA] =	stream.linear.gather [hbm4b:s12+s3], $0x80, $0x38;
	[tilespmem:$0x1FD00] =	vst v63  }
0x2c: {  	s14 =	rddreg [dreg:$0xb];
	s15 =	sadd.s32 $0x0, s18;
	s12 =	simm.s32 $0x300  }
0x2d: {  	[tilespmem:s12], [sflag:$0x6] =	stream.linear.gather [hbm4b:s15+s3], $0x80, $0x38;
	[tilespmem:$0x1FD00] =	vst v63  }
0x2e: {  	s16 =	rddreg [dreg:$0xa];
	s17 =	sadd.s32 $0x0, s14  }
0x2f: {  	[tilespmem:s13], [sflag:$0xB] =	stream.linear.gather [hbm4b:s17+s3], $0x80, $0x38;
	[tilespmem:$0x1FD00] =	vst v63  }
0x30: {  	s18 =	rddreg [dreg:$0x9];
	s14 =	simm.s32 $0x380;
	s15 =	sadd.s32 $0x0, s16  }
0x31: {  	[tilespmem:s14], [sflag:$0x7] =	stream.linear.gather [hbm4b:s15+s3], $0x80, $0x38;
	[tilespmem:$0x1FD00] =	vst v63  }
0x32: {  	s16 =	rddreg [dreg:$0x8];
	s17 =	sadd.s32 $0x0, s18;
	s15 =	simm.s32 $0x100  }
0x33: {  	[tilespmem:s15], [sflag:$0xC] =	stream.linear.gather [hbm4b:s17+s3], $0x80, $0x38;
	[tilespmem:$0x1FD00] =	vst v63  }
0x34: {  	s18 =	rddreg [dreg:$0x7];
	s17 =	sadd.s32 $0x0, s16;
	s16 =	simm.s32 $0x400  }
0x35: {  	[tilespmem:s16], [sflag:$0x8] =	stream.linear.gather [hbm4b:s17+s3], $0x80, $0x38;
	[tilespmem:$0x1FD00] =	vst v63  }
0x36: {  	s10 =	rddreg [dreg:$0x6];
	s18 =	sadd.s32 $0x0, s18;
	s17 =	simm.s32 $0x180  }
0x37: {  	[tilespmem:s17], [sflag:$0xD] =	stream.linear.gather [hbm4b:s18+s3], $0x80, $0x38;
	[tilespmem:$0x1FD00] =	vst v63  }
0x38: {  	s9 =	rddreg [dreg:$0x5];
	s18 =	sadd.s32 $0x0, s10;
	s10 =	simm.s32 $0x480  }
0x39: {  	[tilespmem:s10], [sflag:$0x9] =	stream.linear.gather [hbm4b:s18+s3], $0x80, $0x38;
	[tilespmem:$0x1FD00] =	vst v63  }
0x3a: {  	s18 =	sadd.s32 $0x0, s9;
	s9 =	simm.s32 $0x200  }
0x3b: {  	[tilespmem:s9], [sflag:$0xE] =	stream.linear.gather [hbm4b:s18+s3], $0x80, $0x38;
	[tilespmem:$0x1FD00] =	vst v63  }
0x3c: {  	s18 =	simm.s32 $0xA  }
0x3d: {  	_ =	swait.ge [sflag:s18], $0x80  }
0x3e: {  	[sflag:s18] =	ssyncset.done $0x0  }
0x3f: {  	[sflag:s18] =	ssyncadd.s32 $0xFFFFFF80  }
0x40: {  	[tilespmem:s21], [sflag:$0x1] =	stream.indirect.gather [hbm4b:s4+s13], $0x90, s3, s13, $0xb8;
	[tilespmem:$0x1FD00] =	vst v63  }
0x41: {  	_ =	swait.ge [sflag:s22], $0x80  }
0x42: {  	[sflag:s22] =	ssyncset.done $0x0  }
0x43: {  	[sflag:s22] =	ssyncadd.s32 $0xFFFFFF80  }
0x44: {  	[tilespmem:s23], [sflag:$0x2] =	stream.indirect.gather [hbm4b:s4+s13], $0x90, s13, s13, $0xb8;
	[tilespmem:$0x1FD00] =	vst v63  }
0x45: {  	_ =	swait.ge [sflag:s24], $0x4800  }
0x46: {  	[sflag:s24] =	ssyncset.done $0x0  }
0x47: {  	[sflag:s24] =	ssyncadd.s32 $0xFFFFB800  }
0x48: {  	_ =	swait.ge [sflag:s25], $0x80  }
0x49: {  	[sflag:s25] =	ssyncset.done $0x0  }
0x4a: {  	[sflag:s25] =	ssyncadd.s32 $0xFFFFFF80  }
0x4b: {  	[spmem:s2] =	stream.indirect.scatter.add.f32 [tilespmem:s21], [sflag:$0x3], $0x90, s11, s13, $0xb8;
	[tilespmem:$0x1FD00] =	vst v63  }
0x4c: {  	_ =	swait.ge [sflag:s26], $0x4800  }
0x4d: {  	[sflag:s26] =	ssyncset.done $0x0  }
0x4e: {  	[sflag:s26] =	ssyncadd.s32 $0xFFFFB800  }
0x4f: {  	_ =	swait.ge [sflag:s28], $0x80  }
0x50: {  	[sflag:s28] =	ssyncset.done $0x0  }
0x51: {  	[sflag:s28] =	ssyncadd.s32 $0xFFFFFF80  }
0x52: {  	[tilespmem:s21], [sflag:$0x1] =	stream.indirect.gather [hbm4b:s4+s13], $0x90, s15, s13, $0xb8;
	[tilespmem:$0x1FD00] =	vst v63  }
0x53: {  	_ =	swait.ge [sflag:s29], $0x4800  }
0x54: {  	[sflag:s29] =	ssyncset.done $0x0  }
0x55: {  	[sflag:s29] =	ssyncadd.s32 $0xFFFFB800  }
0x56: {  	_ =	swait.ge [sflag:s30], $0x80  }
0x57: {  	[sflag:s30] =	ssyncset.done $0x0  }
0x58: {  	[sflag:s30] =	ssyncadd.s32 $0xFFFFFF80  }
0x59: {  	[spmem:s2] =	stream.indirect.scatter.add.f32 [tilespmem:s23], [sflag:$0x4], $0x90, s12, s13, $0xb8;
	[tilespmem:$0x1FD00] =	vst v63  }
0x5a: {  	_ =	swait.ge [sflag:s31], $0x4800  }
0x5b: {  	[sflag:s31] =	ssyncset.done $0x0  }
0x5c: {  	[sflag:s31] =	ssyncadd.s32 $0xFFFFB800  }
0x5d: {  	_ =	swait.ge [sflag:s1], $0x80  }
0x5e: {  	[sflag:s1] =	ssyncset.done $0x0  }
0x5f: {  	[sflag:s1] =	ssyncadd.s32 $0xFFFFFF80  }
0x60: {  	[tilespmem:s23], [sflag:$0x2] =	stream.indirect.gather [hbm4b:s4+s13], $0x90, s17, s13, $0xb8;
	[tilespmem:$0x1FD00] =	vst v63  }
0x61: {  	_ =	swait.ge [sflag:s24], $0x4800  }
0x62: {  	[sflag:s24] =	ssyncset.done $0x0  }
0x63: {  	[sflag:s24] =	ssyncadd.s32 $0xFFFFB800  }
0x64: {  	_ =	swait.ge [sflag:s0], $0x80  }
0x65: {  	[sflag:s0] =	ssyncset.done $0x0  }
0x66: {  	[sflag:s0] =	ssyncadd.s32 $0xFFFFFF80  }
0x67: {  	[spmem:s2] =	stream.indirect.scatter.add.f32 [tilespmem:s21], [sflag:$0x3], $0x90, s14, s13, $0xb8;
	[tilespmem:$0x1FD00] =	vst v63  }
0x68: {  	_ =	swait.ge [sflag:s26], $0x4800  }
0x69: {  	[sflag:s26] =	ssyncset.done $0x0  }
0x6a: {  	[sflag:s26] =	ssyncadd.s32 $0xFFFFB800  }
0x6b: {  	_ =	swait.ge [sflag:s5], $0x80  }
0x6c: {  	[sflag:s5] =	ssyncset.done $0x0  }
0x6d: {  	[sflag:s5] =	ssyncadd.s32 $0xFFFFFF80  }
0x6e: {  	[tilespmem:s21], [sflag:$0x1] =	stream.indirect.gather [hbm4b:s4+s13], $0x90, s9, s13, $0xb8;
	[tilespmem:$0x1FD00] =	vst v63  }
0x6f: {  	_ =	swait.ge [sflag:s29], $0x4800  }
0x70: {  	[sflag:s29] =	ssyncset.done $0x0  }
0x71: {  	[sflag:s29] =	ssyncadd.s32 $0xFFFFB800  }
0x72: {  	_ =	swait.ge [sflag:s6], $0x80  }
0x73: {  	[sflag:s6] =	ssyncset.done $0x0  }
0x74: {  	[sflag:s6] =	ssyncadd.s32 $0xFFFFFF80  }
0x75: {  	[spmem:s2] =	stream.indirect.scatter.add.f32 [tilespmem:s23], [sflag:$0x4], $0x90, s16, s13, $0xb8;
	[tilespmem:$0x1FD00] =	vst v63  }
0x76: {  	_ =	swait.ge [sflag:s24], $0x4800  }
0x77: {  	[sflag:s24] =	ssyncset.done $0x0  }
0x78: {  	[sflag:s24] =	ssyncadd.s32 $0xFFFFB800  }
0x79: {  	_ =	swait.ge [sflag:s8], $0x80  }
0x7a: {  	[sflag:s8] =	ssyncset.done $0x0  }
0x7b: {  	[sflag:s8] =	ssyncadd.s32 $0xFFFFFF80  }
0x7c: {  	[spmem:s2] =	stream.indirect.scatter.add.f32 [tilespmem:s21], [sflag:$0x3], $0x90, s10, s13, $0xb8;
	[tilespmem:$0x1FD00] =	vst v63  }
0x7d: {  	_ =	swait.ge [sflag:s31], $0x4800  }
0x7e: {  	[sflag:s31] =	ssyncset.done $0x0  }
0x7f: {  	[sflag:s31] =	ssyncadd.s32 $0xFFFFB800  }
0x80: {  	s7 =	simm.s32 $0xA0;
	_ =	swait.ge [sflag:s26], $0x4800  }
0x81: {  	s10 =	simm.s32 $0x50;
	s9 =	rddreg [dreg:$0xe];
	[sflag:s26] =	ssyncset.done $0x0  }
.LBB2_2:
0x82: {  	[sflag:s26] =	ssyncadd.s32 $0xFFFFB800  }
0x83: {  	s12 =	rddreg [dreg:$0xd];
	s9 =	sadd.s32 s10, s9;
	s15 =	simm.s32 $0x280  }
0x84: {  	[tilespmem:s15], [sflag:$0x5] =	stream.linear.gather [hbm4b:s9+s3], $0x80, $0x38;
	[tilespmem:$0x1FD00] =	vst v63  }
0x85: {  	s14 =	rddreg [dreg:$0xc];
	s16 =	sadd.s32 s10, s12  }
0x86: {  	[tilespmem:s3], [sflag:$0xA] =	stream.linear.gather [hbm4b:s16+s3], $0x80, $0x38;
	[tilespmem:$0x1FD00] =	vst v63  }
0x87: {  	s12 =	rddreg [dreg:$0xb];
	s17 =	sadd.s32 s10, s14;
	s16 =	simm.s32 $0x300  }
0x88: {  	[tilespmem:s16], [sflag:$0x6] =	stream.linear.gather [hbm4b:s17+s3], $0x80, $0x38;
	[tilespmem:$0x1FD00] =	vst v63  }
0x89: {  	s18 =	rddreg [dreg:$0xa];
	s17 =	sadd.s32 s10, s12  }
0x8a: {  	[tilespmem:s13], [sflag:$0xB] =	stream.linear.gather [hbm4b:s17+s3], $0x80, $0x38;
	[tilespmem:$0x1FD00] =	vst v63  }
0x8b: {  	s18 =	sadd.s32 s10, s18;
	s12 =	rddreg [dreg:$0x9];
	s17 =	simm.s32 $0x380  }
0x8c: {  	[tilespmem:s17], [sflag:$0x7] =	stream.linear.gather [hbm4b:s18+s3], $0x80, $0x38;
	[tilespmem:$0x1FD00] =	vst v63  }
0x8d: {  	s14 =	rddreg [dreg:$0x8];
	s9 =	sadd.s32 s10, s12;
	s18 =	simm.s32 $0x100  }
0x8e: {  	[tilespmem:s18], [sflag:$0xC] =	stream.linear.gather [hbm4b:s9+s3], $0x80, $0x38;
	[tilespmem:$0x1FD00] =	vst v63  }
0x8f: {  	s12 =	rddreg [dreg:$0x7];
	s9 =	sadd.s32 s10, s14  }
0x90: {  	[tilespmem:s19], [sflag:$0x8] =	stream.linear.gather [hbm4b:s9+s3], $0x80, $0x38;
	[tilespmem:$0x1FD00] =	vst v63  }
0x91: {  	s11 =	smov.u32 s7;
	s14 =	rddreg [dreg:$0x6];
	s9 =	sadd.s32 s10, s12  }
0x92: {  	[tilespmem:s20], [sflag:$0xD] =	stream.linear.gather [hbm4b:s9+s3], $0x80, $0x38;
	[tilespmem:$0x1FD00] =	vst v63  }
0x93: {  	s12 =	rddreg [dreg:$0x5];
	s9 =	sadd.s32 s10, s14;
	s14 =	simm.s32 $0x480  }
0x94: {  	[tilespmem:s14], [sflag:$0x9] =	stream.linear.gather [hbm4b:s9+s3], $0x80, $0x38;
	[tilespmem:$0x1FD00] =	vst v63  }
0x95: {  	s12 =	sadd.s32 s10, s12;
	s10 =	smov.u32 s11;
	s11 =	simm.s32 $0x200  }
0x96: {  	[tilespmem:s11], [sflag:$0xE] =	stream.linear.gather [hbm4b:s12+s3], $0x80, $0x38;
	[tilespmem:$0x1FD00] =	vst v63  }
0x97: {  	s12 =	simm.s32 $0xA  }
0x98: {  	_ =	swait.ge [sflag:s12], $0x80  }
0x99: {  	[sflag:s12] =	ssyncset.done $0x0  }
0x9a: {  	[sflag:s12] =	ssyncadd.s32 $0xFFFFFF80  }
0x9b: {  	[tilespmem:s21], [sflag:$0x1] =	stream.indirect.gather [hbm4b:s4+s13], $0x90, s3, s13, $0xb8;
	[tilespmem:$0x1FD00] =	vst v63  }
0x9c: {  	_ =	swait.ge [sflag:s22], $0x80  }
0x9d: {  	[sflag:s22] =	ssyncset.done $0x0  }
0x9e: {  	[sflag:s22] =	ssyncadd.s32 $0xFFFFFF80  }
0x9f: {  	[tilespmem:s23], [sflag:$0x2] =	stream.indirect.gather [hbm4b:s4+s13], $0x90, s13, s13, $0xb8;
	[tilespmem:$0x1FD00] =	vst v63  }
0xa0: {  	_ =	swait.ge [sflag:s24], $0x4800  }
0xa1: {  	[sflag:s24] =	ssyncset.done $0x0  }
0xa2: {  	[sflag:s24] =	ssyncadd.s32 $0xFFFFB800  }
0xa3: {  	_ =	swait.ge [sflag:s25], $0x80  }
0xa4: {  	[sflag:s25] =	ssyncset.done $0x0  }
0xa5: {  	[sflag:s25] =	ssyncadd.s32 $0xFFFFFF80  }
0xa6: {  	[spmem:s2] =	stream.indirect.scatter.add.f32 [tilespmem:s21], [sflag:$0x3], $0x90, s15, s13, $0xb8;
	[tilespmem:$0x1FD00] =	vst v63  }
0xa7: {  	_ =	swait.ge [sflag:s26], $0x4800  }
0xa8: {  	[sflag:s26] =	ssyncset.done $0x0  }
0xa9: {  	[sflag:s26] =	ssyncadd.s32 $0xFFFFB800  }
0xaa: {  	_ =	swait.ge [sflag:s28], $0x80  }
0xab: {  	[sflag:s28] =	ssyncset.done $0x0  }
0xac: {  	[sflag:s28] =	ssyncadd.s32 $0xFFFFFF80  }
0xad: {  	[tilespmem:s21], [sflag:$0x1] =	stream.indirect.gather [hbm4b:s4+s13], $0x90, s18, s13, $0xb8;
	[tilespmem:$0x1FD00] =	vst v63  }
0xae: {  	_ =	swait.ge [sflag:s29], $0x4800  }
0xaf: {  	[sflag:s29] =	ssyncset.done $0x0  }
0xb0: {  	[sflag:s29] =	ssyncadd.s32 $0xFFFFB800  }
0xb1: {  	_ =	swait.ge [sflag:s30], $0x80  }
0xb2: {  	[sflag:s30] =	ssyncset.done $0x0  }
0xb3: {  	[sflag:s30] =	ssyncadd.s32 $0xFFFFFF80  }
0xb4: {  	[spmem:s2] =	stream.indirect.scatter.add.f32 [tilespmem:s23], [sflag:$0x4], $0x90, s16, s13, $0xb8;
	[tilespmem:$0x1FD00] =	vst v63  }
0xb5: {  	_ =	swait.ge [sflag:s31], $0x4800  }
0xb6: {  	[sflag:s31] =	ssyncset.done $0x0  }
0xb7: {  	[sflag:s31] =	ssyncadd.s32 $0xFFFFB800  }
0xb8: {  	_ =	swait.ge [sflag:s1], $0x80  }
0xb9: {  	[sflag:s1] =	ssyncset.done $0x0  }
0xba: {  	[sflag:s1] =	ssyncadd.s32 $0xFFFFFF80  }
0xbb: {  	[tilespmem:s23], [sflag:$0x2] =	stream.indirect.gather [hbm4b:s4+s13], $0x90, s20, s13, $0xb8;
	[tilespmem:$0x1FD00] =	vst v63  }
0xbc: {  	_ =	swait.ge [sflag:s24], $0x4800  }
0xbd: {  	[sflag:s24] =	ssyncset.done $0x0  }
0xbe: {  	[sflag:s24] =	ssyncadd.s32 $0xFFFFB800  }
0xbf: {  	_ =	swait.ge [sflag:s0], $0x80  }
0xc0: {  	[sflag:s0] =	ssyncset.done $0x0  }
0xc1: {  	[sflag:s0] =	ssyncadd.s32 $0xFFFFFF80  }
0xc2: {  	[spmem:s2] =	stream.indirect.scatter.add.f32 [tilespmem:s21], [sflag:$0x3], $0x90, s17, s13, $0xb8;
	[tilespmem:$0x1FD00] =	vst v63  }
0xc3: {  	_ =	swait.ge [sflag:s26], $0x4800  }
0xc4: {  	[sflag:s26] =	ssyncset.done $0x0  }
0xc5: {  	[sflag:s26] =	ssyncadd.s32 $0xFFFFB800  }
0xc6: {  	_ =	swait.ge [sflag:s5], $0x80  }
0xc7: {  	[sflag:s5] =	ssyncset.done $0x0  }
0xc8: {  	[sflag:s5] =	ssyncadd.s32 $0xFFFFFF80  }
0xc9: {  	[tilespmem:s21], [sflag:$0x1] =	stream.indirect.gather [hbm4b:s4+s13], $0x90, s11, s13, $0xb8;
	[tilespmem:$0x1FD00] =	vst v63  }
0xca: {  	_ =	swait.ge [sflag:s29], $0x4800  }
0xcb: {  	[sflag:s29] =	ssyncset.done $0x0  }
0xcc: {  	[sflag:s29] =	ssyncadd.s32 $0xFFFFB800  }
0xcd: {  	_ =	swait.ge [sflag:s6], $0x80  }
0xce: {  	[sflag:s6] =	ssyncset.done $0x0  }
0xcf: {  	[sflag:s6] =	ssyncadd.s32 $0xFFFFFF80  }
0xd0: {  	[spmem:s2] =	stream.indirect.scatter.add.f32 [tilespmem:s23], [sflag:$0x4], $0x90, s19, s13, $0xb8;
	[tilespmem:$0x1FD00] =	vst v63  }
0xd1: {  	_ =	swait.ge [sflag:s24], $0x4800  }
0xd2: {  	[sflag:s24] =	ssyncset.done $0x0  }
0xd3: {  	[sflag:s24] =	ssyncadd.s32 $0xFFFFB800  }
0xd4: {  	_ =	swait.ge [sflag:s8], $0x80  }
0xd5: {  	[sflag:s8] =	ssyncset.done $0x0  }
0xd6: {  	p0 =	sne.s32 s7, $0x4B0;
	[sflag:s8] =	ssyncadd.s32 $0xFFFFFF80  }
0xd7: {  	[spmem:s2] =	stream.indirect.scatter.add.f32 [tilespmem:s21], [sflag:$0x3], $0x90, s14, s13, $0xb8;
	[tilespmem:$0x1FD00] =	vst v63  }
.Ltmp0:
0xd8: {  	_ =	swait.ge [sflag:s31], $0x4800;
	(pc) =	sbr.rel @p0 .LBB2_2-.Ltmp0, $4  }
0xd9: {  	[sflag:s31] =	ssyncset.done $0x0  }
0xda: {  	[sflag:s31] =	ssyncadd.s32 $0xFFFFB800  }
0xdb: {  	_ =	swait.ge [sflag:s26], $0x4800  }
0xdc: {  	s7 =	sadd.s32 $0x50, s7;
	s9 =	rddreg [dreg:$0xe];
	[sflag:s26] =	ssyncset.done $0x0  }
0xdd: {  	s7 =	rddreg [dreg:$0xd]  }
0xde: {  	[sflag:s26] =	ssyncadd.s32 $0xFFFFB800;
	s9 =	sadd.s32 s10, s9;
	s11 =	simm.s32 $0x280  }
0xdf: {  	[tilespmem:s11], [sflag:$0x5] =	stream.linear.gather [hbm4b:s9+s3], $0x80, $0x38;
	[tilespmem:$0x1FD00] =	vst v63  }
0xe0: {  	s17 =	rddreg [dreg:$0xc];
	s7 =	sadd.s32 s10, s7  }
0xe1: {  	[tilespmem:s3], [sflag:$0xA] =	stream.linear.gather [hbm4b:s7+s3], $0x80, $0x38;
	[tilespmem:$0x1FD00] =	vst v63  }
0xe2: {  	s18 =	rddreg [dreg:$0xb];
	s12 =	simm.s32 $0x300;
	s9 =	sadd.s32 s10, s17  }
0xe3: {  	[tilespmem:s12], [sflag:$0x6] =	stream.linear.gather [hbm4b:s9+s3], $0x80, $0x38;
	[tilespmem:$0x1FD00] =	vst v63  }
0xe4: {  	s14 =	rddreg [dreg:$0xa];
	s7 =	sadd.s32 s10, s18  }
0xe5: {  	[tilespmem:s13], [sflag:$0xB] =	stream.linear.gather [hbm4b:s7+s3], $0x80, $0x38;
	[tilespmem:$0x1FD00] =	vst v63  }
0xe6: {  	s15 =	rddreg [dreg:$0x9];
	s9 =	sadd.s32 s10, s14;
	s14 =	simm.s32 $0x380  }
0xe7: {  	[tilespmem:s14], [sflag:$0x7] =	stream.linear.gather [hbm4b:s9+s3], $0x80, $0x38;
	[tilespmem:$0x1FD00] =	vst v63  }
0xe8: {  	s16 =	rddreg [dreg:$0x8];
	s7 =	sadd.s32 s10, s15;
	s15 =	simm.s32 $0x100  }
0xe9: {  	[tilespmem:s15], [sflag:$0xC] =	stream.linear.gather [hbm4b:s7+s3], $0x80, $0x38;
	[tilespmem:$0x1FD00] =	vst v63  }
0xea: {  	s17 =	rddreg [dreg:$0x7];
	s9 =	sadd.s32 s10, s16;
	s16 =	simm.s32 $0x400  }
0xeb: {  	[tilespmem:s16], [sflag:$0x8] =	stream.linear.gather [hbm4b:s9+s3], $0x80, $0x38;
	[tilespmem:$0x1FD00] =	vst v63  }
0xec: {  	s18 =	rddreg [dreg:$0x6];
	s7 =	sadd.s32 s10, s17;
	s17 =	simm.s32 $0x180  }
0xed: {  	[tilespmem:s17], [sflag:$0xD] =	stream.linear.gather [hbm4b:s7+s3], $0x80, $0x38;
	[tilespmem:$0x1FD00] =	vst v63  }
0xee: {  	s9 =	sadd.s32 s10, s18;
	s18 =	simm.s32 $0x480;
	s7 =	rddreg [dreg:$0x5]  }
0xef: {  	[tilespmem:s18], [sflag:$0x9] =	stream.linear.gather [hbm4b:s9+s3], $0x80, $0x38;
	[tilespmem:$0x1FD00] =	vst v63  }
0xf0: {  	s7 =	sadd.s32 s10, s7;
	s10 =	simm.s32 $0xA;
	s9 =	simm.s32 $0x200  }
0xf1: {  	[tilespmem:s9], [sflag:$0xE] =	stream.linear.gather [hbm4b:s7+s3], $0x80, $0x38;
	[tilespmem:$0x1FD00] =	vst v63  }
0xf2: {  	_ =	swait.ge [sflag:s10], $0x80  }
0xf3: {  	[sflag:s10] =	ssyncset.done $0x0  }
0xf4: {  	[sflag:s10] =	ssyncadd.s32 $0xFFFFFF80  }
0xf5: {  	[tilespmem:s21], [sflag:$0x1] =	stream.indirect.gather [hbm4b:s4+s13], $0x90, s3, s13, $0xb8;
	[tilespmem:$0x1FD00] =	vst v63  }
0xf6: {  	_ =	swait.ge [sflag:s22], $0x80  }
0xf7: {  	[sflag:s22] =	ssyncset.done $0x0  }
0xf8: {  	[sflag:s22] =	ssyncadd.s32 $0xFFFFFF80  }
0xf9: {  	[tilespmem:s23], [sflag:$0x2] =	stream.indirect.gather [hbm4b:s4+s13], $0x90, s13, s13, $0xb8;
	[tilespmem:$0x1FD00] =	vst v63  }
0xfa: {  	_ =	swait.ge [sflag:s24], $0x4800  }
0xfb: {  	[sflag:s24] =	ssyncset.done $0x0  }
0xfc: {  	[sflag:s24] =	ssyncadd.s32 $0xFFFFB800  }
0xfd: {  	_ =	swait.ge [sflag:s25], $0x80  }
0xfe: {  	[sflag:s25] =	ssyncset.done $0x0  }
0xff: {  	[sflag:s25] =	ssyncadd.s32 $0xFFFFFF80  }
0x100: {  	[spmem:s2] =	stream.indirect.scatter.add.f32 [tilespmem:s21], [sflag:$0x3], $0x90, s11, s13, $0xb8;
	[tilespmem:$0x1FD00] =	vst v63  }
0x101: {  	_ =	swait.ge [sflag:s26], $0x4800  }
0x102: {  	[sflag:s26] =	ssyncset.done $0x0  }
0x103: {  	[sflag:s26] =	ssyncadd.s32 $0xFFFFB800  }
0x104: {  	_ =	swait.ge [sflag:s28], $0x80  }
0x105: {  	[sflag:s28] =	ssyncset.done $0x0  }
0x106: {  	[sflag:s28] =	ssyncadd.s32 $0xFFFFFF80  }
0x107: {  	[tilespmem:s21], [sflag:$0x1] =	stream.indirect.gather [hbm4b:s4+s13], $0x90, s15, s13, $0xb8;
	[tilespmem:$0x1FD00] =	vst v63  }
0x108: {  	_ =	swait.ge [sflag:s29], $0x4800  }
0x109: {  	[sflag:s29] =	ssyncset.done $0x0  }
0x10a: {  	[sflag:s29] =	ssyncadd.s32 $0xFFFFB800  }
0x10b: {  	_ =	swait.ge [sflag:s30], $0x80  }
0x10c: {  	[sflag:s30] =	ssyncset.done $0x0  }
0x10d: {  	[sflag:s30] =	ssyncadd.s32 $0xFFFFFF80  }
0x10e: {  	[spmem:s2] =	stream.indirect.scatter.add.f32 [tilespmem:s23], [sflag:$0x4], $0x90, s12, s13, $0xb8;
	[tilespmem:$0x1FD00] =	vst v63  }
0x10f: {  	_ =	swait.ge [sflag:s31], $0x4800  }
0x110: {  	[sflag:s31] =	ssyncset.done $0x0  }
0x111: {  	[sflag:s31] =	ssyncadd.s32 $0xFFFFB800  }
0x112: {  	_ =	swait.ge [sflag:s1], $0x80  }
0x113: {  	[sflag:s1] =	ssyncset.done $0x0  }
0x114: {  	[sflag:s1] =	ssyncadd.s32 $0xFFFFFF80  }
0x115: {  	[tilespmem:s23], [sflag:$0x2] =	stream.indirect.gather [hbm4b:s4+s13], $0x90, s17, s13, $0xb8;
	[tilespmem:$0x1FD00] =	vst v63  }
0x116: {  	_ =	swait.ge [sflag:s24], $0x4800  }
0x117: {  	[sflag:s24] =	ssyncset.done $0x0  }
0x118: {  	[sflag:s24] =	ssyncadd.s32 $0xFFFFB800  }
0x119: {  	_ =	swait.ge [sflag:s0], $0x80  }
0x11a: {  	[sflag:s0] =	ssyncset.done $0x0  }
0x11b: {  	[sflag:s0] =	ssyncadd.s32 $0xFFFFFF80  }
0x11c: {  	[spmem:s2] =	stream.indirect.scatter.add.f32 [tilespmem:s21], [sflag:$0x3], $0x90, s14, s13, $0xb8;
	[tilespmem:$0x1FD00] =	vst v63  }
0x11d: {  	_ =	swait.ge [sflag:s26], $0x4800  }
0x11e: {  	[sflag:s26] =	ssyncset.done $0x0  }
0x11f: {  	[sflag:s26] =	ssyncadd.s32 $0xFFFFB800  }
0x120: {  	_ =	swait.ge [sflag:s5], $0x80  }
0x121: {  	[sflag:s5] =	ssyncset.done $0x0  }
0x122: {  	[sflag:s5] =	ssyncadd.s32 $0xFFFFFF80  }
0x123: {  	[tilespmem:s21], [sflag:$0x1] =	stream.indirect.gather [hbm4b:s4+s13], $0x90, s9, s13, $0xb8;
	[tilespmem:$0x1FD00] =	vst v63  }
0x124: {  	_ =	swait.ge [sflag:s29], $0x4800  }
0x125: {  	[sflag:s29] =	ssyncset.done $0x0  }
0x126: {  	[sflag:s29] =	ssyncadd.s32 $0xFFFFB800  }
0x127: {  	_ =	swait.ge [sflag:s6], $0x80  }
0x128: {  	[sflag:s6] =	ssyncset.done $0x0  }
0x129: {  	[sflag:s6] =	ssyncadd.s32 $0xFFFFFF80  }
0x12a: {  	[spmem:s2] =	stream.indirect.scatter.add.f32 [tilespmem:s23], [sflag:$0x4], $0x90, s16, s13, $0xb8;
	[tilespmem:$0x1FD00] =	vst v63  }
0x12b: {  	_ =	swait.ge [sflag:s24], $0x4800  }
0x12c: {  	[sflag:s24] =	ssyncset.done $0x0  }
0x12d: {  	[sflag:s24] =	ssyncadd.s32 $0xFFFFB800  }
0x12e: {  	_ =	swait.ge [sflag:s8], $0x80  }
0x12f: {  	[sflag:s8] =	ssyncset.done $0x0  }
0x130: {  	[sflag:s8] =	ssyncadd.s32 $0xFFFFFF80  }
0x131: {  	[spmem:s2] =	stream.indirect.scatter.add.f32 [tilespmem:s21], [sflag:$0x3], $0x90, s18, s13, $0xb8;
	[tilespmem:$0x1FD00] =	vst v63  }
0x132: {  	_ =	swait.ge [sflag:s31], $0x4800  }
0x133: {  	[sflag:s31] =	ssyncset.done $0x0  }
0x134: {  	[sflag:s31] =	ssyncadd.s32 $0xFFFFB800  }
0x135: {  	_ =	swait.ge [sflag:s26], $0x4800  }
0x136: {  	[sflag:s26] =	ssyncset.done $0x0  }
0x137: {  	[sflag:s26] =	ssyncadd.s32 $0xFFFFB800  }
0x138: {  	[bflag:$0x0] =	sbarrier.arrive $0xFFFF  }
0x139: {  	s9 =	rddreg [dreg:$0x11]  }
0x13a: {  	s15 =	rddreg [dreg:$0x12]  }
0x13b: {  	s10 =	simm.s32 $0xF;
	s16 =	rddreg [dreg:$0x15]  }
0x13c: {  	[hbm:s15], [sflag:s9] =	dma.local [spmem:s16], $0x2D00  }
0x13d: {  	_ =	swait.ge [sflag:s10], $0x2D00  }
0x13e: {  	s17 =	rddreg [dreg:$0x14]  }
0x13f: {  	s18 =	rddreg [dreg:$0x13];
	s11 =	sadd.s32 $0x1, s17  }
0x140: {  	p0 =	sne.s32 s11, s18  }
.Ltmp1:
0x141: {  	_ = 	snop;
	(pc) =	sbr.rel @p0 .LBB2_1-.Ltmp1, $3  }
0x142: {  	_ =	sdelay $0x1  }
0x143: {  	[sflag:s10] =	ssyncset.done $0x0  }
0x144: {  	[sflag:s10] =	ssyncadd.s32 $0xFFFFD300  }
0x145: {  	_ =	sfence.sel $0x180000  }
0x146: {  	[bflag:$0x0] =	sbarrier.arrive $0xFFFF  }
0x147: {  	_ =	strace $0x90000047  }
0x148: {  	s0 =	stileid.u32;
	[bflag:$0x2] =	sbarrier.arrive $0xFFFF  }
0x149: {  	p0 =	sne.s32 s0, $0x0;
	s0 =	rddreg [dreg:$0x4]  }
0x14a: {  	s0 =	sadd.s32 @!p0 $0x100000, s0  }
0x14b: {  	[sflag:s0] =	ssyncadd.tile.s32 @!p0 $0x1;
	_ =	shalt  }
.Lfunc_end2:
_tile_overlayer_lowered:
.L_overlay_start_2:
0x14c: {  	(tag) =	ssettag $0x2  }
0x14d: {  	s0 =	rddreg [dreg:$0x0];
	s2 =	stileid.u32  }
0x14e: {  	s1 =	rddreg [dreg:$0x1];
	p0 =	sne.s32 s2, $0x0  }
0x14f: {  	s3 =	rddreg [dreg:$0x2];
	[bflag:$0x3] =	sbarrier.arrive $0xFFFF;
	s2 =	simm.s32 @!p0 $0x1C0F  }
0x150: {  	[timem:s3], [sflag:s2] =	dma.local @!p0 [hbm:s0], s1  }
0x151: {  	s0 =	simm.s32 @!p0 $0xF  }
0x152: {  	_ =	swait.ge @!p0 [sflag:s0], s1  }
0x153: {  	s1 =	ssub.s32 @!p0 $0x0, s1;
	[sflag:s0] =	ssyncset.done @!p0 $0x0  }
0x154: {  	[sflag:s0] =	ssyncadd.s32 @!p0 s1  }
0x155: {  	[bflag:$0x3] =	sbarrier.arrive $0xFFFF  }
0x156: {  	_ =	shalt  }

</sc_bundles>
